<compile_context>
chip_gen: v7x
topology: tpu7x:2x2x1
jax: 0.10.2.dev20260603
libtpu: 0.0.44.dev20260713+nightly
codegen_flags: <defaults>
</compile_context>

<pallas_src>
import functools

import jax
import jax.numpy as jnp
from jax import lax
from jax.experimental import pallas as pl
from jax.experimental.pallas import tpu as pltpu
from jax.experimental.pallas import tpu_sc as plsc

_B = 2
_K = 1024
_C = 96
_H = 512
_W = 512
_P = _B * _H
_NC = 2
_NS = 16
_NW = _NC * _NS
_PPW = _P // _NW
_G = 128
_CPP = _W // _G
_NCHUNK = _PPW * _CPP
_SUP = 8
_TBL = _C * _K


def _build():
    mesh = plsc.VectorSubcoreMesh(core_axis_name="c", subcore_axis_name="s")

    @functools.partial(
        pl.kernel,
        mesh=mesh,
        compiler_params=pltpu.CompilerParams(
            use_tc_tiling_on_sc=True, needs_layout_passes=False
        ),
        out_type=jax.ShapeDtypeStruct((_P, _C, _W), jnp.float32),
        scratch_types=[
            pltpu.VMEM((_TBL,), jnp.float32),
            pltpu.VMEM((_SUP, _G), jnp.int32),
            pltpu.VMEM((2, _C, _G), jnp.float32),
            pltpu.SemaphoreType.DMA,
            pltpu.SemaphoreType.DMA,
        ],
    )
    def gather_kernel(idx_hbm, table_hbm, out_hbm, table_v, idx_v, plane_v, sem0, sem1):
        sems = (sem0, sem1)
        wid = lax.axis_index("s") * _NC + lax.axis_index("c")
        batch = wid // (_NW // _B)

        pltpu.sync_copy(table_hbm.at[pl.ds(batch * _TBL, _TBL)], table_v)

        def wb_wait(b):
            pltpu.make_async_copy(
                plane_v.at[b], out_hbm.at[0].at[:, pl.ds(0, _G)], sems[b]
            ).wait()

        def chunk(q, t, b):
            kbase = [idx_v[t, pl.ds(i * 16, 16)] for i in range(_G // 16)]

            def cc(cq, carry):
                vals = []
                for u in range(2):
                    c = cq * 2 + u
                    for i in range(_G // 16):
                        vals.append(
                            (c, i, plsc.load_gather(table_v, [kbase[i] + c * _K]))
                        )
                for c, i, v in vals:
                    plane_v[b, c, pl.ds(i * 16, 16)] = v
                return carry

            lax.fori_loop(0, _C // 2, cc, 0)

            p = (wid * _NCHUNK + q) // _CPP
            j = t % _CPP
            pltpu.async_copy(
                plane_v.at[b],
                out_hbm.at[p].at[:, pl.ds(j * _G, _G)],
                sems[b],
            )

        def sup(s, carry):
            pltpu.sync_copy(idx_hbm.at[pl.ds(wid * _NCHUNK + s * _SUP, _SUP)], idx_v)
            for t in range(_SUP):
                q = s * _SUP + t
                b = t % 2

                @pl.when(q >= 2)
                def _():
                    wb_wait(b)

                chunk(q, t, b)
            return carry

        lax.fori_loop(0, _NCHUNK // _SUP, sup, 0)
        wb_wait(0)
        wb_wait(1)

    return gather_kernel


_gather = jax.jit(_build())


def kernel(pooled_feature_map, superpixel_map):
    table = jnp.transpose(pooled_feature_map, (0, 2, 1)).reshape(_B * _TBL)
    idx = superpixel_map.reshape(_P * _CPP, _G)
    out = _gather(idx, table)
    return jnp.transpose(out.reshape(_B, _H, _C, _W), (0, 1, 3, 2))

# --- scband reference (transcript-rebuilt; emitter-appended) ---
"""Pipeline reference for scband-superpixel-unpooling-50663434223992 (READ-ONLY COPY).

The authoritative reference and input builder live on the scoring server;
editing this copy changes nothing except your own understanding.
"""

import jax, jax.numpy as jnp
import numpy as np


def setup_inputs(seed: int = 0) -> dict:
    key = jax.random.key(seed)
    k1, k2 = jax.random.split(key)
    pooled_feature_map = jax.random.normal(k1, (2, 1024, 96), dtype=jnp.float32)
    superpixel_map = jax.random.randint(k2, (2, 512, 512), 0, 1024, dtype=jnp.int32)
    return {"pooled_feature_map": pooled_feature_map, "superpixel_map": superpixel_map}


def reference(pooled_feature_map, superpixel_map):
    # Faithful translation of SuperpixelUnpooling.call:
    # 1) batched gather: update_feature[b, p, :] = pooled[b, sp_map_flat[b, p], :]
    # 2) scatter_nd with (batch, hw) identity indices into a flat map
    # 3) reshape to [B, H, W, C]
    sp = superpixel_map.astype(jnp.int32)
    B, H, W = sp.shape
    C = pooled_feature_map.shape[2]
    HW = H * W
    gather_idx = sp.reshape(B, HW, 1)
    update_feature = jnp.take_along_axis(pooled_feature_map, gather_idx, axis=1)  # [B, HW, C]
    update_flat = update_feature.reshape(B * HW, C)
    batch_index = jnp.repeat(jnp.arange(B, dtype=jnp.int32), HW)
    hw_index = jnp.tile(jnp.arange(HW, dtype=jnp.int32), B)
    unpooled_flat = jnp.zeros((B, HW, C), dtype=pooled_feature_map.dtype).at[batch_index, hw_index].set(update_flat)
    return unpooled_flat.reshape(B, H, W, C)

if __name__ == "__main__":
    import jax
    _d = setup_inputs()
    print(jax.jit(kernel)(*tuple(_d.values())))

</pallas_src>

<mosaic_0001>
#map = affine_map<(d0, d1) -> (0, 0)>
#map1 = affine_map<(d0, d1) -> (0)>
#map2 = affine_map<(d0, d1) -> (0, 0, 0)>
module attributes {stable_mosaic.version = 14 : i64} {
  func.func @gather_kernel(%arg0: i32, %arg1: i32, %arg2: memref<4096x128xi32, #tpu.memory_space<hbm>>, %arg3: memref<196608xf32, #tpu.memory_space<hbm>>, %arg4: memref<1024x96x512xf32, #tpu.memory_space<hbm>>, %arg5: memref<98304xf32, #tpu.memory_space<vmem>>, %arg6: memref<8x128xi32, #tpu.memory_space<vmem>>, %arg7: memref<2x96x128xf32, #tpu.memory_space<vmem>>, %arg8: memref<!tpu.dma_semaphore, #tpu.memory_space<semaphore_mem>>, %arg9: memref<!tpu.dma_semaphore, #tpu.memory_space<semaphore_mem>>) attributes {dimension_semantics = [#tpu.dimension_semantics<core_parallel>, #tpu.dimension_semantics<subcore_parallel>], iteration_bounds = array<i64: 2, 16>, scalar_prefetch = 0 : i64, scratch_operands = 5 : i64, tpu.core_type = #tpu.core_type<sc_vector_subcore>, window_params = [{transform_indices = #map}, {transform_indices = #map1}, {transform_indices = #map2}]} {
    %mul3A = arith.constant 2 : i32
    %mul3A_0 = arith.muli %arg1, %mul3A : i32
    %add3A = arith.addi %mul3A_0, %arg0 : i32
    %jit3A = arith.constant 16 : i32
    %div3A = arith.divsi %add3A, %jit3A : i32
    %sign3A = arith.constant 0 : i32
    %sign3A_1 = arith.cmpi sgt, %add3A, %sign3A : i32
    %sign3A_2 = arith.extui %sign3A_1 : i1 to i32
    %sign3A_3 = arith.constant 0 : i32
    %sign3A_4 = arith.cmpi slt, %add3A, %sign3A_3 : i32
    %sign3A_5 = arith.extui %sign3A_4 : i1 to i32
    %sign3A_6 = arith.subi %sign3A_2, %sign3A_5 : i32
    %sign3A_7 = arith.constant 0 : i32
    %sign3A_8 = arith.cmpi sgt, %jit3A, %sign3A_7 : i32
    %sign3A_9 = arith.extui %sign3A_8 : i1 to i32
    %sign3A_10 = arith.constant 0 : i32
    %sign3A_11 = arith.cmpi slt, %jit3A, %sign3A_10 : i32
    %sign3A_12 = arith.extui %sign3A_11 : i1 to i32
    %sign3A_13 = arith.subi %sign3A_9, %sign3A_12 : i32
    %ne3A = arith.cmpi ne, %sign3A_6, %sign3A_13 : i32
    %rem3A = arith.remsi %add3A, %jit3A : i32
    %ne3A_14 = arith.constant 0 : i32
    %ne3A_15 = arith.cmpi ne, %rem3A, %ne3A_14 : i32
    %and3A = arith.andi %ne3A, %ne3A_15 : i1
    %sub3A = arith.constant 1 : i32
    %sub3A_16 = arith.subi %div3A, %sub3A : i32
    %select_n3A = arith.select %and3A, %sub3A_16, %div3A : i32
    %mul3A_17 = arith.constant 98304 : i32
    %mul3A_18 = arith.muli %select_n3A, %mul3A_17 : i32
    "tpu.region"() ({
      %run_scoped3A = tpu.sem_alloc : memref<!tpu.dma_semaphore, #tpu.memory_space<semaphore_mem>>
      %dma_start3A = tpu.memref_slice %arg3[%mul3A_18] : memref<196608xf32, #tpu.memory_space<hbm>> -> memref<98304xf32, #tpu.memory_space<hbm>>
      %dma_start3A_71 = tpu.memref_slice %arg3[%mul3A_18] : memref<196608xf32, #tpu.memory_space<hbm>> -> memref<98304xf32, #tpu.memory_space<hbm>>
      tpu.enqueue_dma source(%dma_start3A_71 : memref<98304xf32, #tpu.memory_space<hbm>>) target(%arg5 : memref<98304xf32, #tpu.memory_space<vmem>>) target_semaphore(%run_scoped3A : memref<!tpu.dma_semaphore, #tpu.memory_space<semaphore_mem>>)
      %dma_wait3A_72 = tpu.memref_slice %arg3[%mul3A_18] : memref<196608xf32, #tpu.memory_space<hbm>> -> memref<98304xf32, #tpu.memory_space<hbm>>
      %dma_wait3A_73 = tpu.memref_slice %arg3[%mul3A_18] : memref<196608xf32, #tpu.memory_space<hbm>> -> memref<98304xf32, #tpu.memory_space<hbm>>
      tpu.wait_dma2 semaphore(%run_scoped3A : memref<!tpu.dma_semaphore, #tpu.memory_space<semaphore_mem>>) src(%dma_wait3A_73 : memref<98304xf32, #tpu.memory_space<hbm>>) dst(%arg5 : memref<98304xf32, #tpu.memory_space<vmem>>)
      tpu.yield
    }) : () -> ()
    %scan3A = arith.constant 0 : i32
    %scan3A_19 = arith.constant 0 : i32
    %scan3A_20 = arith.constant 16 : i32
    %scan3A_21 = arith.addi %scan3A_19, %scan3A_20 : i32
    %scan3A_22 = arith.constant 1 : i32
    scf.for %scan3A_71 = %scan3A_19 to %scan3A_21 step %scan3A_22  : i32 {
      %mul3A_72 = arith.constant 128 : i32
      %mul3A_73 = arith.muli %add3A, %mul3A_72 : i32
      %mul3A_74 = arith.constant 8 : i32
      %mul3A_75 = arith.muli %scan3A_71, %mul3A_74 : i32
      %add3A_76 = arith.addi %mul3A_73, %mul3A_75 : i32
      "tpu.region"() ({
        %run_scoped3A = tpu.sem_alloc : memref<!tpu.dma_semaphore, #tpu.memory_space<semaphore_mem>>
        %dma_start3A_848 = arith.constant 0 : i32
        %dma_start3A_849 = tpu.memref_slice %arg2[%add3A_76, %dma_start3A_848] : memref<4096x128xi32, #tpu.memory_space<hbm>> -> memref<8x128xi32, #tpu.memory_space<hbm>>
        %dma_start3A_850 = arith.constant 0 : i32
        %dma_start3A_851 = tpu.memref_slice %arg2[%add3A_76, %dma_start3A_850] : memref<4096x128xi32, #tpu.memory_space<hbm>> -> memref<8x128xi32, #tpu.memory_space<hbm>>
        tpu.enqueue_dma source(%dma_start3A_851 : memref<8x128xi32, #tpu.memory_space<hbm>>) target(%arg6 : memref<8x128xi32, #tpu.memory_space<vmem>>) target_semaphore(%run_scoped3A : memref<!tpu.dma_semaphore, #tpu.memory_space<semaphore_mem>>)
        %dma_wait3A_852 = arith.constant 0 : i32
        %dma_wait3A_853 = tpu.memref_slice %arg2[%add3A_76, %dma_wait3A_852] : memref<4096x128xi32, #tpu.memory_space<hbm>> -> memref<8x128xi32, #tpu.memory_space<hbm>>
        %dma_wait3A_854 = arith.constant 0 : i32
        %dma_wait3A_855 = tpu.memref_slice %arg2[%add3A_76, %dma_wait3A_854] : memref<4096x128xi32, #tpu.memory_space<hbm>> -> memref<8x128xi32, #tpu.memory_space<hbm>>
        tpu.wait_dma2 semaphore(%run_scoped3A : memref<!tpu.dma_semaphore, #tpu.memory_space<semaphore_mem>>) src(%dma_wait3A_855 : memref<8x128xi32, #tpu.memory_space<hbm>>) dst(%arg6 : memref<8x128xi32, #tpu.memory_space<vmem>>)
        tpu.yield
      }) : () -> ()
      %mul3A_77 = arith.constant 8 : i32
      %mul3A_78 = arith.muli %scan3A_71, %mul3A_77 : i32
      %add3A_79 = arith.constant 0 : i32
      %add3A_80 = arith.addi %mul3A_78, %add3A_79 : i32
      %ge3A = arith.constant 2 : i32
      %ge3A_81 = arith.cmpi sge, %add3A_80, %ge3A : i32
      %convert_element_type3A = arith.extui %ge3A_81 : i1 to i32
      %cond3A = arith.constant 0 : i32
      %cond3A_82 = arith.cmpi ne, %convert_element_type3A, %cond3A : i32
      scf.if %cond3A_82 {
        %dma_wait3A_848 = arith.constant 0 : i32
        %dma_wait3A_849 = arith.constant 0 : i32
        %dma_wait3A_850 = arith.constant 0 : i32
        %dma_wait3A_851 = arith.constant 0 : i32
        %dma_wait3A_852 = tpu.memref_slice %arg7[%dma_wait3A_848, %dma_wait3A_850, %dma_wait3A_851] : memref<2x96x128xf32, #tpu.memory_space<vmem>> -> memref<1x96x128xf32, #tpu.memory_space<vmem>>
        %dma_wait3A_853 = tpu.memref_squeeze %dma_wait3A_852 : memref<1x96x128xf32, #tpu.memory_space<vmem>> -> memref<96x128xf32, #tpu.memory_space<vmem>>
        %dma_wait3A_854 = arith.constant 0 : i32
        %dma_wait3A_855 = arith.constant 0 : i32
        %dma_wait3A_856 = tpu.memref_slice %arg4[%dma_wait3A_849, %dma_wait3A_854, %dma_wait3A_855] : memref<1024x96x512xf32, #tpu.memory_space<hbm>> -> memref<1x96x512xf32, #tpu.memory_space<hbm>>
        %dma_wait3A_857 = tpu.memref_squeeze %dma_wait3A_856 : memref<1x96x512xf32, #tpu.memory_space<hbm>> -> memref<96x512xf32, #tpu.memory_space<hbm>>
        %dma_wait3A_858 = arith.constant 0 : i32
        %dma_wait3A_859 = arith.constant 0 : i32
        %dma_wait3A_860 = tpu.memref_slice %dma_wait3A_857[%dma_wait3A_858, %dma_wait3A_859] : memref<96x512xf32, #tpu.memory_space<hbm>> -> memref<96x128xf32, #tpu.memory_space<hbm>>
        %dma_wait3A_861 = arith.constant 0 : i32
        %dma_wait3A_862 = arith.constant 0 : i32
        %dma_wait3A_863 = tpu.memref_slice %arg4[%dma_wait3A_849, %dma_wait3A_861, %dma_wait3A_862] : memref<1024x96x512xf32, #tpu.memory_space<hbm>> -> memref<1x96x512xf32, #tpu.memory_space<hbm>>
        %dma_wait3A_864 = tpu.memref_squeeze %dma_wait3A_863 : memref<1x96x512xf32, #tpu.memory_space<hbm>> -> memref<96x512xf32, #tpu.memory_space<hbm>>
        %dma_wait3A_865 = arith.constant 0 : i32
        %dma_wait3A_866 = arith.constant 0 : i32
        %dma_wait3A_867 = tpu.memref_slice %dma_wait3A_864[%dma_wait3A_865, %dma_wait3A_866] : memref<96x512xf32, #tpu.memory_space<hbm>> -> memref<96x128xf32, #tpu.memory_space<hbm>>
        %dma_wait3A_868 = arith.constant 0 : i32
        %dma_wait3A_869 = arith.constant 0 : i32
        %dma_wait3A_870 = tpu.memref_slice %arg7[%dma_wait3A_848, %dma_wait3A_868, %dma_wait3A_869] : memref<2x96x128xf32, #tpu.memory_space<vmem>> -> memref<1x96x128xf32, #tpu.memory_space<vmem>>
        %dma_wait3A_871 = tpu.memref_squeeze %dma_wait3A_870 : memref<1x96x128xf32, #tpu.memory_space<vmem>> -> memref<96x128xf32, #tpu.memory_space<vmem>>
        tpu.wait_dma2 semaphore(%arg8 : memref<!tpu.dma_semaphore, #tpu.memory_space<semaphore_mem>>) src(%dma_wait3A_871 : memref<96x128xf32, #tpu.memory_space<vmem>>) dst(%dma_wait3A_867 : memref<96x128xf32, #tpu.memory_space<hbm>>)
      } else {
      }
      %get3A = arith.constant 0 : i32
      %get3A_83 = arith.index_cast %get3A : i32 to index
      %get3A_84 = arith.constant 0 : index
      %get3A_85 = tpu.vector_load %arg6[%get3A_83, %get3A_84] {strides = array<i32>} : memref<8x128xi32, #tpu.memory_space<vmem>>, vector<16xi32>,
      %get3A_86 = arith.constant 0 : i32
      %get3A_87 = arith.index_cast %get3A_86 : i32 to index
      %get3A_88 = arith.constant 16 : index
      %get3A_89 = tpu.vector_load %arg6[%get3A_87, %get3A_88] {strides = array<i32>} : memref<8x128xi32, #tpu.memory_space<vmem>>, vector<16xi32>,
      %get3A_90 = arith.constant 0 : i32
      %get3A_91 = arith.index_cast %get3A_90 : i32 to index
      %get3A_92 = arith.constant 32 : index
      %get3A_93 = tpu.vector_load %arg6[%get3A_91, %get3A_92] {strides = array<i32>} : memref<8x128xi32, #tpu.memory_space<vmem>>, vector<16xi32>,
      %get3A_94 = arith.constant 0 : i32
      %get3A_95 = arith.index_cast %get3A_94 : i32 to index
      %get3A_96 = arith.constant 48 : index
      %get3A_97 = tpu.vector_load %arg6[%get3A_95, %get3A_96] {strides = array<i32>} : memref<8x128xi32, #tpu.memory_space<vmem>>, vector<16xi32>,
      %get3A_98 = arith.constant 0 : i32
      %get3A_99 = arith.index_cast %get3A_98 : i32 to index
      %get3A_100 = arith.constant 64 : index
      %get3A_101 = tpu.vector_load %arg6[%get3A_99, %get3A_100] {strides = array<i32>} : memref<8x128xi32, #tpu.memory_space<vmem>>, vector<16xi32>,
      %get3A_102 = arith.constant 0 : i32
      %get3A_103 = arith.index_cast %get3A_102 : i32 to index
      %get3A_104 = arith.constant 80 : index
      %get3A_105 = tpu.vector_load %arg6[%get3A_103, %get3A_104] {strides = array<i32>} : memref<8x128xi32, #tpu.memory_space<vmem>>, vector<16xi32>,
      %get3A_106 = arith.constant 0 : i32
      %get3A_107 = arith.index_cast %get3A_106 : i32 to index
      %get3A_108 = arith.constant 96 : index
      %get3A_109 = tpu.vector_load %arg6[%get3A_107, %get3A_108] {strides = array<i32>} : memref<8x128xi32, #tpu.memory_space<vmem>>, vector<16xi32>,
      %get3A_110 = arith.constant 0 : i32
      %get3A_111 = arith.index_cast %get3A_110 : i32 to index
      %get3A_112 = arith.constant 112 : index
      %get3A_113 = tpu.vector_load %arg6[%get3A_111, %get3A_112] {strides = array<i32>} : memref<8x128xi32, #tpu.memory_space<vmem>>, vector<16xi32>,
      %scan3A_114 = arith.constant 0 : i32
      %scan3A_115 = arith.constant 0 : i32
      %scan3A_116 = arith.constant 48 : i32
      %scan3A_117 = arith.addi %scan3A_115, %scan3A_116 : i32
      %scan3A_118 = arith.constant 1 : i32
      scf.for %scan3A_848 = %scan3A_115 to %scan3A_117 step %scan3A_118  : i32 {
        %mul3A_849 = arith.constant 2 : i32
        %mul3A_850 = arith.muli %scan3A_848, %mul3A_849 : i32
        %add3A_851 = arith.constant 0 : i32
        %add3A_852 = arith.addi %mul3A_850, %add3A_851 : i32
        %mul3A_853 = arith.constant 1024 : i32
        %mul3A_854 = arith.muli %add3A_852, %mul3A_853 : i32
        %add3A_855 = vector.broadcast %mul3A_854 : i32 to vector<16xi32>
        %add3A_856 = arith.addi %get3A_85, %add3A_855 : vector<16xi32>
        %gather3A = tpu.vector_load_idx %arg5[%add3A_856] : memref<98304xf32, #tpu.memory_space<vmem>>[vector<16xi32>], vector<16xf32>,
        %mul3A_857 = arith.constant 1024 : i32
        %mul3A_858 = arith.muli %add3A_852, %mul3A_857 : i32
        %add3A_859 = vector.broadcast %mul3A_858 : i32 to vector<16xi32>
        %add3A_860 = arith.addi %get3A_89, %add3A_859 : vector<16xi32>
        %gather3A_861 = tpu.vector_load_idx %arg5[%add3A_860] : memref<98304xf32, #tpu.memory_space<vmem>>[vector<16xi32>], vector<16xf32>,
        %mul3A_862 = arith.constant 1024 : i32
        %mul3A_863 = arith.muli %add3A_852, %mul3A_862 : i32
        %add3A_864 = vector.broadcast %mul3A_863 : i32 to vector<16xi32>
        %add3A_865 = arith.addi %get3A_93, %add3A_864 : vector<16xi32>
        %gather3A_866 = tpu.vector_load_idx %arg5[%add3A_865] : memref<98304xf32, #tpu.memory_space<vmem>>[vector<16xi32>], vector<16xf32>,
        %mul3A_867 = arith.constant 1024 : i32
        %mul3A_868 = arith.muli %add3A_852, %mul3A_867 : i32
        %add3A_869 = vector.broadcast %mul3A_868 : i32 to vector<16xi32>
        %add3A_870 = arith.addi %get3A_97, %add3A_869 : vector<16xi32>
        %gather3A_871 = tpu.vector_load_idx %arg5[%add3A_870] : memref<98304xf32, #tpu.memory_space<vmem>>[vector<16xi32>], vector<16xf32>,
        %mul3A_872 = arith.constant 1024 : i32
        %mul3A_873 = arith.muli %add3A_852, %mul3A_872 : i32
        %add3A_874 = vector.broadcast %mul3A_873 : i32 to vector<16xi32>
        %add3A_875 = arith.addi %get3A_101, %add3A_874 : vector<16xi32>
        %gather3A_876 = tpu.vector_load_idx %arg5[%add3A_875] : memref<98304xf32, #tpu.memory_space<vmem>>[vector<16xi32>], vector<16xf32>,
        %mul3A_877 = arith.constant 1024 : i32
        %mul3A_878 = arith.muli %add3A_852, %mul3A_877 : i32
        %add3A_879 = vector.broadcast %mul3A_878 : i32 to vector<16xi32>
        %add3A_880 = arith.addi %get3A_105, %add3A_879 : vector<16xi32>
        %gather3A_881 = tpu.vector_load_idx %arg5[%add3A_880] : memref<98304xf32, #tpu.memory_space<vmem>>[vector<16xi32>], vector<16xf32>,
        %mul3A_882 = arith.constant 1024 : i32
        %mul3A_883 = arith.muli %add3A_852, %mul3A_882 : i32
        %add3A_884 = vector.broadcast %mul3A_883 : i32 to vector<16xi32>
        %add3A_885 = arith.addi %get3A_109, %add3A_884 : vector<16xi32>
        %gather3A_886 = tpu.vector_load_idx %arg5[%add3A_885] : memref<98304xf32, #tpu.memory_space<vmem>>[vector<16xi32>], vector<16xf32>,
        %mul3A_887 = arith.constant 1024 : i32
        %mul3A_888 = arith.muli %add3A_852, %mul3A_887 : i32
        %add3A_889 = vector.broadcast %mul3A_888 : i32 to vector<16xi32>
        %add3A_890 = arith.addi %get3A_113, %add3A_889 : vector<16xi32>
        %gather3A_891 = tpu.vector_load_idx %arg5[%add3A_890] : memref<98304xf32, #tpu.memory_space<vmem>>[vector<16xi32>], vector<16xf32>,
        %mul3A_892 = arith.constant 2 : i32
        %mul3A_893 = arith.muli %scan3A_848, %mul3A_892 : i32
        %add3A_894 = arith.constant 1 : i32
        %add3A_895 = arith.addi %mul3A_893, %add3A_894 : i32
        %mul3A_896 = arith.constant 1024 : i32
        %mul3A_897 = arith.muli %add3A_895, %mul3A_896 : i32
        %add3A_898 = vector.broadcast %mul3A_897 : i32 to vector<16xi32>
        %add3A_899 = arith.addi %get3A_85, %add3A_898 : vector<16xi32>
        %gather3A_900 = tpu.vector_load_idx %arg5[%add3A_899] : memref<98304xf32, #tpu.memory_space<vmem>>[vector<16xi32>], vector<16xf32>,
        %mul3A_901 = arith.constant 1024 : i32
        %mul3A_902 = arith.muli %add3A_895, %mul3A_901 : i32
        %add3A_903 = vector.broadcast %mul3A_902 : i32 to vector<16xi32>
        %add3A_904 = arith.addi %get3A_89, %add3A_903 : vector<16xi32>
        %gather3A_905 = tpu.vector_load_idx %arg5[%add3A_904] : memref<98304xf32, #tpu.memory_space<vmem>>[vector<16xi32>], vector<16xf32>,
        %mul3A_906 = arith.constant 1024 : i32
        %mul3A_907 = arith.muli %add3A_895, %mul3A_906 : i32
        %add3A_908 = vector.broadcast %mul3A_907 : i32 to vector<16xi32>
        %add3A_909 = arith.addi %get3A_93, %add3A_908 : vector<16xi32>
        %gather3A_910 = tpu.vector_load_idx %arg5[%add3A_909] : memref<98304xf32, #tpu.memory_space<vmem>>[vector<16xi32>], vector<16xf32>,
        %mul3A_911 = arith.constant 1024 : i32
        %mul3A_912 = arith.muli %add3A_895, %mul3A_911 : i32
        %add3A_913 = vector.broadcast %mul3A_912 : i32 to vector<16xi32>
        %add3A_914 = arith.addi %get3A_97, %add3A_913 : vector<16xi32>
        %gather3A_915 = tpu.vector_load_idx %arg5[%add3A_914] : memref<98304xf32, #tpu.memory_space<vmem>>[vector<16xi32>], vector<16xf32>,
        %mul3A_916 = arith.constant 1024 : i32
        %mul3A_917 = arith.muli %add3A_895, %mul3A_916 : i32
        %add3A_918 = vector.broadcast %mul3A_917 : i32 to vector<16xi32>
        %add3A_919 = arith.addi %get3A_101, %add3A_918 : vector<16xi32>
        %gather3A_920 = tpu.vector_load_idx %arg5[%add3A_919] : memref<98304xf32, #tpu.memory_space<vmem>>[vector<16xi32>], vector<16xf32>,
        %mul3A_921 = arith.constant 1024 : i32
        %mul3A_922 = arith.muli %add3A_895, %mul3A_921 : i32
        %add3A_923 = vector.broadcast %mul3A_922 : i32 to vector<16xi32>
        %add3A_924 = arith.addi %get3A_105, %add3A_923 : vector<16xi32>
        %gather3A_925 = tpu.vector_load_idx %arg5[%add3A_924] : memref<98304xf32, #tpu.memory_space<vmem>>[vector<16xi32>], vector<16xf32>,
        %mul3A_926 = arith.constant 1024 : i32
        %mul3A_927 = arith.muli %add3A_895, %mul3A_926 : i32
        %add3A_928 = vector.broadcast %mul3A_927 : i32 to vector<16xi32>
        %add3A_929 = arith.addi %get3A_109, %add3A_928 : vector<16xi32>
        %gather3A_930 = tpu.vector_load_idx %arg5[%add3A_929] : memref<98304xf32, #tpu.memory_space<vmem>>[vector<16xi32>], vector<16xf32>,
        %mul3A_931 = arith.constant 1024 : i32
        %mul3A_932 = arith.muli %add3A_895, %mul3A_931 : i32
        %add3A_933 = vector.broadcast %mul3A_932 : i32 to vector<16xi32>
        %add3A_934 = arith.addi %get3A_113, %add3A_933 : vector<16xi32>
        %gather3A_935 = tpu.vector_load_idx %arg5[%add3A_934] : memref<98304xf32, #tpu.memory_space<vmem>>[vector<16xi32>], vector<16xf32>,
        %swap3A = arith.constant 0 : i32
        %swap3A_936 = arith.index_cast %swap3A : i32 to index
        %swap3A_937 = arith.index_cast %add3A_852 : i32 to index
        %swap3A_938 = arith.constant 0 : index
        %swap3A_939 = tpu.vector_load %arg7[%swap3A_936, %swap3A_937, %swap3A_938] {strides = array<i32>} : memref<2x96x128xf32, #tpu.memory_space<vmem>>, vector<16xf32>,
        tpu.vector_store %arg7[%swap3A_936, %swap3A_937, %swap3A_938], %gather3A {strides = array<i32>} : memref<2x96x128xf32, #tpu.memory_space<vmem>>, vector<16xf32>,
        %swap3A_940 = arith.constant 0 : i32
        %swap3A_941 = arith.index_cast %swap3A_940 : i32 to index
        %swap3A_942 = arith.index_cast %add3A_852 : i32 to index
        %swap3A_943 = arith.constant 16 : index
        %swap3A_944 = tpu.vector_load %arg7[%swap3A_941, %swap3A_942, %swap3A_943] {strides = array<i32>} : memref<2x96x128xf32, #tpu.memory_space<vmem>>, vector<16xf32>,
        tpu.vector_store %arg7[%swap3A_941, %swap3A_942, %swap3A_943], %gather3A_861 {strides = array<i32>} : memref<2x96x128xf32, #tpu.memory_space<vmem>>, vector<16xf32>,
        %swap3A_945 = arith.constant 0 : i32
        %swap3A_946 = arith.index_cast %swap3A_945 : i32 to index
        %swap3A_947 = arith.index_cast %add3A_852 : i32 to index
        %swap3A_948 = arith.constant 32 : index
        %swap3A_949 = tpu.vector_load %arg7[%swap3A_946, %swap3A_947, %swap3A_948] {strides = array<i32>} : memref<2x96x128xf32, #tpu.memory_space<vmem>>, vector<16xf32>,
        tpu.vector_store %arg7[%swap3A_946, %swap3A_947, %swap3A_948], %gather3A_866 {strides = array<i32>} : memref<2x96x128xf32, #tpu.memory_space<vmem>>, vector<16xf32>,
        %swap3A_950 = arith.constant 0 : i32
        %swap3A_951 = arith.index_cast %swap3A_950 : i32 to index
        %swap3A_952 = arith.index_cast %add3A_852 : i32 to index
        %swap3A_953 = arith.constant 48 : index
        %swap3A_954 = tpu.vector_load %arg7[%swap3A_951, %swap3A_952, %swap3A_953] {strides = array<i32>} : memref<2x96x128xf32, #tpu.memory_space<vmem>>, vector<16xf32>,
        tpu.vector_store %arg7[%swap3A_951, %swap3A_952, %swap3A_953], %gather3A_871 {strides = array<i32>} : memref<2x96x128xf32, #tpu.memory_space<vmem>>, vector<16xf32>,
        %swap3A_955 = arith.constant 0 : i32
        %swap3A_956 = arith.index_cast %swap3A_955 : i32 to index
        %swap3A_957 = arith.index_cast %add3A_852 : i32 to index
        %swap3A_958 = arith.constant 64 : index
        %swap3A_959 = tpu.vector_load %arg7[%swap3A_956, %swap3A_957, %swap3A_958] {strides = array<i32>} : memref<2x96x128xf32, #tpu.memory_space<vmem>>, vector<16xf32>,
        tpu.vector_store %arg7[%swap3A_956, %swap3A_957, %swap3A_958], %gather3A_876 {strides = array<i32>} : memref<2x96x128xf32, #tpu.memory_space<vmem>>, vector<16xf32>,
        %swap3A_960 = arith.constant 0 : i32
        %swap3A_961 = arith.index_cast %swap3A_960 : i32 to index
        %swap3A_962 = arith.index_cast %add3A_852 : i32 to index
        %swap3A_963 = arith.constant 80 : index
        %swap3A_964 = tpu.vector_load %arg7[%swap3A_961, %swap3A_962, %swap3A_963] {strides = array<i32>} : memref<2x96x128xf32, #tpu.memory_space<vmem>>, vector<16xf32>,
        tpu.vector_store %arg7[%swap3A_961, %swap3A_962, %swap3A_963], %gather3A_881 {strides = array<i32>} : memref<2x96x128xf32, #tpu.memory_space<vmem>>, vector<16xf32>,
        %swap3A_965 = arith.constant 0 : i32
        %swap3A_966 = arith.index_cast %swap3A_965 : i32 to index
        %swap3A_967 = arith.index_cast %add3A_852 : i32 to index
        %swap3A_968 = arith.constant 96 : index
        %swap3A_969 = tpu.vector_load %arg7[%swap3A_966, %swap3A_967, %swap3A_968] {strides = array<i32>} : memref<2x96x128xf32, #tpu.memory_space<vmem>>, vector<16xf32>,
        tpu.vector_store %arg7[%swap3A_966, %swap3A_967, %swap3A_968], %gather3A_886 {strides = array<i32>} : memref<2x96x128xf32, #tpu.memory_space<vmem>>, vector<16xf32>,
        %swap3A_970 = arith.constant 0 : i32
        %swap3A_971 = arith.index_cast %swap3A_970 : i32 to index
        %swap3A_972 = arith.index_cast %add3A_852 : i32 to index
        %swap3A_973 = arith.constant 112 : index
        %swap3A_974 = tpu.vector_load %arg7[%swap3A_971, %swap3A_972, %swap3A_973] {strides = array<i32>} : memref<2x96x128xf32, #tpu.memory_space<vmem>>, vector<16xf32>,
        tpu.vector_store %arg7[%swap3A_971, %swap3A_972, %swap3A_973], %gather3A_891 {strides = array<i32>} : memref<2x96x128xf32, #tpu.memory_space<vmem>>, vector<16xf32>,
        %swap3A_975 = arith.constant 0 : i32
        %swap3A_976 = arith.index_cast %swap3A_975 : i32 to index
        %swap3A_977 = arith.index_cast %add3A_895 : i32 to index
        %swap3A_978 = arith.constant 0 : index
        %swap3A_979 = tpu.vector_load %arg7[%swap3A_976, %swap3A_977, %swap3A_978] {strides = array<i32>} : memref<2x96x128xf32, #tpu.memory_space<vmem>>, vector<16xf32>,
        tpu.vector_store %arg7[%swap3A_976, %swap3A_977, %swap3A_978], %gather3A_900 {strides = array<i32>} : memref<2x96x128xf32, #tpu.memory_space<vmem>>, vector<16xf32>,
        %swap3A_980 = arith.constant 0 : i32
        %swap3A_981 = arith.index_cast %swap3A_980 : i32 to index
        %swap3A_982 = arith.index_cast %add3A_895 : i32 to index
        %swap3A_983 = arith.constant 16 : index
        %swap3A_984 = tpu.vector_load %arg7[%swap3A_981, %swap3A_982, %swap3A_983] {strides = array<i32>} : memref<2x96x128xf32, #tpu.memory_space<vmem>>, vector<16xf32>,
        tpu.vector_store %arg7[%swap3A_981, %swap3A_982, %swap3A_983], %gather3A_905 {strides = array<i32>} : memref<2x96x128xf32, #tpu.memory_space<vmem>>, vector<16xf32>,
        %swap3A_985 = arith.constant 0 : i32
        %swap3A_986 = arith.index_cast %swap3A_985 : i32 to index
        %swap3A_987 = arith.index_cast %add3A_895 : i32 to index
        %swap3A_988 = arith.constant 32 : index
        %swap3A_989 = tpu.vector_load %arg7[%swap3A_986, %swap3A_987, %swap3A_988] {strides = array<i32>} : memref<2x96x128xf32, #tpu.memory_space<vmem>>, vector<16xf32>,
        tpu.vector_store %arg7[%swap3A_986, %swap3A_987, %swap3A_988], %gather3A_910 {strides = array<i32>} : memref<2x96x128xf32, #tpu.memory_space<vmem>>, vector<16xf32>,
        %swap3A_990 = arith.constant 0 : i32
        %swap3A_991 = arith.index_cast %swap3A_990 : i32 to index
        %swap3A_992 = arith.index_cast %add3A_895 : i32 to index
        %swap3A_993 = arith.constant 48 : index
        %swap3A_994 = tpu.vector_load %arg7[%swap3A_991, %swap3A_992, %swap3A_993] {strides = array<i32>} : memref<2x96x128xf32, #tpu.memory_space<vmem>>, vector<16xf32>,
        tpu.vector_store %arg7[%swap3A_991, %swap3A_992, %swap3A_993], %gather3A_915 {strides = array<i32>} : memref<2x96x128xf32, #tpu.memory_space<vmem>>, vector<16xf32>,
        %swap3A_995 = arith.constant 0 : i32
        %swap3A_996 = arith.index_cast %swap3A_995 : i32 to index
        %swap3A_997 = arith.index_cast %add3A_895 : i32 to index
        %swap3A_998 = arith.constant 64 : index
        %swap3A_999 = tpu.vector_load %arg7[%swap3A_996, %swap3A_997, %swap3A_998] {strides = array<i32>} : memref<2x96x128xf32, #tpu.memory_space<vmem>>, vector<16xf32>,
        tpu.vector_store %arg7[%swap3A_996, %swap3A_997, %swap3A_998], %gather3A_920 {strides = array<i32>} : memref<2x96x128xf32, #tpu.memory_space<vmem>>, vector<16xf32>,
        %swap3A_1000 = arith.constant 0 : i32
        %swap3A_1001 = arith.index_cast %swap3A_1000 : i32 to index
        %swap3A_1002 = arith.index_cast %add3A_895 : i32 to index
        %swap3A_1003 = arith.constant 80 : index
        %swap3A_1004 = tpu.vector_load %arg7[%swap3A_1001, %swap3A_1002, %swap3A_1003] {strides = array<i32>} : memref<2x96x128xf32, #tpu.memory_space<vmem>>, vector<16xf32>,
        tpu.vector_store %arg7[%swap3A_1001, %swap3A_1002, %swap3A_1003], %gather3A_925 {strides = array<i32>} : memref<2x96x128xf32, #tpu.memory_space<vmem>>, vector<16xf32>,
        %swap3A_1005 = arith.constant 0 : i32
        %swap3A_1006 = arith.index_cast %swap3A_1005 : i32 to index
        %swap3A_1007 = arith.index_cast %add3A_895 : i32 to index
        %swap3A_1008 = arith.constant 96 : index
        %swap3A_1009 = tpu.vector_load %arg7[%swap3A_1006, %swap3A_1007, %swap3A_1008] {strides = array<i32>} : memref<2x96x128xf32, #tpu.memory_space<vmem>>, vector<16xf32>,
        tpu.vector_store %arg7[%swap3A_1006, %swap3A_1007, %swap3A_1008], %gather3A_930 {strides = array<i32>} : memref<2x96x128xf32, #tpu.memory_space<vmem>>, vector<16xf32>,
        %swap3A_1010 = arith.constant 0 : i32
        %swap3A_1011 = arith.index_cast %swap3A_1010 : i32 to index
        %swap3A_1012 = arith.index_cast %add3A_895 : i32 to index
        %swap3A_1013 = arith.constant 112 : index
        %swap3A_1014 = tpu.vector_load %arg7[%swap3A_1011, %swap3A_1012, %swap3A_1013] {strides = array<i32>} : memref<2x96x128xf32, #tpu.memory_space<vmem>>, vector<16xf32>,
        tpu.vector_store %arg7[%swap3A_1011, %swap3A_1012, %swap3A_1013], %gather3A_935 {strides = array<i32>} : memref<2x96x128xf32, #tpu.memory_space<vmem>>, vector<16xf32>,
      }
      %scan3A_119 = arith.constant 48 : i32
      %mul3A_120 = arith.constant 128 : i32
      %mul3A_121 = arith.muli %add3A, %mul3A_120 : i32
      %add3A_122 = arith.addi %mul3A_121, %add3A_80 : i32
      %jit3A_123 = arith.constant 4 : i32
      %div3A_124 = arith.divsi %add3A_122, %jit3A_123 : i32
      %sign3A_125 = arith.constant 0 : i32
      %sign3A_126 = arith.cmpi sgt, %add3A_122, %sign3A_125 : i32
      %sign3A_127 = arith.extui %sign3A_126 : i1 to i32
      %sign3A_128 = arith.constant 0 : i32
      %sign3A_129 = arith.cmpi slt, %add3A_122, %sign3A_128 : i32
      %sign3A_130 = arith.extui %sign3A_129 : i1 to i32
      %sign3A_131 = arith.subi %sign3A_127, %sign3A_130 : i32
      %sign3A_132 = arith.constant 0 : i32
      %sign3A_133 = arith.cmpi sgt, %jit3A_123, %sign3A_132 : i32
      %sign3A_134 = arith.extui %sign3A_133 : i1 to i32
      %sign3A_135 = arith.constant 0 : i32
      %sign3A_136 = arith.cmpi slt, %jit3A_123, %sign3A_135 : i32
      %sign3A_137 = arith.extui %sign3A_136 : i1 to i32
      %sign3A_138 = arith.subi %sign3A_134, %sign3A_137 : i32
      %ne3A_139 = arith.cmpi ne, %sign3A_131, %sign3A_138 : i32
      %rem3A_140 = arith.remsi %add3A_122, %jit3A_123 : i32
      %ne3A_141 = arith.constant 0 : i32
      %ne3A_142 = arith.cmpi ne, %rem3A_140, %ne3A_141 : i32
      %and3A_143 = arith.andi %ne3A_139, %ne3A_142 : i1
      %sub3A_144 = arith.constant 1 : i32
      %sub3A_145 = arith.subi %div3A_124, %sub3A_144 : i32
      %select_n3A_146 = arith.select %and3A_143, %sub3A_145, %div3A_124 : i32
      %dma_start3A = arith.constant 0 : i32
      %dma_start3A_147 = arith.constant 0 : i32
      %dma_start3A_148 = arith.constant 0 : i32
      %dma_start3A_149 = tpu.memref_slice %arg7[%dma_start3A, %dma_start3A_147, %dma_start3A_148] : memref<2x96x128xf32, #tpu.memory_space<vmem>> -> memref<1x96x128xf32, #tpu.memory_space<vmem>>
      %dma_start3A_150 = tpu.memref_squeeze %dma_start3A_149 : memref<1x96x128xf32, #tpu.memory_space<vmem>> -> memref<96x128xf32, #tpu.memory_space<vmem>>
      %dma_start3A_151 = arith.constant 0 : i32
      %dma_start3A_152 = arith.constant 0 : i32
      %dma_start3A_153 = tpu.memref_slice %arg4[%select_n3A_146, %dma_start3A_151, %dma_start3A_152] : memref<1024x96x512xf32, #tpu.memory_space<hbm>> -> memref<1x96x512xf32, #tpu.memory_space<hbm>>
      %dma_start3A_154 = tpu.memref_squeeze %dma_start3A_153 : memref<1x96x512xf32, #tpu.memory_space<hbm>> -> memref<96x512xf32, #tpu.memory_space<hbm>>
      %dma_start3A_155 = arith.constant 0 : i32
      %dma_start3A_156 = arith.constant 0 : i32
      %dma_start3A_157 = tpu.memref_slice %dma_start3A_154[%dma_start3A_155, %dma_start3A_156] : memref<96x512xf32, #tpu.memory_space<hbm>> -> memref<96x128xf32, #tpu.memory_space<hbm>>
      %dma_start3A_158 = arith.constant 0 : i32
      %dma_start3A_159 = arith.constant 0 : i32
      %dma_start3A_160 = tpu.memref_slice %arg4[%select_n3A_146, %dma_start3A_158, %dma_start3A_159] : memref<1024x96x512xf32, #tpu.memory_space<hbm>> -> memref<1x96x512xf32, #tpu.memory_space<hbm>>
      %dma_start3A_161 = tpu.memref_squeeze %dma_start3A_160 : memref<1x96x512xf32, #tpu.memory_space<hbm>> -> memref<96x512xf32, #tpu.memory_space<hbm>>
      %dma_start3A_162 = arith.constant 0 : i32
      %dma_start3A_163 = arith.constant 0 : i32
      %dma_start3A_164 = tpu.memref_slice %dma_start3A_161[%dma_start3A_162, %dma_start3A_163] : memref<96x512xf32, #tpu.memory_space<hbm>> -> memref<96x128xf32, #tpu.memory_space<hbm>>
      %dma_start3A_165 = arith.constant 0 : i32
      %dma_start3A_166 = arith.constant 0 : i32
      %dma_start3A_167 = tpu.memref_slice %arg7[%dma_start3A, %dma_start3A_165, %dma_start3A_166] : memref<2x96x128xf32, #tpu.memory_space<vmem>> -> memref<1x96x128xf32, #tpu.memory_space<vmem>>
      %dma_start3A_168 = tpu.memref_squeeze %dma_start3A_167 : memref<1x96x128xf32, #tpu.memory_space<vmem>> -> memref<96x128xf32, #tpu.memory_space<vmem>>
      tpu.enqueue_dma source(%dma_start3A_168 : memref<96x128xf32, #tpu.memory_space<vmem>>) target(%dma_start3A_164 : memref<96x128xf32, #tpu.memory_space<hbm>>) target_semaphore(%arg8 : memref<!tpu.dma_semaphore, #tpu.memory_space<semaphore_mem>>)
      %mul3A_169 = arith.constant 8 : i32
      %mul3A_170 = arith.muli %scan3A_71, %mul3A_169 : i32
      %add3A_171 = arith.constant 1 : i32
      %add3A_172 = arith.addi %mul3A_170, %add3A_171 : i32
      %ge3A_173 = arith.constant 2 : i32
      %ge3A_174 = arith.cmpi sge, %add3A_172, %ge3A_173 : i32
      %convert_element_type3A_175 = arith.extui %ge3A_174 : i1 to i32
      %cond3A_176 = arith.constant 0 : i32
      %cond3A_177 = arith.cmpi ne, %convert_element_type3A_175, %cond3A_176 : i32
      scf.if %cond3A_177 {
        %dma_wait3A_848 = arith.constant 1 : i32
        %dma_wait3A_849 = arith.constant 0 : i32
        %dma_wait3A_850 = arith.constant 0 : i32
        %dma_wait3A_851 = arith.constant 0 : i32
        %dma_wait3A_852 = tpu.memref_slice %arg7[%dma_wait3A_848, %dma_wait3A_850, %dma_wait3A_851] : memref<2x96x128xf32, #tpu.memory_space<vmem>> -> memref<1x96x128xf32, #tpu.memory_space<vmem>>
        %dma_wait3A_853 = tpu.memref_squeeze %dma_wait3A_852 : memref<1x96x128xf32, #tpu.memory_space<vmem>> -> memref<96x128xf32, #tpu.memory_space<vmem>>
        %dma_wait3A_854 = arith.constant 0 : i32
        %dma_wait3A_855 = arith.constant 0 : i32
        %dma_wait3A_856 = tpu.memref_slice %arg4[%dma_wait3A_849, %dma_wait3A_854, %dma_wait3A_855] : memref<1024x96x512xf32, #tpu.memory_space<hbm>> -> memref<1x96x512xf32, #tpu.memory_space<hbm>>
        %dma_wait3A_857 = tpu.memref_squeeze %dma_wait3A_856 : memref<1x96x512xf32, #tpu.memory_space<hbm>> -> memref<96x512xf32, #tpu.memory_space<hbm>>
        %dma_wait3A_858 = arith.constant 0 : i32
        %dma_wait3A_859 = arith.constant 0 : i32
        %dma_wait3A_860 = tpu.memref_slice %dma_wait3A_857[%dma_wait3A_858, %dma_wait3A_859] : memref<96x512xf32, #tpu.memory_space<hbm>> -> memref<96x128xf32, #tpu.memory_space<hbm>>
        %dma_wait3A_861 = arith.constant 0 : i32
        %dma_wait3A_862 = arith.constant 0 : i32
        %dma_wait3A_863 = tpu.memref_slice %arg4[%dma_wait3A_849, %dma_wait3A_861, %dma_wait3A_862] : memref<1024x96x512xf32, #tpu.memory_space<hbm>> -> memref<1x96x512xf32, #tpu.memory_space<hbm>>
        %dma_wait3A_864 = tpu.memref_squeeze %dma_wait3A_863 : memref<1x96x512xf32, #tpu.memory_space<hbm>> -> memref<96x512xf32, #tpu.memory_space<hbm>>
        %dma_wait3A_865 = arith.constant 0 : i32
        %dma_wait3A_866 = arith.constant 0 : i32
        %dma_wait3A_867 = tpu.memref_slice %dma_wait3A_864[%dma_wait3A_865, %dma_wait3A_866] : memref<96x512xf32, #tpu.memory_space<hbm>> -> memref<96x128xf32, #tpu.memory_space<hbm>>
        %dma_wait3A_868 = arith.constant 0 : i32
        %dma_wait3A_869 = arith.constant 0 : i32
        %dma_wait3A_870 = tpu.memref_slice %arg7[%dma_wait3A_848, %dma_wait3A_868, %dma_wait3A_869] : memref<2x96x128xf32, #tpu.memory_space<vmem>> -> memref<1x96x128xf32, #tpu.memory_space<vmem>>
        %dma_wait3A_871 = tpu.memref_squeeze %dma_wait3A_870 : memref<1x96x128xf32, #tpu.memory_space<vmem>> -> memref<96x128xf32, #tpu.memory_space<vmem>>
        tpu.wait_dma2 semaphore(%arg9 : memref<!tpu.dma_semaphore, #tpu.memory_space<semaphore_mem>>) src(%dma_wait3A_871 : memref<96x128xf32, #tpu.memory_space<vmem>>) dst(%dma_wait3A_867 : memref<96x128xf32, #tpu.memory_space<hbm>>)
      } else {
      }
      %get3A_178 = arith.constant 1 : i32
      %get3A_179 = arith.index_cast %get3A_178 : i32 to index
      %get3A_180 = arith.constant 0 : index
      %get3A_181 = tpu.vector_load %arg6[%get3A_179, %get3A_180] {strides = array<i32>} : memref<8x128xi32, #tpu.memory_space<vmem>>, vector<16xi32>,
      %get3A_182 = arith.constant 1 : i32
      %get3A_183 = arith.index_cast %get3A_182 : i32 to index
      %get3A_184 = arith.constant 16 : index
      %get3A_185 = tpu.vector_load %arg6[%get3A_183, %get3A_184] {strides = array<i32>} : memref<8x128xi32, #tpu.memory_space<vmem>>, vector<16xi32>,
      %get3A_186 = arith.constant 1 : i32
      %get3A_187 = arith.index_cast %get3A_186 : i32 to index
      %get3A_188 = arith.constant 32 : index
      %get3A_189 = tpu.vector_load %arg6[%get3A_187, %get3A_188] {strides = array<i32>} : memref<8x128xi32, #tpu.memory_space<vmem>>, vector<16xi32>,
      %get3A_190 = arith.constant 1 : i32
      %get3A_191 = arith.index_cast %get3A_190 : i32 to index
      %get3A_192 = arith.constant 48 : index
      %get3A_193 = tpu.vector_load %arg6[%get3A_191, %get3A_192] {strides = array<i32>} : memref<8x128xi32, #tpu.memory_space<vmem>>, vector<16xi32>,
      %get3A_194 = arith.constant 1 : i32
      %get3A_195 = arith.index_cast %get3A_194 : i32 to index
      %get3A_196 = arith.constant 64 : index
      %get3A_197 = tpu.vector_load %arg6[%get3A_195, %get3A_196] {strides = array<i32>} : memref<8x128xi32, #tpu.memory_space<vmem>>, vector<16xi32>,
      %get3A_198 = arith.constant 1 : i32
      %get3A_199 = arith.index_cast %get3A_198 : i32 to index
      %get3A_200 = arith.constant 80 : index
      %get3A_201 = tpu.vector_load %arg6[%get3A_199, %get3A_200] {strides = array<i32>} : memref<8x128xi32, #tpu.memory_space<vmem>>, vector<16xi32>,
      %get3A_202 = arith.constant 1 : i32
      %get3A_203 = arith.index_cast %get3A_202 : i32 to index
      %get3A_204 = arith.constant 96 : index
      %get3A_205 = tpu.vector_load %arg6[%get3A_203, %get3A_204] {strides = array<i32>} : memref<8x128xi32, #tpu.memory_space<vmem>>, vector<16xi32>,
      %get3A_206 = arith.constant 1 : i32
      %get3A_207 = arith.index_cast %get3A_206 : i32 to index
      %get3A_208 = arith.constant 112 : index
      %get3A_209 = tpu.vector_load %arg6[%get3A_207, %get3A_208] {strides = array<i32>} : memref<8x128xi32, #tpu.memory_space<vmem>>, vector<16xi32>,
      %scan3A_210 = arith.constant 0 : i32
      %scan3A_211 = arith.constant 0 : i32
      %scan3A_212 = arith.constant 48 : i32
      %scan3A_213 = arith.addi %scan3A_211, %scan3A_212 : i32
      %scan3A_214 = arith.constant 1 : i32
      scf.for %scan3A_848 = %scan3A_211 to %scan3A_213 step %scan3A_214  : i32 {
        %mul3A_849 = arith.constant 2 : i32
        %mul3A_850 = arith.muli %scan3A_848, %mul3A_849 : i32
        %add3A_851 = arith.constant 0 : i32
        %add3A_852 = arith.addi %mul3A_850, %add3A_851 : i32
        %mul3A_853 = arith.constant 1024 : i32
        %mul3A_854 = arith.muli %add3A_852, %mul3A_853 : i32
        %add3A_855 = vector.broadcast %mul3A_854 : i32 to vector<16xi32>
        %add3A_856 = arith.addi %get3A_181, %add3A_855 : vector<16xi32>
        %gather3A = tpu.vector_load_idx %arg5[%add3A_856] : memref<98304xf32, #tpu.memory_space<vmem>>[vector<16xi32>], vector<16xf32>,
        %mul3A_857 = arith.constant 1024 : i32
        %mul3A_858 = arith.muli %add3A_852, %mul3A_857 : i32
        %add3A_859 = vector.broadcast %mul3A_858 : i32 to vector<16xi32>
        %add3A_860 = arith.addi %get3A_185, %add3A_859 : vector<16xi32>
        %gather3A_861 = tpu.vector_load_idx %arg5[%add3A_860] : memref<98304xf32, #tpu.memory_space<vmem>>[vector<16xi32>], vector<16xf32>,
        %mul3A_862 = arith.constant 1024 : i32
        %mul3A_863 = arith.muli %add3A_852, %mul3A_862 : i32
        %add3A_864 = vector.broadcast %mul3A_863 : i32 to vector<16xi32>
        %add3A_865 = arith.addi %get3A_189, %add3A_864 : vector<16xi32>
        %gather3A_866 = tpu.vector_load_idx %arg5[%add3A_865] : memref<98304xf32, #tpu.memory_space<vmem>>[vector<16xi32>], vector<16xf32>,
        %mul3A_867 = arith.constant 1024 : i32
        %mul3A_868 = arith.muli %add3A_852, %mul3A_867 : i32
        %add3A_869 = vector.broadcast %mul3A_868 : i32 to vector<16xi32>
        %add3A_870 = arith.addi %get3A_193, %add3A_869 : vector<16xi32>
        %gather3A_871 = tpu.vector_load_idx %arg5[%add3A_870] : memref<98304xf32, #tpu.memory_space<vmem>>[vector<16xi32>], vector<16xf32>,
        %mul3A_872 = arith.constant 1024 : i32
        %mul3A_873 = arith.muli %add3A_852, %mul3A_872 : i32
        %add3A_874 = vector.broadcast %mul3A_873 : i32 to vector<16xi32>
        %add3A_875 = arith.addi %get3A_197, %add3A_874 : vector<16xi32>
        %gather3A_876 = tpu.vector_load_idx %arg5[%add3A_875] : memref<98304xf32, #tpu.memory_space<vmem>>[vector<16xi32>], vector<16xf32>,
        %mul3A_877 = arith.constant 1024 : i32
        %mul3A_878 = arith.muli %add3A_852, %mul3A_877 : i32
        %add3A_879 = vector.broadcast %mul3A_878 : i32 to vector<16xi32>
        %add3A_880 = arith.addi %get3A_201, %add3A_879 : vector<16xi32>
        %gather3A_881 = tpu.vector_load_idx %arg5[%add3A_880] : memref<98304xf32, #tpu.memory_space<vmem>>[vector<16xi32>], vector<16xf32>,
        %mul3A_882 = arith.constant 1024 : i32
        %mul3A_883 = arith.muli %add3A_852, %mul3A_882 : i32
        %add3A_884 = vector.broadcast %mul3A_883 : i32 to vector<16xi32>
        %add3A_885 = arith.addi %get3A_205, %add3A_884 : vector<16xi32>
        %gather3A_886 = tpu.vector_load_idx %arg5[%add3A_885] : memref<98304xf32, #tpu.memory_space<vmem>>[vector<16xi32>], vector<16xf32>,
        %mul3A_887 = arith.constant 1024 : i32
        %mul3A_888 = arith.muli %add3A_852, %mul3A_887 : i32
        %add3A_889 = vector.broadcast %mul3A_888 : i32 to vector<16xi32>
        %add3A_890 = arith.addi %get3A_209, %add3A_889 : vector<16xi32>
        %gather3A_891 = tpu.vector_load_idx %arg5[%add3A_890] : memref<98304xf32, #tpu.memory_space<vmem>>[vector<16xi32>], vector<16xf32>,
        %mul3A_892 = arith.constant 2 : i32
        %mul3A_893 = arith.muli %scan3A_848, %mul3A_892 : i32
        %add3A_894 = arith.constant 1 : i32
        %add3A_895 = arith.addi %mul3A_893, %add3A_894 : i32
        %mul3A_896 = arith.constant 1024 : i32
        %mul3A_897 = arith.muli %add3A_895, %mul3A_896 : i32
        %add3A_898 = vector.broadcast %mul3A_897 : i32 to vector<16xi32>
        %add3A_899 = arith.addi %get3A_181, %add3A_898 : vector<16xi32>
        %gather3A_900 = tpu.vector_load_idx %arg5[%add3A_899] : memref<98304xf32, #tpu.memory_space<vmem>>[vector<16xi32>], vector<16xf32>,
        %mul3A_901 = arith.constant 1024 : i32
        %mul3A_902 = arith.muli %add3A_895, %mul3A_901 : i32
        %add3A_903 = vector.broadcast %mul3A_902 : i32 to vector<16xi32>
        %add3A_904 = arith.addi %get3A_185, %add3A_903 : vector<16xi32>
        %gather3A_905 = tpu.vector_load_idx %arg5[%add3A_904] : memref<98304xf32, #tpu.memory_space<vmem>>[vector<16xi32>], vector<16xf32>,
        %mul3A_906 = arith.constant 1024 : i32
        %mul3A_907 = arith.muli %add3A_895, %mul3A_906 : i32
        %add3A_908 = vector.broadcast %mul3A_907 : i32 to vector<16xi32>
        %add3A_909 = arith.addi %get3A_189, %add3A_908 : vector<16xi32>
        %gather3A_910 = tpu.vector_load_idx %arg5[%add3A_909] : memref<98304xf32, #tpu.memory_space<vmem>>[vector<16xi32>], vector<16xf32>,
        %mul3A_911 = arith.constant 1024 : i32
        %mul3A_912 = arith.muli %add3A_895, %mul3A_911 : i32
        %add3A_913 = vector.broadcast %mul3A_912 : i32 to vector<16xi32>
        %add3A_914 = arith.addi %get3A_193, %add3A_913 : vector<16xi32>
        %gather3A_915 = tpu.vector_load_idx %arg5[%add3A_914] : memref<98304xf32, #tpu.memory_space<vmem>>[vector<16xi32>], vector<16xf32>,
        %mul3A_916 = arith.constant 1024 : i32
        %mul3A_917 = arith.muli %add3A_895, %mul3A_916 : i32
        %add3A_918 = vector.broadcast %mul3A_917 : i32 to vector<16xi32>
        %add3A_919 = arith.addi %get3A_197, %add3A_918 : vector<16xi32>
        %gather3A_920 = tpu.vector_load_idx %arg5[%add3A_919] : memref<98304xf32, #tpu.memory_space<vmem>>[vector<16xi32>], vector<16xf32>,
        %mul3A_921 = arith.constant 1024 : i32
        %mul3A_922 = arith.muli %add3A_895, %mul3A_921 : i32
        %add3A_923 = vector.broadcast %mul3A_922 : i32 to vector<16xi32>
        %add3A_924 = arith.addi %get3A_201, %add3A_923 : vector<16xi32>
        %gather3A_925 = tpu.vector_load_idx %arg5[%add3A_924] : memref<98304xf32, #tpu.memory_space<vmem>>[vector<16xi32>], vector<16xf32>,
        %mul3A_926 = arith.constant 1024 : i32
        %mul3A_927 = arith.muli %add3A_895, %mul3A_926 : i32
        %add3A_928 = vector.broadcast %mul3A_927 : i32 to vector<16xi32>
        %add3A_929 = arith.addi %get3A_205, %add3A_928 : vector<16xi32>
        %gather3A_930 = tpu.vector_load_idx %arg5[%add3A_929] : memref<98304xf32, #tpu.memory_space<vmem>>[vector<16xi32>], vector<16xf32>,
        %mul3A_931 = arith.constant 1024 : i32
        %mul3A_932 = arith.muli %add3A_895, %mul3A_931 : i32
        %add3A_933 = vector.broadcast %mul3A_932 : i32 to vector<16xi32>
        %add3A_934 = arith.addi %get3A_209, %add3A_933 : vector<16xi32>
        %gather3A_935 = tpu.vector_load_idx %arg5[%add3A_934] : memref<98304xf32, #tpu.memory_space<vmem>>[vector<16xi32>], vector<16xf32>,
        %swap3A = arith.constant 1 : i32
        %swap3A_936 = arith.index_cast %swap3A : i32 to index
        %swap3A_937 = arith.index_cast %add3A_852 : i32 to index
        %swap3A_938 = arith.constant 0 : index
        %swap3A_939 = tpu.vector_load %arg7[%swap3A_936, %swap3A_937, %swap3A_938] {strides = array<i32>} : memref<2x96x128xf32, #tpu.memory_space<vmem>>, vector<16xf32>,
        tpu.vector_store %arg7[%swap3A_936, %swap3A_937, %swap3A_938], %gather3A {strides = array<i32>} : memref<2x96x128xf32, #tpu.memory_space<vmem>>, vector<16xf32>,
        %swap3A_940 = arith.constant 1 : i32
        %swap3A_941 = arith.index_cast %swap3A_940 : i32 to index
        %swap3A_942 = arith.index_cast %add3A_852 : i32 to index
        %swap3A_943 = arith.constant 16 : index
        %swap3A_944 = tpu.vector_load %arg7[%swap3A_941, %swap3A_942, %swap3A_943] {strides = array<i32>} : memref<2x96x128xf32, #tpu.memory_space<vmem>>, vector<16xf32>,
        tpu.vector_store %arg7[%swap3A_941, %swap3A_942, %swap3A_943], %gather3A_861 {strides = array<i32>} : memref<2x96x128xf32, #tpu.memory_space<vmem>>, vector<16xf32>,
        %swap3A_945 = arith.constant 1 : i32
        %swap3A_946 = arith.index_cast %swap3A_945 : i32 to index
        %swap3A_947 = arith.index_cast %add3A_852 : i32 to index
        %swap3A_948 = arith.constant 32 : index
        %swap3A_949 = tpu.vector_load %arg7[%swap3A_946, %swap3A_947, %swap3A_948] {strides = array<i32>} : memref<2x96x128xf32, #tpu.memory_space<vmem>>, vector<16xf32>,
        tpu.vector_store %arg7[%swap3A_946, %swap3A_947, %swap3A_948], %gather3A_866 {strides = array<i32>} : memref<2x96x128xf32, #tpu.memory_space<vmem>>, vector<16xf32>,
        %swap3A_950 = arith.constant 1 : i32
        %swap3A_951 = arith.index_cast %swap3A_950 : i32 to index
        %swap3A_952 = arith.index_cast %add3A_852 : i32 to index
        %swap3A_953 = arith.constant 48 : index
        %swap3A_954 = tpu.vector_load %arg7[%swap3A_951, %swap3A_952, %swap3A_953] {strides = array<i32>} : memref<2x96x128xf32, #tpu.memory_space<vmem>>, vector<16xf32>,
        tpu.vector_store %arg7[%swap3A_951, %swap3A_952, %swap3A_953], %gather3A_871 {strides = array<i32>} : memref<2x96x128xf32, #tpu.memory_space<vmem>>, vector<16xf32>,
        %swap3A_955 = arith.constant 1 : i32
        %swap3A_956 = arith.index_cast %swap3A_955 : i32 to index
        %swap3A_957 = arith.index_cast %add3A_852 : i32 to index
        %swap3A_958 = arith.constant 64 : index
        %swap3A_959 = tpu.vector_load %arg7[%swap3A_956, %swap3A_957, %swap3A_958] {strides = array<i32>} : memref<2x96x128xf32, #tpu.memory_space<vmem>>, vector<16xf32>,
        tpu.vector_store %arg7[%swap3A_956, %swap3A_957, %swap3A_958], %gather3A_876 {strides = array<i32>} : memref<2x96x128xf32, #tpu.memory_space<vmem>>, vector<16xf32>,
        %swap3A_960 = arith.constant 1 : i32
        %swap3A_961 = arith.index_cast %swap3A_960 : i32 to index
        %swap3A_962 = arith.index_cast %add3A_852 : i32 to index
        %swap3A_963 = arith.constant 80 : index
        %swap3A_964 = tpu.vector_load %arg7[%swap3A_961, %swap3A_962, %swap3A_963] {strides = array<i32>} : memref<2x96x128xf32, #tpu.memory_space<vmem>>, vector<16xf32>,
        tpu.vector_store %arg7[%swap3A_961, %swap3A_962, %swap3A_963], %gather3A_881 {strides = array<i32>} : memref<2x96x128xf32, #tpu.memory_space<vmem>>, vector<16xf32>,
        %swap3A_965 = arith.constant 1 : i32
        %swap3A_966 = arith.index_cast %swap3A_965 : i32 to index
        %swap3A_967 = arith.index_cast %add3A_852 : i32 to index
        %swap3A_968 = arith.constant 96 : index
        %swap3A_969 = tpu.vector_load %arg7[%swap3A_966, %swap3A_967, %swap3A_968] {strides = array<i32>} : memref<2x96x128xf32, #tpu.memory_space<vmem>>, vector<16xf32>,
        tpu.vector_store %arg7[%swap3A_966, %swap3A_967, %swap3A_968], %gather3A_886 {strides = array<i32>} : memref<2x96x128xf32, #tpu.memory_space<vmem>>, vector<16xf32>,
        %swap3A_970 = arith.constant 1 : i32
        %swap3A_971 = arith.index_cast %swap3A_970 : i32 to index
        %swap3A_972 = arith.index_cast %add3A_852 : i32 to index
        %swap3A_973 = arith.constant 112 : index
        %swap3A_974 = tpu.vector_load %arg7[%swap3A_971, %swap3A_972, %swap3A_973] {strides = array<i32>} : memref<2x96x128xf32, #tpu.memory_space<vmem>>, vector<16xf32>,
        tpu.vector_store %arg7[%swap3A_971, %swap3A_972, %swap3A_973], %gather3A_891 {strides = array<i32>} : memref<2x96x128xf32, #tpu.memory_space<vmem>>, vector<16xf32>,
        %swap3A_975 = arith.constant 1 : i32
        %swap3A_976 = arith.index_cast %swap3A_975 : i32 to index
        %swap3A_977 = arith.index_cast %add3A_895 : i32 to index
        %swap3A_978 = arith.constant 0 : index
        %swap3A_979 = tpu.vector_load %arg7[%swap3A_976, %swap3A_977, %swap3A_978] {strides = array<i32>} : memref<2x96x128xf32, #tpu.memory_space<vmem>>, vector<16xf32>,
        tpu.vector_store %arg7[%swap3A_976, %swap3A_977, %swap3A_978], %gather3A_900 {strides = array<i32>} : memref<2x96x128xf32, #tpu.memory_space<vmem>>, vector<16xf32>,
        %swap3A_980 = arith.constant 1 : i32
        %swap3A_981 = arith.index_cast %swap3A_980 : i32 to index
        %swap3A_982 = arith.index_cast %add3A_895 : i32 to index
        %swap3A_983 = arith.constant 16 : index
        %swap3A_984 = tpu.vector_load %arg7[%swap3A_981, %swap3A_982, %swap3A_983] {strides = array<i32>} : memref<2x96x128xf32, #tpu.memory_space<vmem>>, vector<16xf32>,
        tpu.vector_store %arg7[%swap3A_981, %swap3A_982, %swap3A_983], %gather3A_905 {strides = array<i32>} : memref<2x96x128xf32, #tpu.memory_space<vmem>>, vector<16xf32>,
        %swap3A_985 = arith.constant 1 : i32
        %swap3A_986 = arith.index_cast %swap3A_985 : i32 to index
        %swap3A_987 = arith.index_cast %add3A_895 : i32 to index
        %swap3A_988 = arith.constant 32 : index
        %swap3A_989 = tpu.vector_load %arg7[%swap3A_986, %swap3A_987, %swap3A_988] {strides = array<i32>} : memref<2x96x128xf32, #tpu.memory_space<vmem>>, vector<16xf32>,
        tpu.vector_store %arg7[%swap3A_986, %swap3A_987, %swap3A_988], %gather3A_910 {strides = array<i32>} : memref<2x96x128xf32, #tpu.memory_space<vmem>>, vector<16xf32>,
        %swap3A_990 = arith.constant 1 : i32
        %swap3A_991 = arith.index_cast %swap3A_990 : i32 to index
        %swap3A_992 = arith.index_cast %add3A_895 : i32 to index
        %swap3A_993 = arith.constant 48 : index
        %swap3A_994 = tpu.vector_load %arg7[%swap3A_991, %swap3A_992, %swap3A_993] {strides = array<i32>} : memref<2x96x128xf32, #tpu.memory_space<vmem>>, vector<16xf32>,
        tpu.vector_store %arg7[%swap3A_991, %swap3A_992, %swap3A_993], %gather3A_915 {strides = array<i32>} : memref<2x96x128xf32, #tpu.memory_space<vmem>>, vector<16xf32>,
        %swap3A_995 = arith.constant 1 : i32
        %swap3A_996 = arith.index_cast %swap3A_995 : i32 to index
        %swap3A_997 = arith.index_cast %add3A_895 : i32 to index
        %swap3A_998 = arith.constant 64 : index
        %swap3A_999 = tpu.vector_load %arg7[%swap3A_996, %swap3A_997, %swap3A_998] {strides = array<i32>} : memref<2x96x128xf32, #tpu.memory_space<vmem>>, vector<16xf32>,
        tpu.vector_store %arg7[%swap3A_996, %swap3A_997, %swap3A_998], %gather3A_920 {strides = array<i32>} : memref<2x96x128xf32, #tpu.memory_space<vmem>>, vector<16xf32>,
        %swap3A_1000 = arith.constant 1 : i32
        %swap3A_1001 = arith.index_cast %swap3A_1000 : i32 to index
        %swap3A_1002 = arith.index_cast %add3A_895 : i32 to index
        %swap3A_1003 = arith.constant 80 : index
        %swap3A_1004 = tpu.vector_load %arg7[%swap3A_1001, %swap3A_1002, %swap3A_1003] {strides = array<i32>} : memref<2x96x128xf32, #tpu.memory_space<vmem>>, vector<16xf32>,
        tpu.vector_store %arg7[%swap3A_1001, %swap3A_1002, %swap3A_1003], %gather3A_925 {strides = array<i32>} : memref<2x96x128xf32, #tpu.memory_space<vmem>>, vector<16xf32>,
        %swap3A_1005 = arith.constant 1 : i32
        %swap3A_1006 = arith.index_cast %swap3A_1005 : i32 to index
        %swap3A_1007 = arith.index_cast %add3A_895 : i32 to index
        %swap3A_1008 = arith.constant 96 : index
        %swap3A_1009 = tpu.vector_load %arg7[%swap3A_1006, %swap3A_1007, %swap3A_1008] {strides = array<i32>} : memref<2x96x128xf32, #tpu.memory_space<vmem>>, vector<16xf32>,
        tpu.vector_store %arg7[%swap3A_1006, %swap3A_1007, %swap3A_1008], %gather3A_930 {strides = array<i32>} : memref<2x96x128xf32, #tpu.memory_space<vmem>>, vector<16xf32>,
        %swap3A_1010 = arith.constant 1 : i32
        %swap3A_1011 = arith.index_cast %swap3A_1010 : i32 to index
        %swap3A_1012 = arith.index_cast %add3A_895 : i32 to index
        %swap3A_1013 = arith.constant 112 : index
        %swap3A_1014 = tpu.vector_load %arg7[%swap3A_1011, %swap3A_1012, %swap3A_1013] {strides = array<i32>} : memref<2x96x128xf32, #tpu.memory_space<vmem>>, vector<16xf32>,
        tpu.vector_store %arg7[%swap3A_1011, %swap3A_1012, %swap3A_1013], %gather3A_935 {strides = array<i32>} : memref<2x96x128xf32, #tpu.memory_space<vmem>>, vector<16xf32>,
      }
      %scan3A_215 = arith.constant 48 : i32
      %mul3A_216 = arith.constant 128 : i32
      %mul3A_217 = arith.muli %add3A, %mul3A_216 : i32
      %add3A_218 = arith.addi %mul3A_217, %add3A_172 : i32
      %jit3A_219 = arith.constant 4 : i32
      %div3A_220 = arith.divsi %add3A_218, %jit3A_219 : i32
      %sign3A_221 = arith.constant 0 : i32
      %sign3A_222 = arith.cmpi sgt, %add3A_218, %sign3A_221 : i32
      %sign3A_223 = arith.extui %sign3A_222 : i1 to i32
      %sign3A_224 = arith.constant 0 : i32
      %sign3A_225 = arith.cmpi slt, %add3A_218, %sign3A_224 : i32
      %sign3A_226 = arith.extui %sign3A_225 : i1 to i32
      %sign3A_227 = arith.subi %sign3A_223, %sign3A_226 : i32
      %sign3A_228 = arith.constant 0 : i32
      %sign3A_229 = arith.cmpi sgt, %jit3A_219, %sign3A_228 : i32
      %sign3A_230 = arith.extui %sign3A_229 : i1 to i32
      %sign3A_231 = arith.constant 0 : i32
      %sign3A_232 = arith.cmpi slt, %jit3A_219, %sign3A_231 : i32
      %sign3A_233 = arith.extui %sign3A_232 : i1 to i32
      %sign3A_234 = arith.subi %sign3A_230, %sign3A_233 : i32
      %ne3A_235 = arith.cmpi ne, %sign3A_227, %sign3A_234 : i32
      %rem3A_236 = arith.remsi %add3A_218, %jit3A_219 : i32
      %ne3A_237 = arith.constant 0 : i32
      %ne3A_238 = arith.cmpi ne, %rem3A_236, %ne3A_237 : i32
      %and3A_239 = arith.andi %ne3A_235, %ne3A_238 : i1
      %sub3A_240 = arith.constant 1 : i32
      %sub3A_241 = arith.subi %div3A_220, %sub3A_240 : i32
      %select_n3A_242 = arith.select %and3A_239, %sub3A_241, %div3A_220 : i32
      %dma_start3A_243 = arith.constant 1 : i32
      %dma_start3A_244 = arith.constant 0 : i32
      %dma_start3A_245 = arith.constant 0 : i32
      %dma_start3A_246 = tpu.memref_slice %arg7[%dma_start3A_243, %dma_start3A_244, %dma_start3A_245] : memref<2x96x128xf32, #tpu.memory_space<vmem>> -> memref<1x96x128xf32, #tpu.memory_space<vmem>>
      %dma_start3A_247 = tpu.memref_squeeze %dma_start3A_246 : memref<1x96x128xf32, #tpu.memory_space<vmem>> -> memref<96x128xf32, #tpu.memory_space<vmem>>
      %dma_start3A_248 = arith.constant 0 : i32
      %dma_start3A_249 = arith.constant 0 : i32
      %dma_start3A_250 = tpu.memref_slice %arg4[%select_n3A_242, %dma_start3A_248, %dma_start3A_249] : memref<1024x96x512xf32, #tpu.memory_space<hbm>> -> memref<1x96x512xf32, #tpu.memory_space<hbm>>
      %dma_start3A_251 = tpu.memref_squeeze %dma_start3A_250 : memref<1x96x512xf32, #tpu.memory_space<hbm>> -> memref<96x512xf32, #tpu.memory_space<hbm>>
      %dma_start3A_252 = arith.constant 0 : i32
      %dma_start3A_253 = arith.constant 128 : i32
      %dma_start3A_254 = tpu.memref_slice %dma_start3A_251[%dma_start3A_252, %dma_start3A_253] : memref<96x512xf32, #tpu.memory_space<hbm>> -> memref<96x128xf32, #tpu.memory_space<hbm>>
      %dma_start3A_255 = arith.constant 0 : i32
      %dma_start3A_256 = arith.constant 0 : i32
      %dma_start3A_257 = tpu.memref_slice %arg4[%select_n3A_242, %dma_start3A_255, %dma_start3A_256] : memref<1024x96x512xf32, #tpu.memory_space<hbm>> -> memref<1x96x512xf32, #tpu.memory_space<hbm>>
      %dma_start3A_258 = tpu.memref_squeeze %dma_start3A_257 : memref<1x96x512xf32, #tpu.memory_space<hbm>> -> memref<96x512xf32, #tpu.memory_space<hbm>>
      %dma_start3A_259 = arith.constant 0 : i32
      %dma_start3A_260 = arith.constant 128 : i32
      %dma_start3A_261 = tpu.memref_slice %dma_start3A_258[%dma_start3A_259, %dma_start3A_260] : memref<96x512xf32, #tpu.memory_space<hbm>> -> memref<96x128xf32, #tpu.memory_space<hbm>>
      %dma_start3A_262 = arith.constant 0 : i32
      %dma_start3A_263 = arith.constant 0 : i32
      %dma_start3A_264 = tpu.memref_slice %arg7[%dma_start3A_243, %dma_start3A_262, %dma_start3A_263] : memref<2x96x128xf32, #tpu.memory_space<vmem>> -> memref<1x96x128xf32, #tpu.memory_space<vmem>>
      %dma_start3A_265 = tpu.memref_squeeze %dma_start3A_264 : memref<1x96x128xf32, #tpu.memory_space<vmem>> -> memref<96x128xf32, #tpu.memory_space<vmem>>
      tpu.enqueue_dma source(%dma_start3A_265 : memref<96x128xf32, #tpu.memory_space<vmem>>) target(%dma_start3A_261 : memref<96x128xf32, #tpu.memory_space<hbm>>) target_semaphore(%arg9 : memref<!tpu.dma_semaphore, #tpu.memory_space<semaphore_mem>>)
      %mul3A_266 = arith.constant 8 : i32
      %mul3A_267 = arith.muli %scan3A_71, %mul3A_266 : i32
      %add3A_268 = arith.constant 2 : i32
      %add3A_269 = arith.addi %mul3A_267, %add3A_268 : i32
      %ge3A_270 = arith.constant 2 : i32
      %ge3A_271 = arith.cmpi sge, %add3A_269, %ge3A_270 : i32
      %convert_element_type3A_272 = arith.extui %ge3A_271 : i1 to i32
      %cond3A_273 = arith.constant 0 : i32
      %cond3A_274 = arith.cmpi ne, %convert_element_type3A_272, %cond3A_273 : i32
      scf.if %cond3A_274 {
        %dma_wait3A_848 = arith.constant 0 : i32
        %dma_wait3A_849 = arith.constant 0 : i32
        %dma_wait3A_850 = arith.constant 0 : i32
        %dma_wait3A_851 = arith.constant 0 : i32
        %dma_wait3A_852 = tpu.memref_slice %arg7[%dma_wait3A_848, %dma_wait3A_850, %dma_wait3A_851] : memref<2x96x128xf32, #tpu.memory_space<vmem>> -> memref<1x96x128xf32, #tpu.memory_space<vmem>>
        %dma_wait3A_853 = tpu.memref_squeeze %dma_wait3A_852 : memref<1x96x128xf32, #tpu.memory_space<vmem>> -> memref<96x128xf32, #tpu.memory_space<vmem>>
        %dma_wait3A_854 = arith.constant 0 : i32
        %dma_wait3A_855 = arith.constant 0 : i32
        %dma_wait3A_856 = tpu.memref_slice %arg4[%dma_wait3A_849, %dma_wait3A_854, %dma_wait3A_855] : memref<1024x96x512xf32, #tpu.memory_space<hbm>> -> memref<1x96x512xf32, #tpu.memory_space<hbm>>
        %dma_wait3A_857 = tpu.memref_squeeze %dma_wait3A_856 : memref<1x96x512xf32, #tpu.memory_space<hbm>> -> memref<96x512xf32, #tpu.memory_space<hbm>>
        %dma_wait3A_858 = arith.constant 0 : i32
        %dma_wait3A_859 = arith.constant 0 : i32
        %dma_wait3A_860 = tpu.memref_slice %dma_wait3A_857[%dma_wait3A_858, %dma_wait3A_859] : memref<96x512xf32, #tpu.memory_space<hbm>> -> memref<96x128xf32, #tpu.memory_space<hbm>>
        %dma_wait3A_861 = arith.constant 0 : i32
        %dma_wait3A_862 = arith.constant 0 : i32
        %dma_wait3A_863 = tpu.memref_slice %arg4[%dma_wait3A_849, %dma_wait3A_861, %dma_wait3A_862] : memref<1024x96x512xf32, #tpu.memory_space<hbm>> -> memref<1x96x512xf32, #tpu.memory_space<hbm>>
        %dma_wait3A_864 = tpu.memref_squeeze %dma_wait3A_863 : memref<1x96x512xf32, #tpu.memory_space<hbm>> -> memref<96x512xf32, #tpu.memory_space<hbm>>
        %dma_wait3A_865 = arith.constant 0 : i32
        %dma_wait3A_866 = arith.constant 0 : i32
        %dma_wait3A_867 = tpu.memref_slice %dma_wait3A_864[%dma_wait3A_865, %dma_wait3A_866] : memref<96x512xf32, #tpu.memory_space<hbm>> -> memref<96x128xf32, #tpu.memory_space<hbm>>
        %dma_wait3A_868 = arith.constant 0 : i32
        %dma_wait3A_869 = arith.constant 0 : i32
        %dma_wait3A_870 = tpu.memref_slice %arg7[%dma_wait3A_848, %dma_wait3A_868, %dma_wait3A_869] : memref<2x96x128xf32, #tpu.memory_space<vmem>> -> memref<1x96x128xf32, #tpu.memory_space<vmem>>
        %dma_wait3A_871 = tpu.memref_squeeze %dma_wait3A_870 : memref<1x96x128xf32, #tpu.memory_space<vmem>> -> memref<96x128xf32, #tpu.memory_space<vmem>>
        tpu.wait_dma2 semaphore(%arg8 : memref<!tpu.dma_semaphore, #tpu.memory_space<semaphore_mem>>) src(%dma_wait3A_871 : memref<96x128xf32, #tpu.memory_space<vmem>>) dst(%dma_wait3A_867 : memref<96x128xf32, #tpu.memory_space<hbm>>)
      } else {
      }
      %get3A_275 = arith.constant 2 : i32
      %get3A_276 = arith.index_cast %get3A_275 : i32 to index
      %get3A_277 = arith.constant 0 : index
      %get3A_278 = tpu.vector_load %arg6[%get3A_276, %get3A_277] {strides = array<i32>} : memref<8x128xi32, #tpu.memory_space<vmem>>, vector<16xi32>,
      %get3A_279 = arith.constant 2 : i32
      %get3A_280 = arith.index_cast %get3A_279 : i32 to index
      %get3A_281 = arith.constant 16 : index
      %get3A_282 = tpu.vector_load %arg6[%get3A_280, %get3A_281] {strides = array<i32>} : memref<8x128xi32, #tpu.memory_space<vmem>>, vector<16xi32>,
      %get3A_283 = arith.constant 2 : i32
      %get3A_284 = arith.index_cast %get3A_283 : i32 to index
      %get3A_285 = arith.constant 32 : index
      %get3A_286 = tpu.vector_load %arg6[%get3A_284, %get3A_285] {strides = array<i32>} : memref<8x128xi32, #tpu.memory_space<vmem>>, vector<16xi32>,
      %get3A_287 = arith.constant 2 : i32
      %get3A_288 = arith.index_cast %get3A_287 : i32 to index
      %get3A_289 = arith.constant 48 : index
      %get3A_290 = tpu.vector_load %arg6[%get3A_288, %get3A_289] {strides = array<i32>} : memref<8x128xi32, #tpu.memory_space<vmem>>, vector<16xi32>,
      %get3A_291 = arith.constant 2 : i32
      %get3A_292 = arith.index_cast %get3A_291 : i32 to index
      %get3A_293 = arith.constant 64 : index
      %get3A_294 = tpu.vector_load %arg6[%get3A_292, %get3A_293] {strides = array<i32>} : memref<8x128xi32, #tpu.memory_space<vmem>>, vector<16xi32>,
      %get3A_295 = arith.constant 2 : i32
      %get3A_296 = arith.index_cast %get3A_295 : i32 to index
      %get3A_297 = arith.constant 80 : index
      %get3A_298 = tpu.vector_load %arg6[%get3A_296, %get3A_297] {strides = array<i32>} : memref<8x128xi32, #tpu.memory_space<vmem>>, vector<16xi32>,
      %get3A_299 = arith.constant 2 : i32
      %get3A_300 = arith.index_cast %get3A_299 : i32 to index
      %get3A_301 = arith.constant 96 : index
      %get3A_302 = tpu.vector_load %arg6[%get3A_300, %get3A_301] {strides = array<i32>} : memref<8x128xi32, #tpu.memory_space<vmem>>, vector<16xi32>,
      %get3A_303 = arith.constant 2 : i32
      %get3A_304 = arith.index_cast %get3A_303 : i32 to index
      %get3A_305 = arith.constant 112 : index
      %get3A_306 = tpu.vector_load %arg6[%get3A_304, %get3A_305] {strides = array<i32>} : memref<8x128xi32, #tpu.memory_space<vmem>>, vector<16xi32>,
      %scan3A_307 = arith.constant 0 : i32
      %scan3A_308 = arith.constant 0 : i32
      %scan3A_309 = arith.constant 48 : i32
      %scan3A_310 = arith.addi %scan3A_308, %scan3A_309 : i32
      %scan3A_311 = arith.constant 1 : i32
      scf.for %scan3A_848 = %scan3A_308 to %scan3A_310 step %scan3A_311  : i32 {
        %mul3A_849 = arith.constant 2 : i32
        %mul3A_850 = arith.muli %scan3A_848, %mul3A_849 : i32
        %add3A_851 = arith.constant 0 : i32
        %add3A_852 = arith.addi %mul3A_850, %add3A_851 : i32
        %mul3A_853 = arith.constant 1024 : i32
        %mul3A_854 = arith.muli %add3A_852, %mul3A_853 : i32
        %add3A_855 = vector.broadcast %mul3A_854 : i32 to vector<16xi32>
        %add3A_856 = arith.addi %get3A_278, %add3A_855 : vector<16xi32>
        %gather3A = tpu.vector_load_idx %arg5[%add3A_856] : memref<98304xf32, #tpu.memory_space<vmem>>[vector<16xi32>], vector<16xf32>,
        %mul3A_857 = arith.constant 1024 : i32
        %mul3A_858 = arith.muli %add3A_852, %mul3A_857 : i32
        %add3A_859 = vector.broadcast %mul3A_858 : i32 to vector<16xi32>
        %add3A_860 = arith.addi %get3A_282, %add3A_859 : vector<16xi32>
        %gather3A_861 = tpu.vector_load_idx %arg5[%add3A_860] : memref<98304xf32, #tpu.memory_space<vmem>>[vector<16xi32>], vector<16xf32>,
        %mul3A_862 = arith.constant 1024 : i32
        %mul3A_863 = arith.muli %add3A_852, %mul3A_862 : i32
        %add3A_864 = vector.broadcast %mul3A_863 : i32 to vector<16xi32>
        %add3A_865 = arith.addi %get3A_286, %add3A_864 : vector<16xi32>
        %gather3A_866 = tpu.vector_load_idx %arg5[%add3A_865] : memref<98304xf32, #tpu.memory_space<vmem>>[vector<16xi32>], vector<16xf32>,
        %mul3A_867 = arith.constant 1024 : i32
        %mul3A_868 = arith.muli %add3A_852, %mul3A_867 : i32
        %add3A_869 = vector.broadcast %mul3A_868 : i32 to vector<16xi32>
        %add3A_870 = arith.addi %get3A_290, %add3A_869 : vector<16xi32>
        %gather3A_871 = tpu.vector_load_idx %arg5[%add3A_870] : memref<98304xf32, #tpu.memory_space<vmem>>[vector<16xi32>], vector<16xf32>,
        %mul3A_872 = arith.constant 1024 : i32
        %mul3A_873 = arith.muli %add3A_852, %mul3A_872 : i32
        %add3A_874 = vector.broadcast %mul3A_873 : i32 to vector<16xi32>
        %add3A_875 = arith.addi %get3A_294, %add3A_874 : vector<16xi32>
        %gather3A_876 = tpu.vector_load_idx %arg5[%add3A_875] : memref<98304xf32, #tpu.memory_space<vmem>>[vector<16xi32>], vector<16xf32>,
        %mul3A_877 = arith.constant 1024 : i32
        %mul3A_878 = arith.muli %add3A_852, %mul3A_877 : i32
        %add3A_879 = vector.broadcast %mul3A_878 : i32 to vector<16xi32>
        %add3A_880 = arith.addi %get3A_298, %add3A_879 : vector<16xi32>
        %gather3A_881 = tpu.vector_load_idx %arg5[%add3A_880] : memref<98304xf32, #tpu.memory_space<vmem>>[vector<16xi32>], vector<16xf32>,
        %mul3A_882 = arith.constant 1024 : i32
        %mul3A_883 = arith.muli %add3A_852, %mul3A_882 : i32
        %add3A_884 = vector.broadcast %mul3A_883 : i32 to vector<16xi32>
        %add3A_885 = arith.addi %get3A_302, %add3A_884 : vector<16xi32>
        %gather3A_886 = tpu.vector_load_idx %arg5[%add3A_885] : memref<98304xf32, #tpu.memory_space<vmem>>[vector<16xi32>], vector<16xf32>,
        %mul3A_887 = arith.constant 1024 : i32
        %mul3A_888 = arith.muli %add3A_852, %mul3A_887 : i32
        %add3A_889 = vector.broadcast %mul3A_888 : i32 to vector<16xi32>
        %add3A_890 = arith.addi %get3A_306, %add3A_889 : vector<16xi32>
        %gather3A_891 = tpu.vector_load_idx %arg5[%add3A_890] : memref<98304xf32, #tpu.memory_space<vmem>>[vector<16xi32>], vector<16xf32>,
        %mul3A_892 = arith.constant 2 : i32
        %mul3A_893 = arith.muli %scan3A_848, %mul3A_892 : i32
        %add3A_894 = arith.constant 1 : i32
        %add3A_895 = arith.addi %mul3A_893, %add3A_894 : i32
        %mul3A_896 = arith.constant 1024 : i32
        %mul3A_897 = arith.muli %add3A_895, %mul3A_896 : i32
        %add3A_898 = vector.broadcast %mul3A_897 : i32 to vector<16xi32>
        %add3A_899 = arith.addi %get3A_278, %add3A_898 : vector<16xi32>
        %gather3A_900 = tpu.vector_load_idx %arg5[%add3A_899] : memref<98304xf32, #tpu.memory_space<vmem>>[vector<16xi32>], vector<16xf32>,
        %mul3A_901 = arith.constant 1024 : i32
        %mul3A_902 = arith.muli %add3A_895, %mul3A_901 : i32
        %add3A_903 = vector.broadcast %mul3A_902 : i32 to vector<16xi32>
        %add3A_904 = arith.addi %get3A_282, %add3A_903 : vector<16xi32>
        %gather3A_905 = tpu.vector_load_idx %arg5[%add3A_904] : memref<98304xf32, #tpu.memory_space<vmem>>[vector<16xi32>], vector<16xf32>,
        %mul3A_906 = arith.constant 1024 : i32
        %mul3A_907 = arith.muli %add3A_895, %mul3A_906 : i32
        %add3A_908 = vector.broadcast %mul3A_907 : i32 to vector<16xi32>
        %add3A_909 = arith.addi %get3A_286, %add3A_908 : vector<16xi32>
        %gather3A_910 = tpu.vector_load_idx %arg5[%add3A_909] : memref<98304xf32, #tpu.memory_space<vmem>>[vector<16xi32>], vector<16xf32>,
        %mul3A_911 = arith.constant 1024 : i32
        %mul3A_912 = arith.muli %add3A_895, %mul3A_911 : i32
        %add3A_913 = vector.broadcast %mul3A_912 : i32 to vector<16xi32>
        %add3A_914 = arith.addi %get3A_290, %add3A_913 : vector<16xi32>
        %gather3A_915 = tpu.vector_load_idx %arg5[%add3A_914] : memref<98304xf32, #tpu.memory_space<vmem>>[vector<16xi32>], vector<16xf32>,
        %mul3A_916 = arith.constant 1024 : i32
        %mul3A_917 = arith.muli %add3A_895, %mul3A_916 : i32
        %add3A_918 = vector.broadcast %mul3A_917 : i32 to vector<16xi32>
        %add3A_919 = arith.addi %get3A_294, %add3A_918 : vector<16xi32>
        %gather3A_920 = tpu.vector_load_idx %arg5[%add3A_919] : memref<98304xf32, #tpu.memory_space<vmem>>[vector<16xi32>], vector<16xf32>,
        %mul3A_921 = arith.constant 1024 : i32
        %mul3A_922 = arith.muli %add3A_895, %mul3A_921 : i32
        %add3A_923 = vector.broadcast %mul3A_922 : i32 to vector<16xi32>
        %add3A_924 = arith.addi %get3A_298, %add3A_923 : vector<16xi32>
        %gather3A_925 = tpu.vector_load_idx %arg5[%add3A_924] : memref<98304xf32, #tpu.memory_space<vmem>>[vector<16xi32>], vector<16xf32>,
        %mul3A_926 = arith.constant 1024 : i32
        %mul3A_927 = arith.muli %add3A_895, %mul3A_926 : i32
        %add3A_928 = vector.broadcast %mul3A_927 : i32 to vector<16xi32>
        %add3A_929 = arith.addi %get3A_302, %add3A_928 : vector<16xi32>
        %gather3A_930 = tpu.vector_load_idx %arg5[%add3A_929] : memref<98304xf32, #tpu.memory_space<vmem>>[vector<16xi32>], vector<16xf32>,
        %mul3A_931 = arith.constant 1024 : i32
        %mul3A_932 = arith.muli %add3A_895, %mul3A_931 : i32
        %add3A_933 = vector.broadcast %mul3A_932 : i32 to vector<16xi32>
        %add3A_934 = arith.addi %get3A_306, %add3A_933 : vector<16xi32>
        %gather3A_935 = tpu.vector_load_idx %arg5[%add3A_934] : memref<98304xf32, #tpu.memory_space<vmem>>[vector<16xi32>], vector<16xf32>,
        %swap3A = arith.constant 0 : i32
        %swap3A_936 = arith.index_cast %swap3A : i32 to index
        %swap3A_937 = arith.index_cast %add3A_852 : i32 to index
        %swap3A_938 = arith.constant 0 : index
        %swap3A_939 = tpu.vector_load %arg7[%swap3A_936, %swap3A_937, %swap3A_938] {strides = array<i32>} : memref<2x96x128xf32, #tpu.memory_space<vmem>>, vector<16xf32>,
        tpu.vector_store %arg7[%swap3A_936, %swap3A_937, %swap3A_938], %gather3A {strides = array<i32>} : memref<2x96x128xf32, #tpu.memory_space<vmem>>, vector<16xf32>,
        %swap3A_940 = arith.constant 0 : i32
        %swap3A_941 = arith.index_cast %swap3A_940 : i32 to index
        %swap3A_942 = arith.index_cast %add3A_852 : i32 to index
        %swap3A_943 = arith.constant 16 : index
        %swap3A_944 = tpu.vector_load %arg7[%swap3A_941, %swap3A_942, %swap3A_943] {strides = array<i32>} : memref<2x96x128xf32, #tpu.memory_space<vmem>>, vector<16xf32>,
        tpu.vector_store %arg7[%swap3A_941, %swap3A_942, %swap3A_943], %gather3A_861 {strides = array<i32>} : memref<2x96x128xf32, #tpu.memory_space<vmem>>, vector<16xf32>,
        %swap3A_945 = arith.constant 0 : i32
        %swap3A_946 = arith.index_cast %swap3A_945 : i32 to index
        %swap3A_947 = arith.index_cast %add3A_852 : i32 to index
        %swap3A_948 = arith.constant 32 : index
        %swap3A_949 = tpu.vector_load %arg7[%swap3A_946, %swap3A_947, %swap3A_948] {strides = array<i32>} : memref<2x96x128xf32, #tpu.memory_space<vmem>>, vector<16xf32>,
        tpu.vector_store %arg7[%swap3A_946, %swap3A_947, %swap3A_948], %gather3A_866 {strides = array<i32>} : memref<2x96x128xf32, #tpu.memory_space<vmem>>, vector<16xf32>,
        %swap3A_950 = arith.constant 0 : i32
        %swap3A_951 = arith.index_cast %swap3A_950 : i32 to index
        %swap3A_952 = arith.index_cast %add3A_852 : i32 to index
        %swap3A_953 = arith.constant 48 : index
        %swap3A_954 = tpu.vector_load %arg7[%swap3A_951, %swap3A_952, %swap3A_953] {strides = array<i32>} : memref<2x96x128xf32, #tpu.memory_space<vmem>>, vector<16xf32>,
        tpu.vector_store %arg7[%swap3A_951, %swap3A_952, %swap3A_953], %gather3A_871 {strides = array<i32>} : memref<2x96x128xf32, #tpu.memory_space<vmem>>, vector<16xf32>,
        %swap3A_955 = arith.constant 0 : i32
        %swap3A_956 = arith.index_cast %swap3A_955 : i32 to index
        %swap3A_957 = arith.index_cast %add3A_852 : i32 to index
        %swap3A_958 = arith.constant 64 : index
        %swap3A_959 = tpu.vector_load %arg7[%swap3A_956, %swap3A_957, %swap3A_958] {strides = array<i32>} : memref<2x96x128xf32, #tpu.memory_space<vmem>>, vector<16xf32>,
        tpu.vector_store %arg7[%swap3A_956, %swap3A_957, %swap3A_958], %gather3A_876 {strides = array<i32>} : memref<2x96x128xf32, #tpu.memory_space<vmem>>, vector<16xf32>,
        %swap3A_960 = arith.constant 0 : i32
        %swap3A_961 = arith.index_cast %swap3A_960 : i32 to index
        %swap3A_962 = arith.index_cast %add3A_852 : i32 to index
        %swap3A_963 = arith.constant 80 : index
        %swap3A_964 = tpu.vector_load %arg7[%swap3A_961, %swap3A_962, %swap3A_963] {strides = array<i32>} : memref<2x96x128xf32, #tpu.memory_space<vmem>>, vector<16xf32>,
        tpu.vector_store %arg7[%swap3A_961, %swap3A_962, %swap3A_963], %gather3A_881 {strides = array<i32>} : memref<2x96x128xf32, #tpu.memory_space<vmem>>, vector<16xf32>,
        %swap3A_965 = arith.constant 0 : i32
        %swap3A_966 = arith.index_cast %swap3A_965 : i32 to index
        %swap3A_967 = arith.index_cast %add3A_852 : i32 to index
        %swap3A_968 = arith.constant 96 : index
        %swap3A_969 = tpu.vector_load %arg7[%swap3A_966, %swap3A_967, %swap3A_968] {strides = array<i32>} : memref<2x96x128xf32, #tpu.memory_space<vmem>>, vector<16xf32>,
        tpu.vector_store %arg7[%swap3A_966, %swap3A_967, %swap3A_968], %gather3A_886 {strides = array<i32>} : memref<2x96x128xf32, #tpu.memory_space<vmem>>, vector<16xf32>,
        %swap3A_970 = arith.constant 0 : i32
        %swap3A_971 = arith.index_cast %swap3A_970 : i32 to index
        %swap3A_972 = arith.index_cast %add3A_852 : i32 to index
        %swap3A_973 = arith.constant 112 : index
        %swap3A_974 = tpu.vector_load %arg7[%swap3A_971, %swap3A_972, %swap3A_973] {strides = array<i32>} : memref<2x96x128xf32, #tpu.memory_space<vmem>>, vector<16xf32>,
        tpu.vector_store %arg7[%swap3A_971, %swap3A_972, %swap3A_973], %gather3A_891 {strides = array<i32>} : memref<2x96x128xf32, #tpu.memory_space<vmem>>, vector<16xf32>,
        %swap3A_975 = arith.constant 0 : i32
        %swap3A_976 = arith.index_cast %swap3A_975 : i32 to index
        %swap3A_977 = arith.index_cast %add3A_895 : i32 to index
        %swap3A_978 = arith.constant 0 : index
        %swap3A_979 = tpu.vector_load %arg7[%swap3A_976, %swap3A_977, %swap3A_978] {strides = array<i32>} : memref<2x96x128xf32, #tpu.memory_space<vmem>>, vector<16xf32>,
        tpu.vector_store %arg7[%swap3A_976, %swap3A_977, %swap3A_978], %gather3A_900 {strides = array<i32>} : memref<2x96x128xf32, #tpu.memory_space<vmem>>, vector<16xf32>,
        %swap3A_980 = arith.constant 0 : i32
        %swap3A_981 = arith.index_cast %swap3A_980 : i32 to index
        %swap3A_982 = arith.index_cast %add3A_895 : i32 to index
        %swap3A_983 = arith.constant 16 : index
        %swap3A_984 = tpu.vector_load %arg7[%swap3A_981, %swap3A_982, %swap3A_983] {strides = array<i32>} : memref<2x96x128xf32, #tpu.memory_space<vmem>>, vector<16xf32>,
        tpu.vector_store %arg7[%swap3A_981, %swap3A_982, %swap3A_983], %gather3A_905 {strides = array<i32>} : memref<2x96x128xf32, #tpu.memory_space<vmem>>, vector<16xf32>,
        %swap3A_985 = arith.constant 0 : i32
        %swap3A_986 = arith.index_cast %swap3A_985 : i32 to index
        %swap3A_987 = arith.index_cast %add3A_895 : i32 to index
        %swap3A_988 = arith.constant 32 : index
        %swap3A_989 = tpu.vector_load %arg7[%swap3A_986, %swap3A_987, %swap3A_988] {strides = array<i32>} : memref<2x96x128xf32, #tpu.memory_space<vmem>>, vector<16xf32>,
        tpu.vector_store %arg7[%swap3A_986, %swap3A_987, %swap3A_988], %gather3A_910 {strides = array<i32>} : memref<2x96x128xf32, #tpu.memory_space<vmem>>, vector<16xf32>,
        %swap3A_990 = arith.constant 0 : i32
        %swap3A_991 = arith.index_cast %swap3A_990 : i32 to index
        %swap3A_992 = arith.index_cast %add3A_895 : i32 to index
        %swap3A_993 = arith.constant 48 : index
        %swap3A_994 = tpu.vector_load %arg7[%swap3A_991, %swap3A_992, %swap3A_993] {strides = array<i32>} : memref<2x96x128xf32, #tpu.memory_space<vmem>>, vector<16xf32>,
        tpu.vector_store %arg7[%swap3A_991, %swap3A_992, %swap3A_993], %gather3A_915 {strides = array<i32>} : memref<2x96x128xf32, #tpu.memory_space<vmem>>, vector<16xf32>,
        %swap3A_995 = arith.constant 0 : i32
        %swap3A_996 = arith.index_cast %swap3A_995 : i32 to index
        %swap3A_997 = arith.index_cast %add3A_895 : i32 to index
        %swap3A_998 = arith.constant 64 : index
        %swap3A_999 = tpu.vector_load %arg7[%swap3A_996, %swap3A_997, %swap3A_998] {strides = array<i32>} : memref<2x96x128xf32, #tpu.memory_space<vmem>>, vector<16xf32>,
        tpu.vector_store %arg7[%swap3A_996, %swap3A_997, %swap3A_998], %gather3A_920 {strides = array<i32>} : memref<2x96x128xf32, #tpu.memory_space<vmem>>, vector<16xf32>,
        %swap3A_1000 = arith.constant 0 : i32
        %swap3A_1001 = arith.index_cast %swap3A_1000 : i32 to index
        %swap3A_1002 = arith.index_cast %add3A_895 : i32 to index
        %swap3A_1003 = arith.constant 80 : index
        %swap3A_1004 = tpu.vector_load %arg7[%swap3A_1001, %swap3A_1002, %swap3A_1003] {strides = array<i32>} : memref<2x96x128xf32, #tpu.memory_space<vmem>>, vector<16xf32>,
        tpu.vector_store %arg7[%swap3A_1001, %swap3A_1002, %swap3A_1003], %gather3A_925 {strides = array<i32>} : memref<2x96x128xf32, #tpu.memory_space<vmem>>, vector<16xf32>,
        %swap3A_1005 = arith.constant 0 : i32
        %swap3A_1006 = arith.index_cast %swap3A_1005 : i32 to index
        %swap3A_1007 = arith.index_cast %add3A_895 : i32 to index
        %swap3A_1008 = arith.constant 96 : index
        %swap3A_1009 = tpu.vector_load %arg7[%swap3A_1006, %swap3A_1007, %swap3A_1008] {strides = array<i32>} : memref<2x96x128xf32, #tpu.memory_space<vmem>>, vector<16xf32>,
        tpu.vector_store %arg7[%swap3A_1006, %swap3A_1007, %swap3A_1008], %gather3A_930 {strides = array<i32>} : memref<2x96x128xf32, #tpu.memory_space<vmem>>, vector<16xf32>,
        %swap3A_1010 = arith.constant 0 : i32
        %swap3A_1011 = arith.index_cast %swap3A_1010 : i32 to index
        %swap3A_1012 = arith.index_cast %add3A_895 : i32 to index
        %swap3A_1013 = arith.constant 112 : index
        %swap3A_1014 = tpu.vector_load %arg7[%swap3A_1011, %swap3A_1012, %swap3A_1013] {strides = array<i32>} : memref<2x96x128xf32, #tpu.memory_space<vmem>>, vector<16xf32>,
        tpu.vector_store %arg7[%swap3A_1011, %swap3A_1012, %swap3A_1013], %gather3A_935 {strides = array<i32>} : memref<2x96x128xf32, #tpu.memory_space<vmem>>, vector<16xf32>,
      }
      %scan3A_312 = arith.constant 48 : i32
      %mul3A_313 = arith.constant 128 : i32
      %mul3A_314 = arith.muli %add3A, %mul3A_313 : i32
      %add3A_315 = arith.addi %mul3A_314, %add3A_269 : i32
      %jit3A_316 = arith.constant 4 : i32
      %div3A_317 = arith.divsi %add3A_315, %jit3A_316 : i32
      %sign3A_318 = arith.constant 0 : i32
      %sign3A_319 = arith.cmpi sgt, %add3A_315, %sign3A_318 : i32
      %sign3A_320 = arith.extui %sign3A_319 : i1 to i32
      %sign3A_321 = arith.constant 0 : i32
      %sign3A_322 = arith.cmpi slt, %add3A_315, %sign3A_321 : i32
      %sign3A_323 = arith.extui %sign3A_322 : i1 to i32
      %sign3A_324 = arith.subi %sign3A_320, %sign3A_323 : i32
      %sign3A_325 = arith.constant 0 : i32
      %sign3A_326 = arith.cmpi sgt, %jit3A_316, %sign3A_325 : i32
      %sign3A_327 = arith.extui %sign3A_326 : i1 to i32
      %sign3A_328 = arith.constant 0 : i32
      %sign3A_329 = arith.cmpi slt, %jit3A_316, %sign3A_328 : i32
      %sign3A_330 = arith.extui %sign3A_329 : i1 to i32
      %sign3A_331 = arith.subi %sign3A_327, %sign3A_330 : i32
      %ne3A_332 = arith.cmpi ne, %sign3A_324, %sign3A_331 : i32
      %rem3A_333 = arith.remsi %add3A_315, %jit3A_316 : i32
      %ne3A_334 = arith.constant 0 : i32
      %ne3A_335 = arith.cmpi ne, %rem3A_333, %ne3A_334 : i32
      %and3A_336 = arith.andi %ne3A_332, %ne3A_335 : i1
      %sub3A_337 = arith.constant 1 : i32
      %sub3A_338 = arith.subi %div3A_317, %sub3A_337 : i32
      %select_n3A_339 = arith.select %and3A_336, %sub3A_338, %div3A_317 : i32
      %dma_start3A_340 = arith.constant 0 : i32
      %dma_start3A_341 = arith.constant 0 : i32
      %dma_start3A_342 = arith.constant 0 : i32
      %dma_start3A_343 = tpu.memref_slice %arg7[%dma_start3A_340, %dma_start3A_341, %dma_start3A_342] : memref<2x96x128xf32, #tpu.memory_space<vmem>> -> memref<1x96x128xf32, #tpu.memory_space<vmem>>
      %dma_start3A_344 = tpu.memref_squeeze %dma_start3A_343 : memref<1x96x128xf32, #tpu.memory_space<vmem>> -> memref<96x128xf32, #tpu.memory_space<vmem>>
      %dma_start3A_345 = arith.constant 0 : i32
      %dma_start3A_346 = arith.constant 0 : i32
      %dma_start3A_347 = tpu.memref_slice %arg4[%select_n3A_339, %dma_start3A_345, %dma_start3A_346] : memref<1024x96x512xf32, #tpu.memory_space<hbm>> -> memref<1x96x512xf32, #tpu.memory_space<hbm>>
      %dma_start3A_348 = tpu.memref_squeeze %dma_start3A_347 : memref<1x96x512xf32, #tpu.memory_space<hbm>> -> memref<96x512xf32, #tpu.memory_space<hbm>>
      %dma_start3A_349 = arith.constant 0 : i32
      %dma_start3A_350 = arith.constant 256 : i32
      %dma_start3A_351 = tpu.memref_slice %dma_start3A_348[%dma_start3A_349, %dma_start3A_350] : memref<96x512xf32, #tpu.memory_space<hbm>> -> memref<96x128xf32, #tpu.memory_space<hbm>>
      %dma_start3A_352 = arith.constant 0 : i32
      %dma_start3A_353 = arith.constant 0 : i32
      %dma_start3A_354 = tpu.memref_slice %arg4[%select_n3A_339, %dma_start3A_352, %dma_start3A_353] : memref<1024x96x512xf32, #tpu.memory_space<hbm>> -> memref<1x96x512xf32, #tpu.memory_space<hbm>>
      %dma_start3A_355 = tpu.memref_squeeze %dma_start3A_354 : memref<1x96x512xf32, #tpu.memory_space<hbm>> -> memref<96x512xf32, #tpu.memory_space<hbm>>
      %dma_start3A_356 = arith.constant 0 : i32
      %dma_start3A_357 = arith.constant 256 : i32
      %dma_start3A_358 = tpu.memref_slice %dma_start3A_355[%dma_start3A_356, %dma_start3A_357] : memref<96x512xf32, #tpu.memory_space<hbm>> -> memref<96x128xf32, #tpu.memory_space<hbm>>
      %dma_start3A_359 = arith.constant 0 : i32
      %dma_start3A_360 = arith.constant 0 : i32
      %dma_start3A_361 = tpu.memref_slice %arg7[%dma_start3A_340, %dma_start3A_359, %dma_start3A_360] : memref<2x96x128xf32, #tpu.memory_space<vmem>> -> memref<1x96x128xf32, #tpu.memory_space<vmem>>
      %dma_start3A_362 = tpu.memref_squeeze %dma_start3A_361 : memref<1x96x128xf32, #tpu.memory_space<vmem>> -> memref<96x128xf32, #tpu.memory_space<vmem>>
      tpu.enqueue_dma source(%dma_start3A_362 : memref<96x128xf32, #tpu.memory_space<vmem>>) target(%dma_start3A_358 : memref<96x128xf32, #tpu.memory_space<hbm>>) target_semaphore(%arg8 : memref<!tpu.dma_semaphore, #tpu.memory_space<semaphore_mem>>)
      %mul3A_363 = arith.constant 8 : i32
      %mul3A_364 = arith.muli %scan3A_71, %mul3A_363 : i32
      %add3A_365 = arith.constant 3 : i32
      %add3A_366 = arith.addi %mul3A_364, %add3A_365 : i32
      %ge3A_367 = arith.constant 2 : i32
      %ge3A_368 = arith.cmpi sge, %add3A_366, %ge3A_367 : i32
      %convert_element_type3A_369 = arith.extui %ge3A_368 : i1 to i32
      %cond3A_370 = arith.constant 0 : i32
      %cond3A_371 = arith.cmpi ne, %convert_element_type3A_369, %cond3A_370 : i32
      scf.if %cond3A_371 {
        %dma_wait3A_848 = arith.constant 1 : i32
        %dma_wait3A_849 = arith.constant 0 : i32
        %dma_wait3A_850 = arith.constant 0 : i32
        %dma_wait3A_851 = arith.constant 0 : i32
        %dma_wait3A_852 = tpu.memref_slice %arg7[%dma_wait3A_848, %dma_wait3A_850, %dma_wait3A_851] : memref<2x96x128xf32, #tpu.memory_space<vmem>> -> memref<1x96x128xf32, #tpu.memory_space<vmem>>
        %dma_wait3A_853 = tpu.memref_squeeze %dma_wait3A_852 : memref<1x96x128xf32, #tpu.memory_space<vmem>> -> memref<96x128xf32, #tpu.memory_space<vmem>>
        %dma_wait3A_854 = arith.constant 0 : i32
        %dma_wait3A_855 = arith.constant 0 : i32
        %dma_wait3A_856 = tpu.memref_slice %arg4[%dma_wait3A_849, %dma_wait3A_854, %dma_wait3A_855] : memref<1024x96x512xf32, #tpu.memory_space<hbm>> -> memref<1x96x512xf32, #tpu.memory_space<hbm>>
        %dma_wait3A_857 = tpu.memref_squeeze %dma_wait3A_856 : memref<1x96x512xf32, #tpu.memory_space<hbm>> -> memref<96x512xf32, #tpu.memory_space<hbm>>
        %dma_wait3A_858 = arith.constant 0 : i32
        %dma_wait3A_859 = arith.constant 0 : i32
        %dma_wait3A_860 = tpu.memref_slice %dma_wait3A_857[%dma_wait3A_858, %dma_wait3A_859] : memref<96x512xf32, #tpu.memory_space<hbm>> -> memref<96x128xf32, #tpu.memory_space<hbm>>
        %dma_wait3A_861 = arith.constant 0 : i32
        %dma_wait3A_862 = arith.constant 0 : i32
        %dma_wait3A_863 = tpu.memref_slice %arg4[%dma_wait3A_849, %dma_wait3A_861, %dma_wait3A_862] : memref<1024x96x512xf32, #tpu.memory_space<hbm>> -> memref<1x96x512xf32, #tpu.memory_space<hbm>>
        %dma_wait3A_864 = tpu.memref_squeeze %dma_wait3A_863 : memref<1x96x512xf32, #tpu.memory_space<hbm>> -> memref<96x512xf32, #tpu.memory_space<hbm>>
        %dma_wait3A_865 = arith.constant 0 : i32
        %dma_wait3A_866 = arith.constant 0 : i32
        %dma_wait3A_867 = tpu.memref_slice %dma_wait3A_864[%dma_wait3A_865, %dma_wait3A_866] : memref<96x512xf32, #tpu.memory_space<hbm>> -> memref<96x128xf32, #tpu.memory_space<hbm>>
        %dma_wait3A_868 = arith.constant 0 : i32
        %dma_wait3A_869 = arith.constant 0 : i32
        %dma_wait3A_870 = tpu.memref_slice %arg7[%dma_wait3A_848, %dma_wait3A_868, %dma_wait3A_869] : memref<2x96x128xf32, #tpu.memory_space<vmem>> -> memref<1x96x128xf32, #tpu.memory_space<vmem>>
        %dma_wait3A_871 = tpu.memref_squeeze %dma_wait3A_870 : memref<1x96x128xf32, #tpu.memory_space<vmem>> -> memref<96x128xf32, #tpu.memory_space<vmem>>
        tpu.wait_dma2 semaphore(%arg9 : memref<!tpu.dma_semaphore, #tpu.memory_space<semaphore_mem>>) src(%dma_wait3A_871 : memref<96x128xf32, #tpu.memory_space<vmem>>) dst(%dma_wait3A_867 : memref<96x128xf32, #tpu.memory_space<hbm>>)
      } else {
      }
      %get3A_372 = arith.constant 3 : i32
      %get3A_373 = arith.index_cast %get3A_372 : i32 to index
      %get3A_374 = arith.constant 0 : index
      %get3A_375 = tpu.vector_load %arg6[%get3A_373, %get3A_374] {strides = array<i32>} : memref<8x128xi32, #tpu.memory_space<vmem>>, vector<16xi32>,
      %get3A_376 = arith.constant 3 : i32
      %get3A_377 = arith.index_cast %get3A_376 : i32 to index
      %get3A_378 = arith.constant 16 : index
      %get3A_379 = tpu.vector_load %arg6[%get3A_377, %get3A_378] {strides = array<i32>} : memref<8x128xi32, #tpu.memory_space<vmem>>, vector<16xi32>,
      %get3A_380 = arith.constant 3 : i32
      %get3A_381 = arith.index_cast %get3A_380 : i32 to index
      %get3A_382 = arith.constant 32 : index
      %get3A_383 = tpu.vector_load %arg6[%get3A_381, %get3A_382] {strides = array<i32>} : memref<8x128xi32, #tpu.memory_space<vmem>>, vector<16xi32>,
      %get3A_384 = arith.constant 3 : i32
      %get3A_385 = arith.index_cast %get3A_384 : i32 to index
      %get3A_386 = arith.constant 48 : index
      %get3A_387 = tpu.vector_load %arg6[%get3A_385, %get3A_386] {strides = array<i32>} : memref<8x128xi32, #tpu.memory_space<vmem>>, vector<16xi32>,
      %get3A_388 = arith.constant 3 : i32
      %get3A_389 = arith.index_cast %get3A_388 : i32 to index
      %get3A_390 = arith.constant 64 : index
      %get3A_391 = tpu.vector_load %arg6[%get3A_389, %get3A_390] {strides = array<i32>} : memref<8x128xi32, #tpu.memory_space<vmem>>, vector<16xi32>,
      %get3A_392 = arith.constant 3 : i32
      %get3A_393 = arith.index_cast %get3A_392 : i32 to index
      %get3A_394 = arith.constant 80 : index
      %get3A_395 = tpu.vector_load %arg6[%get3A_393, %get3A_394] {strides = array<i32>} : memref<8x128xi32, #tpu.memory_space<vmem>>, vector<16xi32>,
      %get3A_396 = arith.constant 3 : i32
      %get3A_397 = arith.index_cast %get3A_396 : i32 to index
      %get3A_398 = arith.constant 96 : index
      %get3A_399 = tpu.vector_load %arg6[%get3A_397, %get3A_398] {strides = array<i32>} : memref<8x128xi32, #tpu.memory_space<vmem>>, vector<16xi32>,
      %get3A_400 = arith.constant 3 : i32
      %get3A_401 = arith.index_cast %get3A_400 : i32 to index
      %get3A_402 = arith.constant 112 : index
      %get3A_403 = tpu.vector_load %arg6[%get3A_401, %get3A_402] {strides = array<i32>} : memref<8x128xi32, #tpu.memory_space<vmem>>, vector<16xi32>,
      %scan3A_404 = arith.constant 0 : i32
      %scan3A_405 = arith.constant 0 : i32
      %scan3A_406 = arith.constant 48 : i32
      %scan3A_407 = arith.addi %scan3A_405, %scan3A_406 : i32
      %scan3A_408 = arith.constant 1 : i32
      scf.for %scan3A_848 = %scan3A_405 to %scan3A_407 step %scan3A_408  : i32 {
        %mul3A_849 = arith.constant 2 : i32
        %mul3A_850 = arith.muli %scan3A_848, %mul3A_849 : i32
        %add3A_851 = arith.constant 0 : i32
        %add3A_852 = arith.addi %mul3A_850, %add3A_851 : i32
        %mul3A_853 = arith.constant 1024 : i32
        %mul3A_854 = arith.muli %add3A_852, %mul3A_853 : i32
        %add3A_855 = vector.broadcast %mul3A_854 : i32 to vector<16xi32>
        %add3A_856 = arith.addi %get3A_375, %add3A_855 : vector<16xi32>
        %gather3A = tpu.vector_load_idx %arg5[%add3A_856] : memref<98304xf32, #tpu.memory_space<vmem>>[vector<16xi32>], vector<16xf32>,
        %mul3A_857 = arith.constant 1024 : i32
        %mul3A_858 = arith.muli %add3A_852, %mul3A_857 : i32
        %add3A_859 = vector.broadcast %mul3A_858 : i32 to vector<16xi32>
        %add3A_860 = arith.addi %get3A_379, %add3A_859 : vector<16xi32>
        %gather3A_861 = tpu.vector_load_idx %arg5[%add3A_860] : memref<98304xf32, #tpu.memory_space<vmem>>[vector<16xi32>], vector<16xf32>,
        %mul3A_862 = arith.constant 1024 : i32
        %mul3A_863 = arith.muli %add3A_852, %mul3A_862 : i32
        %add3A_864 = vector.broadcast %mul3A_863 : i32 to vector<16xi32>
        %add3A_865 = arith.addi %get3A_383, %add3A_864 : vector<16xi32>
        %gather3A_866 = tpu.vector_load_idx %arg5[%add3A_865] : memref<98304xf32, #tpu.memory_space<vmem>>[vector<16xi32>], vector<16xf32>,
        %mul3A_867 = arith.constant 1024 : i32
        %mul3A_868 = arith.muli %add3A_852, %mul3A_867 : i32
        %add3A_869 = vector.broadcast %mul3A_868 : i32 to vector<16xi32>
        %add3A_870 = arith.addi %get3A_387, %add3A_869 : vector<16xi32>
        %gather3A_871 = tpu.vector_load_idx %arg5[%add3A_870] : memref<98304xf32, #tpu.memory_space<vmem>>[vector<16xi32>], vector<16xf32>,
        %mul3A_872 = arith.constant 1024 : i32
        %mul3A_873 = arith.muli %add3A_852, %mul3A_872 : i32
        %add3A_874 = vector.broadcast %mul3A_873 : i32 to vector<16xi32>
        %add3A_875 = arith.addi %get3A_391, %add3A_874 : vector<16xi32>
        %gather3A_876 = tpu.vector_load_idx %arg5[%add3A_875] : memref<98304xf32, #tpu.memory_space<vmem>>[vector<16xi32>], vector<16xf32>,
        %mul3A_877 = arith.constant 1024 : i32
        %mul3A_878 = arith.muli %add3A_852, %mul3A_877 : i32
        %add3A_879 = vector.broadcast %mul3A_878 : i32 to vector<16xi32>
        %add3A_880 = arith.addi %get3A_395, %add3A_879 : vector<16xi32>
        %gather3A_881 = tpu.vector_load_idx %arg5[%add3A_880] : memref<98304xf32, #tpu.memory_space<vmem>>[vector<16xi32>], vector<16xf32>,
        %mul3A_882 = arith.constant 1024 : i32
        %mul3A_883 = arith.muli %add3A_852, %mul3A_882 : i32
        %add3A_884 = vector.broadcast %mul3A_883 : i32 to vector<16xi32>
        %add3A_885 = arith.addi %get3A_399, %add3A_884 : vector<16xi32>
        %gather3A_886 = tpu.vector_load_idx %arg5[%add3A_885] : memref<98304xf32, #tpu.memory_space<vmem>>[vector<16xi32>], vector<16xf32>,
        %mul3A_887 = arith.constant 1024 : i32
        %mul3A_888 = arith.muli %add3A_852, %mul3A_887 : i32
        %add3A_889 = vector.broadcast %mul3A_888 : i32 to vector<16xi32>
        %add3A_890 = arith.addi %get3A_403, %add3A_889 : vector<16xi32>
        %gather3A_891 = tpu.vector_load_idx %arg5[%add3A_890] : memref<98304xf32, #tpu.memory_space<vmem>>[vector<16xi32>], vector<16xf32>,
        %mul3A_892 = arith.constant 2 : i32
        %mul3A_893 = arith.muli %scan3A_848, %mul3A_892 : i32
        %add3A_894 = arith.constant 1 : i32
        %add3A_895 = arith.addi %mul3A_893, %add3A_894 : i32
        %mul3A_896 = arith.constant 1024 : i32
        %mul3A_897 = arith.muli %add3A_895, %mul3A_896 : i32
        %add3A_898 = vector.broadcast %mul3A_897 : i32 to vector<16xi32>
        %add3A_899 = arith.addi %get3A_375, %add3A_898 : vector<16xi32>
        %gather3A_900 = tpu.vector_load_idx %arg5[%add3A_899] : memref<98304xf32, #tpu.memory_space<vmem>>[vector<16xi32>], vector<16xf32>,
        %mul3A_901 = arith.constant 1024 : i32
        %mul3A_902 = arith.muli %add3A_895, %mul3A_901 : i32
        %add3A_903 = vector.broadcast %mul3A_902 : i32 to vector<16xi32>
        %add3A_904 = arith.addi %get3A_379, %add3A_903 : vector<16xi32>
        %gather3A_905 = tpu.vector_load_idx %arg5[%add3A_904] : memref<98304xf32, #tpu.memory_space<vmem>>[vector<16xi32>], vector<16xf32>,
        %mul3A_906 = arith.constant 1024 : i32
        %mul3A_907 = arith.muli %add3A_895, %mul3A_906 : i32
        %add3A_908 = vector.broadcast %mul3A_907 : i32 to vector<16xi32>
        %add3A_909 = arith.addi %get3A_383, %add3A_908 : vector<16xi32>
        %gather3A_910 = tpu.vector_load_idx %arg5[%add3A_909] : memref<98304xf32, #tpu.memory_space<vmem>>[vector<16xi32>], vector<16xf32>,
        %mul3A_911 = arith.constant 1024 : i32
        %mul3A_912 = arith.muli %add3A_895, %mul3A_911 : i32
        %add3A_913 = vector.broadcast %mul3A_912 : i32 to vector<16xi32>
        %add3A_914 = arith.addi %get3A_387, %add3A_913 : vector<16xi32>
        %gather3A_915 = tpu.vector_load_idx %arg5[%add3A_914] : memref<98304xf32, #tpu.memory_space<vmem>>[vector<16xi32>], vector<16xf32>,
        %mul3A_916 = arith.constant 1024 : i32
        %mul3A_917 = arith.muli %add3A_895, %mul3A_916 : i32
        %add3A_918 = vector.broadcast %mul3A_917 : i32 to vector<16xi32>
        %add3A_919 = arith.addi %get3A_391, %add3A_918 : vector<16xi32>
        %gather3A_920 = tpu.vector_load_idx %arg5[%add3A_919] : memref<98304xf32, #tpu.memory_space<vmem>>[vector<16xi32>], vector<16xf32>,
        %mul3A_921 = arith.constant 1024 : i32
        %mul3A_922 = arith.muli %add3A_895, %mul3A_921 : i32
        %add3A_923 = vector.broadcast %mul3A_922 : i32 to vector<16xi32>
        %add3A_924 = arith.addi %get3A_395, %add3A_923 : vector<16xi32>
        %gather3A_925 = tpu.vector_load_idx %arg5[%add3A_924] : memref<98304xf32, #tpu.memory_space<vmem>>[vector<16xi32>], vector<16xf32>,
        %mul3A_926 = arith.constant 1024 : i32
        %mul3A_927 = arith.muli %add3A_895, %mul3A_926 : i32
        %add3A_928 = vector.broadcast %mul3A_927 : i32 to vector<16xi32>
        %add3A_929 = arith.addi %get3A_399, %add3A_928 : vector<16xi32>
        %gather3A_930 = tpu.vector_load_idx %arg5[%add3A_929] : memref<98304xf32, #tpu.memory_space<vmem>>[vector<16xi32>], vector<16xf32>,
        %mul3A_931 = arith.constant 1024 : i32
        %mul3A_932 = arith.muli %add3A_895, %mul3A_931 : i32
        %add3A_933 = vector.broadcast %mul3A_932 : i32 to vector<16xi32>
        %add3A_934 = arith.addi %get3A_403, %add3A_933 : vector<16xi32>
        %gather3A_935 = tpu.vector_load_idx %arg5[%add3A_934] : memref<98304xf32, #tpu.memory_space<vmem>>[vector<16xi32>], vector<16xf32>,
        %swap3A = arith.constant 1 : i32
        %swap3A_936 = arith.index_cast %swap3A : i32 to index
        %swap3A_937 = arith.index_cast %add3A_852 : i32 to index
        %swap3A_938 = arith.constant 0 : index
        %swap3A_939 = tpu.vector_load %arg7[%swap3A_936, %swap3A_937, %swap3A_938] {strides = array<i32>} : memref<2x96x128xf32, #tpu.memory_space<vmem>>, vector<16xf32>,
        tpu.vector_store %arg7[%swap3A_936, %swap3A_937, %swap3A_938], %gather3A {strides = array<i32>} : memref<2x96x128xf32, #tpu.memory_space<vmem>>, vector<16xf32>,
        %swap3A_940 = arith.constant 1 : i32
        %swap3A_941 = arith.index_cast %swap3A_940 : i32 to index
        %swap3A_942 = arith.index_cast %add3A_852 : i32 to index
        %swap3A_943 = arith.constant 16 : index
        %swap3A_944 = tpu.vector_load %arg7[%swap3A_941, %swap3A_942, %swap3A_943] {strides = array<i32>} : memref<2x96x128xf32, #tpu.memory_space<vmem>>, vector<16xf32>,
        tpu.vector_store %arg7[%swap3A_941, %swap3A_942, %swap3A_943], %gather3A_861 {strides = array<i32>} : memref<2x96x128xf32, #tpu.memory_space<vmem>>, vector<16xf32>,
        %swap3A_945 = arith.constant 1 : i32
        %swap3A_946 = arith.index_cast %swap3A_945 : i32 to index
        %swap3A_947 = arith.index_cast %add3A_852 : i32 to index
        %swap3A_948 = arith.constant 32 : index
        %swap3A_949 = tpu.vector_load %arg7[%swap3A_946, %swap3A_947, %swap3A_948] {strides = array<i32>} : memref<2x96x128xf32, #tpu.memory_space<vmem>>, vector<16xf32>,
        tpu.vector_store %arg7[%swap3A_946, %swap3A_947, %swap3A_948], %gather3A_866 {strides = array<i32>} : memref<2x96x128xf32, #tpu.memory_space<vmem>>, vector<16xf32>,
        %swap3A_950 = arith.constant 1 : i32
        %swap3A_951 = arith.index_cast %swap3A_950 : i32 to index
        %swap3A_952 = arith.index_cast %add3A_852 : i32 to index
        %swap3A_953 = arith.constant 48 : index
        %swap3A_954 = tpu.vector_load %arg7[%swap3A_951, %swap3A_952, %swap3A_953] {strides = array<i32>} : memref<2x96x128xf32, #tpu.memory_space<vmem>>, vector<16xf32>,
        tpu.vector_store %arg7[%swap3A_951, %swap3A_952, %swap3A_953], %gather3A_871 {strides = array<i32>} : memref<2x96x128xf32, #tpu.memory_space<vmem>>, vector<16xf32>,
        %swap3A_955 = arith.constant 1 : i32
        %swap3A_956 = arith.index_cast %swap3A_955 : i32 to index
        %swap3A_957 = arith.index_cast %add3A_852 : i32 to index
        %swap3A_958 = arith.constant 64 : index
        %swap3A_959 = tpu.vector_load %arg7[%swap3A_956, %swap3A_957, %swap3A_958] {strides = array<i32>} : memref<2x96x128xf32, #tpu.memory_space<vmem>>, vector<16xf32>,
        tpu.vector_store %arg7[%swap3A_956, %swap3A_957, %swap3A_958], %gather3A_876 {strides = array<i32>} : memref<2x96x128xf32, #tpu.memory_space<vmem>>, vector<16xf32>,
        %swap3A_960 = arith.constant 1 : i32
        %swap3A_961 = arith.index_cast %swap3A_960 : i32 to index
        %swap3A_962 = arith.index_cast %add3A_852 : i32 to index
        %swap3A_963 = arith.constant 80 : index
        %swap3A_964 = tpu.vector_load %arg7[%swap3A_961, %swap3A_962, %swap3A_963] {strides = array<i32>} : memref<2x96x128xf32, #tpu.memory_space<vmem>>, vector<16xf32>,
        tpu.vector_store %arg7[%swap3A_961, %swap3A_962, %swap3A_963], %gather3A_881 {strides = array<i32>} : memref<2x96x128xf32, #tpu.memory_space<vmem>>, vector<16xf32>,
        %swap3A_965 = arith.constant 1 : i32
        %swap3A_966 = arith.index_cast %swap3A_965 : i32 to index
        %swap3A_967 = arith.index_cast %add3A_852 : i32 to index
        %swap3A_968 = arith.constant 96 : index
        %swap3A_969 = tpu.vector_load %arg7[%swap3A_966, %swap3A_967, %swap3A_968] {strides = array<i32>} : memref<2x96x128xf32, #tpu.memory_space<vmem>>, vector<16xf32>,
        tpu.vector_store %arg7[%swap3A_966, %swap3A_967, %swap3A_968], %gather3A_886 {strides = array<i32>} : memref<2x96x128xf32, #tpu.memory_space<vmem>>, vector<16xf32>,
        %swap3A_970 = arith.constant 1 : i32
        %swap3A_971 = arith.index_cast %swap3A_970 : i32 to index
        %swap3A_972 = arith.index_cast %add3A_852 : i32 to index
        %swap3A_973 = arith.constant 112 : index
        %swap3A_974 = tpu.vector_load %arg7[%swap3A_971, %swap3A_972, %swap3A_973] {strides = array<i32>} : memref<2x96x128xf32, #tpu.memory_space<vmem>>, vector<16xf32>,
        tpu.vector_store %arg7[%swap3A_971, %swap3A_972, %swap3A_973], %gather3A_891 {strides = array<i32>} : memref<2x96x128xf32, #tpu.memory_space<vmem>>, vector<16xf32>,
        %swap3A_975 = arith.constant 1 : i32
        %swap3A_976 = arith.index_cast %swap3A_975 : i32 to index
        %swap3A_977 = arith.index_cast %add3A_895 : i32 to index
        %swap3A_978 = arith.constant 0 : index
        %swap3A_979 = tpu.vector_load %arg7[%swap3A_976, %swap3A_977, %swap3A_978] {strides = array<i32>} : memref<2x96x128xf32, #tpu.memory_space<vmem>>, vector<16xf32>,
        tpu.vector_store %arg7[%swap3A_976, %swap3A_977, %swap3A_978], %gather3A_900 {strides = array<i32>} : memref<2x96x128xf32, #tpu.memory_space<vmem>>, vector<16xf32>,
        %swap3A_980 = arith.constant 1 : i32
        %swap3A_981 = arith.index_cast %swap3A_980 : i32 to index
        %swap3A_982 = arith.index_cast %add3A_895 : i32 to index
        %swap3A_983 = arith.constant 16 : index
        %swap3A_984 = tpu.vector_load %arg7[%swap3A_981, %swap3A_982, %swap3A_983] {strides = array<i32>} : memref<2x96x128xf32, #tpu.memory_space<vmem>>, vector<16xf32>,
        tpu.vector_store %arg7[%swap3A_981, %swap3A_982, %swap3A_983], %gather3A_905 {strides = array<i32>} : memref<2x96x128xf32, #tpu.memory_space<vmem>>, vector<16xf32>,
        %swap3A_985 = arith.constant 1 : i32
        %swap3A_986 = arith.index_cast %swap3A_985 : i32 to index
        %swap3A_987 = arith.index_cast %add3A_895 : i32 to index
        %swap3A_988 = arith.constant 32 : index
        %swap3A_989 = tpu.vector_load %arg7[%swap3A_986, %swap3A_987, %swap3A_988] {strides = array<i32>} : memref<2x96x128xf32, #tpu.memory_space<vmem>>, vector<16xf32>,
        tpu.vector_store %arg7[%swap3A_986, %swap3A_987, %swap3A_988], %gather3A_910 {strides = array<i32>} : memref<2x96x128xf32, #tpu.memory_space<vmem>>, vector<16xf32>,
        %swap3A_990 = arith.constant 1 : i32
        %swap3A_991 = arith.index_cast %swap3A_990 : i32 to index
        %swap3A_992 = arith.index_cast %add3A_895 : i32 to index
        %swap3A_993 = arith.constant 48 : index
        %swap3A_994 = tpu.vector_load %arg7[%swap3A_991, %swap3A_992, %swap3A_993] {strides = array<i32>} : memref<2x96x128xf32, #tpu.memory_space<vmem>>, vector<16xf32>,
        tpu.vector_store %arg7[%swap3A_991, %swap3A_992, %swap3A_993], %gather3A_915 {strides = array<i32>} : memref<2x96x128xf32, #tpu.memory_space<vmem>>, vector<16xf32>,
        %swap3A_995 = arith.constant 1 : i32
        %swap3A_996 = arith.index_cast %swap3A_995 : i32 to index
        %swap3A_997 = arith.index_cast %add3A_895 : i32 to index
        %swap3A_998 = arith.constant 64 : index
        %swap3A_999 = tpu.vector_load %arg7[%swap3A_996, %swap3A_997, %swap3A_998] {strides = array<i32>} : memref<2x96x128xf32, #tpu.memory_space<vmem>>, vector<16xf32>,
        tpu.vector_store %arg7[%swap3A_996, %swap3A_997, %swap3A_998], %gather3A_920 {strides = array<i32>} : memref<2x96x128xf32, #tpu.memory_space<vmem>>, vector<16xf32>,
        %swap3A_1000 = arith.constant 1 : i32
        %swap3A_1001 = arith.index_cast %swap3A_1000 : i32 to index
        %swap3A_1002 = arith.index_cast %add3A_895 : i32 to index
        %swap3A_1003 = arith.constant 80 : index
        %swap3A_1004 = tpu.vector_load %arg7[%swap3A_1001, %swap3A_1002, %swap3A_1003] {strides = array<i32>} : memref<2x96x128xf32, #tpu.memory_space<vmem>>, vector<16xf32>,
        tpu.vector_store %arg7[%swap3A_1001, %swap3A_1002, %swap3A_1003], %gather3A_925 {strides = array<i32>} : memref<2x96x128xf32, #tpu.memory_space<vmem>>, vector<16xf32>,
        %swap3A_1005 = arith.constant 1 : i32
        %swap3A_1006 = arith.index_cast %swap3A_1005 : i32 to index
        %swap3A_1007 = arith.index_cast %add3A_895 : i32 to index
        %swap3A_1008 = arith.constant 96 : index
        %swap3A_1009 = tpu.vector_load %arg7[%swap3A_1006, %swap3A_1007, %swap3A_1008] {strides = array<i32>} : memref<2x96x128xf32, #tpu.memory_space<vmem>>, vector<16xf32>,
        tpu.vector_store %arg7[%swap3A_1006, %swap3A_1007, %swap3A_1008], %gather3A_930 {strides = array<i32>} : memref<2x96x128xf32, #tpu.memory_space<vmem>>, vector<16xf32>,
        %swap3A_1010 = arith.constant 1 : i32
        %swap3A_1011 = arith.index_cast %swap3A_1010 : i32 to index
        %swap3A_1012 = arith.index_cast %add3A_895 : i32 to index
        %swap3A_1013 = arith.constant 112 : index
        %swap3A_1014 = tpu.vector_load %arg7[%swap3A_1011, %swap3A_1012, %swap3A_1013] {strides = array<i32>} : memref<2x96x128xf32, #tpu.memory_space<vmem>>, vector<16xf32>,
        tpu.vector_store %arg7[%swap3A_1011, %swap3A_1012, %swap3A_1013], %gather3A_935 {strides = array<i32>} : memref<2x96x128xf32, #tpu.memory_space<vmem>>, vector<16xf32>,
      }
      %scan3A_409 = arith.constant 48 : i32
      %mul3A_410 = arith.constant 128 : i32
      %mul3A_411 = arith.muli %add3A, %mul3A_410 : i32
      %add3A_412 = arith.addi %mul3A_411, %add3A_366 : i32
      %jit3A_413 = arith.constant 4 : i32
      %div3A_414 = arith.divsi %add3A_412, %jit3A_413 : i32
      %sign3A_415 = arith.constant 0 : i32
      %sign3A_416 = arith.cmpi sgt, %add3A_412, %sign3A_415 : i32
      %sign3A_417 = arith.extui %sign3A_416 : i1 to i32
      %sign3A_418 = arith.constant 0 : i32
      %sign3A_419 = arith.cmpi slt, %add3A_412, %sign3A_418 : i32
      %sign3A_420 = arith.extui %sign3A_419 : i1 to i32
      %sign3A_421 = arith.subi %sign3A_417, %sign3A_420 : i32
      %sign3A_422 = arith.constant 0 : i32
      %sign3A_423 = arith.cmpi sgt, %jit3A_413, %sign3A_422 : i32
      %sign3A_424 = arith.extui %sign3A_423 : i1 to i32
      %sign3A_425 = arith.constant 0 : i32
      %sign3A_426 = arith.cmpi slt, %jit3A_413, %sign3A_425 : i32
      %sign3A_427 = arith.extui %sign3A_426 : i1 to i32
      %sign3A_428 = arith.subi %sign3A_424, %sign3A_427 : i32
      %ne3A_429 = arith.cmpi ne, %sign3A_421, %sign3A_428 : i32
      %rem3A_430 = arith.remsi %add3A_412, %jit3A_413 : i32
      %ne3A_431 = arith.constant 0 : i32
      %ne3A_432 = arith.cmpi ne, %rem3A_430, %ne3A_431 : i32
      %and3A_433 = arith.andi %ne3A_429, %ne3A_432 : i1
      %sub3A_434 = arith.constant 1 : i32
      %sub3A_435 = arith.subi %div3A_414, %sub3A_434 : i32
      %select_n3A_436 = arith.select %and3A_433, %sub3A_435, %div3A_414 : i32
      %dma_start3A_437 = arith.constant 1 : i32
      %dma_start3A_438 = arith.constant 0 : i32
      %dma_start3A_439 = arith.constant 0 : i32
      %dma_start3A_440 = tpu.memref_slice %arg7[%dma_start3A_437, %dma_start3A_438, %dma_start3A_439] : memref<2x96x128xf32, #tpu.memory_space<vmem>> -> memref<1x96x128xf32, #tpu.memory_space<vmem>>
      %dma_start3A_441 = tpu.memref_squeeze %dma_start3A_440 : memref<1x96x128xf32, #tpu.memory_space<vmem>> -> memref<96x128xf32, #tpu.memory_space<vmem>>
      %dma_start3A_442 = arith.constant 0 : i32
      %dma_start3A_443 = arith.constant 0 : i32
      %dma_start3A_444 = tpu.memref_slice %arg4[%select_n3A_436, %dma_start3A_442, %dma_start3A_443] : memref<1024x96x512xf32, #tpu.memory_space<hbm>> -> memref<1x96x512xf32, #tpu.memory_space<hbm>>
      %dma_start3A_445 = tpu.memref_squeeze %dma_start3A_444 : memref<1x96x512xf32, #tpu.memory_space<hbm>> -> memref<96x512xf32, #tpu.memory_space<hbm>>
      %dma_start3A_446 = arith.constant 0 : i32
      %dma_start3A_447 = arith.constant 384 : i32
      %dma_start3A_448 = tpu.memref_slice %dma_start3A_445[%dma_start3A_446, %dma_start3A_447] : memref<96x512xf32, #tpu.memory_space<hbm>> -> memref<96x128xf32, #tpu.memory_space<hbm>>
      %dma_start3A_449 = arith.constant 0 : i32
      %dma_start3A_450 = arith.constant 0 : i32
      %dma_start3A_451 = tpu.memref_slice %arg4[%select_n3A_436, %dma_start3A_449, %dma_start3A_450] : memref<1024x96x512xf32, #tpu.memory_space<hbm>> -> memref<1x96x512xf32, #tpu.memory_space<hbm>>
      %dma_start3A_452 = tpu.memref_squeeze %dma_start3A_451 : memref<1x96x512xf32, #tpu.memory_space<hbm>> -> memref<96x512xf32, #tpu.memory_space<hbm>>
      %dma_start3A_453 = arith.constant 0 : i32
      %dma_start3A_454 = arith.constant 384 : i32
      %dma_start3A_455 = tpu.memref_slice %dma_start3A_452[%dma_start3A_453, %dma_start3A_454] : memref<96x512xf32, #tpu.memory_space<hbm>> -> memref<96x128xf32, #tpu.memory_space<hbm>>
      %dma_start3A_456 = arith.constant 0 : i32
      %dma_start3A_457 = arith.constant 0 : i32
      %dma_start3A_458 = tpu.memref_slice %arg7[%dma_start3A_437, %dma_start3A_456, %dma_start3A_457] : memref<2x96x128xf32, #tpu.memory_space<vmem>> -> memref<1x96x128xf32, #tpu.memory_space<vmem>>
      %dma_start3A_459 = tpu.memref_squeeze %dma_start3A_458 : memref<1x96x128xf32, #tpu.memory_space<vmem>> -> memref<96x128xf32, #tpu.memory_space<vmem>>
      tpu.enqueue_dma source(%dma_start3A_459 : memref<96x128xf32, #tpu.memory_space<vmem>>) target(%dma_start3A_455 : memref<96x128xf32, #tpu.memory_space<hbm>>) target_semaphore(%arg9 : memref<!tpu.dma_semaphore, #tpu.memory_space<semaphore_mem>>)
      %mul3A_460 = arith.constant 8 : i32
      %mul3A_461 = arith.muli %scan3A_71, %mul3A_460 : i32
      %add3A_462 = arith.constant 4 : i32
      %add3A_463 = arith.addi %mul3A_461, %add3A_462 : i32
      %ge3A_464 = arith.constant 2 : i32
      %ge3A_465 = arith.cmpi sge, %add3A_463, %ge3A_464 : i32
      %convert_element_type3A_466 = arith.extui %ge3A_465 : i1 to i32
      %cond3A_467 = arith.constant 0 : i32
      %cond3A_468 = arith.cmpi ne, %convert_element_type3A_466, %cond3A_467 : i32
      scf.if %cond3A_468 {
        %dma_wait3A_848 = arith.constant 0 : i32
        %dma_wait3A_849 = arith.constant 0 : i32
        %dma_wait3A_850 = arith.constant 0 : i32
        %dma_wait3A_851 = arith.constant 0 : i32
        %dma_wait3A_852 = tpu.memref_slice %arg7[%dma_wait3A_848, %dma_wait3A_850, %dma_wait3A_851] : memref<2x96x128xf32, #tpu.memory_space<vmem>> -> memref<1x96x128xf32, #tpu.memory_space<vmem>>
        %dma_wait3A_853 = tpu.memref_squeeze %dma_wait3A_852 : memref<1x96x128xf32, #tpu.memory_space<vmem>> -> memref<96x128xf32, #tpu.memory_space<vmem>>
        %dma_wait3A_854 = arith.constant 0 : i32
        %dma_wait3A_855 = arith.constant 0 : i32
        %dma_wait3A_856 = tpu.memref_slice %arg4[%dma_wait3A_849, %dma_wait3A_854, %dma_wait3A_855] : memref<1024x96x512xf32, #tpu.memory_space<hbm>> -> memref<1x96x512xf32, #tpu.memory_space<hbm>>
        %dma_wait3A_857 = tpu.memref_squeeze %dma_wait3A_856 : memref<1x96x512xf32, #tpu.memory_space<hbm>> -> memref<96x512xf32, #tpu.memory_space<hbm>>
        %dma_wait3A_858 = arith.constant 0 : i32
        %dma_wait3A_859 = arith.constant 0 : i32
        %dma_wait3A_860 = tpu.memref_slice %dma_wait3A_857[%dma_wait3A_858, %dma_wait3A_859] : memref<96x512xf32, #tpu.memory_space<hbm>> -> memref<96x128xf32, #tpu.memory_space<hbm>>
        %dma_wait3A_861 = arith.constant 0 : i32
        %dma_wait3A_862 = arith.constant 0 : i32
        %dma_wait3A_863 = tpu.memref_slice %arg4[%dma_wait3A_849, %dma_wait3A_861, %dma_wait3A_862] : memref<1024x96x512xf32, #tpu.memory_space<hbm>> -> memref<1x96x512xf32, #tpu.memory_space<hbm>>
        %dma_wait3A_864 = tpu.memref_squeeze %dma_wait3A_863 : memref<1x96x512xf32, #tpu.memory_space<hbm>> -> memref<96x512xf32, #tpu.memory_space<hbm>>
        %dma_wait3A_865 = arith.constant 0 : i32
        %dma_wait3A_866 = arith.constant 0 : i32
        %dma_wait3A_867 = tpu.memref_slice %dma_wait3A_864[%dma_wait3A_865, %dma_wait3A_866] : memref<96x512xf32, #tpu.memory_space<hbm>> -> memref<96x128xf32, #tpu.memory_space<hbm>>
        %dma_wait3A_868 = arith.constant 0 : i32
        %dma_wait3A_869 = arith.constant 0 : i32
        %dma_wait3A_870 = tpu.memref_slice %arg7[%dma_wait3A_848, %dma_wait3A_868, %dma_wait3A_869] : memref<2x96x128xf32, #tpu.memory_space<vmem>> -> memref<1x96x128xf32, #tpu.memory_space<vmem>>
        %dma_wait3A_871 = tpu.memref_squeeze %dma_wait3A_870 : memref<1x96x128xf32, #tpu.memory_space<vmem>> -> memref<96x128xf32, #tpu.memory_space<vmem>>
        tpu.wait_dma2 semaphore(%arg8 : memref<!tpu.dma_semaphore, #tpu.memory_space<semaphore_mem>>) src(%dma_wait3A_871 : memref<96x128xf32, #tpu.memory_space<vmem>>) dst(%dma_wait3A_867 : memref<96x128xf32, #tpu.memory_space<hbm>>)
      } else {
      }
      %get3A_469 = arith.constant 4 : i32
      %get3A_470 = arith.index_cast %get3A_469 : i32 to index
      %get3A_471 = arith.constant 0 : index
      %get3A_472 = tpu.vector_load %arg6[%get3A_470, %get3A_471] {strides = array<i32>} : memref<8x128xi32, #tpu.memory_space<vmem>>, vector<16xi32>,
      %get3A_473 = arith.constant 4 : i32
      %get3A_474 = arith.index_cast %get3A_473 : i32 to index
      %get3A_475 = arith.constant 16 : index
      %get3A_476 = tpu.vector_load %arg6[%get3A_474, %get3A_475] {strides = array<i32>} : memref<8x128xi32, #tpu.memory_space<vmem>>, vector<16xi32>,
      %get3A_477 = arith.constant 4 : i32
      %get3A_478 = arith.index_cast %get3A_477 : i32 to index
      %get3A_479 = arith.constant 32 : index
      %get3A_480 = tpu.vector_load %arg6[%get3A_478, %get3A_479] {strides = array<i32>} : memref<8x128xi32, #tpu.memory_space<vmem>>, vector<16xi32>,
      %get3A_481 = arith.constant 4 : i32
      %get3A_482 = arith.index_cast %get3A_481 : i32 to index
      %get3A_483 = arith.constant 48 : index
      %get3A_484 = tpu.vector_load %arg6[%get3A_482, %get3A_483] {strides = array<i32>} : memref<8x128xi32, #tpu.memory_space<vmem>>, vector<16xi32>,
      %get3A_485 = arith.constant 4 : i32
      %get3A_486 = arith.index_cast %get3A_485 : i32 to index
      %get3A_487 = arith.constant 64 : index
      %get3A_488 = tpu.vector_load %arg6[%get3A_486, %get3A_487] {strides = array<i32>} : memref<8x128xi32, #tpu.memory_space<vmem>>, vector<16xi32>,
      %get3A_489 = arith.constant 4 : i32
      %get3A_490 = arith.index_cast %get3A_489 : i32 to index
      %get3A_491 = arith.constant 80 : index
      %get3A_492 = tpu.vector_load %arg6[%get3A_490, %get3A_491] {strides = array<i32>} : memref<8x128xi32, #tpu.memory_space<vmem>>, vector<16xi32>,
      %get3A_493 = arith.constant 4 : i32
      %get3A_494 = arith.index_cast %get3A_493 : i32 to index
      %get3A_495 = arith.constant 96 : index
      %get3A_496 = tpu.vector_load %arg6[%get3A_494, %get3A_495] {strides = array<i32>} : memref<8x128xi32, #tpu.memory_space<vmem>>, vector<16xi32>,
      %get3A_497 = arith.constant 4 : i32
      %get3A_498 = arith.index_cast %get3A_497 : i32 to index
      %get3A_499 = arith.constant 112 : index
      %get3A_500 = tpu.vector_load %arg6[%get3A_498, %get3A_499] {strides = array<i32>} : memref<8x128xi32, #tpu.memory_space<vmem>>, vector<16xi32>,
      %scan3A_501 = arith.constant 0 : i32
      %scan3A_502 = arith.constant 0 : i32
      %scan3A_503 = arith.constant 48 : i32
      %scan3A_504 = arith.addi %scan3A_502, %scan3A_503 : i32
      %scan3A_505 = arith.constant 1 : i32
      scf.for %scan3A_848 = %scan3A_502 to %scan3A_504 step %scan3A_505  : i32 {
        %mul3A_849 = arith.constant 2 : i32
        %mul3A_850 = arith.muli %scan3A_848, %mul3A_849 : i32
        %add3A_851 = arith.constant 0 : i32
        %add3A_852 = arith.addi %mul3A_850, %add3A_851 : i32
        %mul3A_853 = arith.constant 1024 : i32
        %mul3A_854 = arith.muli %add3A_852, %mul3A_853 : i32
        %add3A_855 = vector.broadcast %mul3A_854 : i32 to vector<16xi32>
        %add3A_856 = arith.addi %get3A_472, %add3A_855 : vector<16xi32>
        %gather3A = tpu.vector_load_idx %arg5[%add3A_856] : memref<98304xf32, #tpu.memory_space<vmem>>[vector<16xi32>], vector<16xf32>,
        %mul3A_857 = arith.constant 1024 : i32
        %mul3A_858 = arith.muli %add3A_852, %mul3A_857 : i32
        %add3A_859 = vector.broadcast %mul3A_858 : i32 to vector<16xi32>
        %add3A_860 = arith.addi %get3A_476, %add3A_859 : vector<16xi32>
        %gather3A_861 = tpu.vector_load_idx %arg5[%add3A_860] : memref<98304xf32, #tpu.memory_space<vmem>>[vector<16xi32>], vector<16xf32>,
        %mul3A_862 = arith.constant 1024 : i32
        %mul3A_863 = arith.muli %add3A_852, %mul3A_862 : i32
        %add3A_864 = vector.broadcast %mul3A_863 : i32 to vector<16xi32>
        %add3A_865 = arith.addi %get3A_480, %add3A_864 : vector<16xi32>
        %gather3A_866 = tpu.vector_load_idx %arg5[%add3A_865] : memref<98304xf32, #tpu.memory_space<vmem>>[vector<16xi32>], vector<16xf32>,
        %mul3A_867 = arith.constant 1024 : i32
        %mul3A_868 = arith.muli %add3A_852, %mul3A_867 : i32
        %add3A_869 = vector.broadcast %mul3A_868 : i32 to vector<16xi32>
        %add3A_870 = arith.addi %get3A_484, %add3A_869 : vector<16xi32>
        %gather3A_871 = tpu.vector_load_idx %arg5[%add3A_870] : memref<98304xf32, #tpu.memory_space<vmem>>[vector<16xi32>], vector<16xf32>,
        %mul3A_872 = arith.constant 1024 : i32
        %mul3A_873 = arith.muli %add3A_852, %mul3A_872 : i32
        %add3A_874 = vector.broadcast %mul3A_873 : i32 to vector<16xi32>
        %add3A_875 = arith.addi %get3A_488, %add3A_874 : vector<16xi32>
        %gather3A_876 = tpu.vector_load_idx %arg5[%add3A_875] : memref<98304xf32, #tpu.memory_space<vmem>>[vector<16xi32>], vector<16xf32>,
        %mul3A_877 = arith.constant 1024 : i32
        %mul3A_878 = arith.muli %add3A_852, %mul3A_877 : i32
        %add3A_879 = vector.broadcast %mul3A_878 : i32 to vector<16xi32>
        %add3A_880 = arith.addi %get3A_492, %add3A_879 : vector<16xi32>
        %gather3A_881 = tpu.vector_load_idx %arg5[%add3A_880] : memref<98304xf32, #tpu.memory_space<vmem>>[vector<16xi32>], vector<16xf32>,
        %mul3A_882 = arith.constant 1024 : i32
        %mul3A_883 = arith.muli %add3A_852, %mul3A_882 : i32
        %add3A_884 = vector.broadcast %mul3A_883 : i32 to vector<16xi32>
        %add3A_885 = arith.addi %get3A_496, %add3A_884 : vector<16xi32>
        %gather3A_886 = tpu.vector_load_idx %arg5[%add3A_885] : memref<98304xf32, #tpu.memory_space<vmem>>[vector<16xi32>], vector<16xf32>,
        %mul3A_887 = arith.constant 1024 : i32
        %mul3A_888 = arith.muli %add3A_852, %mul3A_887 : i32
        %add3A_889 = vector.broadcast %mul3A_888 : i32 to vector<16xi32>
        %add3A_890 = arith.addi %get3A_500, %add3A_889 : vector<16xi32>
        %gather3A_891 = tpu.vector_load_idx %arg5[%add3A_890] : memref<98304xf32, #tpu.memory_space<vmem>>[vector<16xi32>], vector<16xf32>,
        %mul3A_892 = arith.constant 2 : i32
        %mul3A_893 = arith.muli %scan3A_848, %mul3A_892 : i32
        %add3A_894 = arith.constant 1 : i32
        %add3A_895 = arith.addi %mul3A_893, %add3A_894 : i32
        %mul3A_896 = arith.constant 1024 : i32
        %mul3A_897 = arith.muli %add3A_895, %mul3A_896 : i32
        %add3A_898 = vector.broadcast %mul3A_897 : i32 to vector<16xi32>
        %add3A_899 = arith.addi %get3A_472, %add3A_898 : vector<16xi32>
        %gather3A_900 = tpu.vector_load_idx %arg5[%add3A_899] : memref<98304xf32, #tpu.memory_space<vmem>>[vector<16xi32>], vector<16xf32>,
        %mul3A_901 = arith.constant 1024 : i32
        %mul3A_902 = arith.muli %add3A_895, %mul3A_901 : i32
        %add3A_903 = vector.broadcast %mul3A_902 : i32 to vector<16xi32>
        %add3A_904 = arith.addi %get3A_476, %add3A_903 : vector<16xi32>
        %gather3A_905 = tpu.vector_load_idx %arg5[%add3A_904] : memref<98304xf32, #tpu.memory_space<vmem>>[vector<16xi32>], vector<16xf32>,
        %mul3A_906 = arith.constant 1024 : i32
        %mul3A_907 = arith.muli %add3A_895, %mul3A_906 : i32
        %add3A_908 = vector.broadcast %mul3A_907 : i32 to vector<16xi32>
        %add3A_909 = arith.addi %get3A_480, %add3A_908 : vector<16xi32>
        %gather3A_910 = tpu.vector_load_idx %arg5[%add3A_909] : memref<98304xf32, #tpu.memory_space<vmem>>[vector<16xi32>], vector<16xf32>,
        %mul3A_911 = arith.constant 1024 : i32
        %mul3A_912 = arith.muli %add3A_895, %mul3A_911 : i32
        %add3A_913 = vector.broadcast %mul3A_912 : i32 to vector<16xi32>
        %add3A_914 = arith.addi %get3A_484, %add3A_913 : vector<16xi32>
        %gather3A_915 = tpu.vector_load_idx %arg5[%add3A_914] : memref<98304xf32, #tpu.memory_space<vmem>>[vector<16xi32>], vector<16xf32>,
        %mul3A_916 = arith.constant 1024 : i32
        %mul3A_917 = arith.muli %add3A_895, %mul3A_916 : i32
        %add3A_918 = vector.broadcast %mul3A_917 : i32 to vector<16xi32>
        %add3A_919 = arith.addi %get3A_488, %add3A_918 : vector<16xi32>
        %gather3A_920 = tpu.vector_load_idx %arg5[%add3A_919] : memref<98304xf32, #tpu.memory_space<vmem>>[vector<16xi32>], vector<16xf32>,
        %mul3A_921 = arith.constant 1024 : i32
        %mul3A_922 = arith.muli %add3A_895, %mul3A_921 : i32
        %add3A_923 = vector.broadcast %mul3A_922 : i32 to vector<16xi32>
        %add3A_924 = arith.addi %get3A_492, %add3A_923 : vector<16xi32>
        %gather3A_925 = tpu.vector_load_idx %arg5[%add3A_924] : memref<98304xf32, #tpu.memory_space<vmem>>[vector<16xi32>], vector<16xf32>,
        %mul3A_926 = arith.constant 1024 : i32
        %mul3A_927 = arith.muli %add3A_895, %mul3A_926 : i32
        %add3A_928 = vector.broadcast %mul3A_927 : i32 to vector<16xi32>
        %add3A_929 = arith.addi %get3A_496, %add3A_928 : vector<16xi32>
        %gather3A_930 = tpu.vector_load_idx %arg5[%add3A_929] : memref<98304xf32, #tpu.memory_space<vmem>>[vector<16xi32>], vector<16xf32>,
        %mul3A_931 = arith.constant 1024 : i32
        %mul3A_932 = arith.muli %add3A_895, %mul3A_931 : i32
        %add3A_933 = vector.broadcast %mul3A_932 : i32 to vector<16xi32>
        %add3A_934 = arith.addi %get3A_500, %add3A_933 : vector<16xi32>
        %gather3A_935 = tpu.vector_load_idx %arg5[%add3A_934] : memref<98304xf32, #tpu.memory_space<vmem>>[vector<16xi32>], vector<16xf32>,
        %swap3A = arith.constant 0 : i32
        %swap3A_936 = arith.index_cast %swap3A : i32 to index
        %swap3A_937 = arith.index_cast %add3A_852 : i32 to index
        %swap3A_938 = arith.constant 0 : index
        %swap3A_939 = tpu.vector_load %arg7[%swap3A_936, %swap3A_937, %swap3A_938] {strides = array<i32>} : memref<2x96x128xf32, #tpu.memory_space<vmem>>, vector<16xf32>,
        tpu.vector_store %arg7[%swap3A_936, %swap3A_937, %swap3A_938], %gather3A {strides = array<i32>} : memref<2x96x128xf32, #tpu.memory_space<vmem>>, vector<16xf32>,
        %swap3A_940 = arith.constant 0 : i32
        %swap3A_941 = arith.index_cast %swap3A_940 : i32 to index
        %swap3A_942 = arith.index_cast %add3A_852 : i32 to index
        %swap3A_943 = arith.constant 16 : index
        %swap3A_944 = tpu.vector_load %arg7[%swap3A_941, %swap3A_942, %swap3A_943] {strides = array<i32>} : memref<2x96x128xf32, #tpu.memory_space<vmem>>, vector<16xf32>,
        tpu.vector_store %arg7[%swap3A_941, %swap3A_942, %swap3A_943], %gather3A_861 {strides = array<i32>} : memref<2x96x128xf32, #tpu.memory_space<vmem>>, vector<16xf32>,
        %swap3A_945 = arith.constant 0 : i32
        %swap3A_946 = arith.index_cast %swap3A_945 : i32 to index
        %swap3A_947 = arith.index_cast %add3A_852 : i32 to index
        %swap3A_948 = arith.constant 32 : index
        %swap3A_949 = tpu.vector_load %arg7[%swap3A_946, %swap3A_947, %swap3A_948] {strides = array<i32>} : memref<2x96x128xf32, #tpu.memory_space<vmem>>, vector<16xf32>,
        tpu.vector_store %arg7[%swap3A_946, %swap3A_947, %swap3A_948], %gather3A_866 {strides = array<i32>} : memref<2x96x128xf32, #tpu.memory_space<vmem>>, vector<16xf32>,
        %swap3A_950 = arith.constant 0 : i32
        %swap3A_951 = arith.index_cast %swap3A_950 : i32 to index
        %swap3A_952 = arith.index_cast %add3A_852 : i32 to index
        %swap3A_953 = arith.constant 48 : index
        %swap3A_954 = tpu.vector_load %arg7[%swap3A_951, %swap3A_952, %swap3A_953] {strides = array<i32>} : memref<2x96x128xf32, #tpu.memory_space<vmem>>, vector<16xf32>,
        tpu.vector_store %arg7[%swap3A_951, %swap3A_952, %swap3A_953], %gather3A_871 {strides = array<i32>} : memref<2x96x128xf32, #tpu.memory_space<vmem>>, vector<16xf32>,
        %swap3A_955 = arith.constant 0 : i32
        %swap3A_956 = arith.index_cast %swap3A_955 : i32 to index
        %swap3A_957 = arith.index_cast %add3A_852 : i32 to index
        %swap3A_958 = arith.constant 64 : index
        %swap3A_959 = tpu.vector_load %arg7[%swap3A_956, %swap3A_957, %swap3A_958] {strides = array<i32>} : memref<2x96x128xf32, #tpu.memory_space<vmem>>, vector<16xf32>,
        tpu.vector_store %arg7[%swap3A_956, %swap3A_957, %swap3A_958], %gather3A_876 {strides = array<i32>} : memref<2x96x128xf32, #tpu.memory_space<vmem>>, vector<16xf32>,
        %swap3A_960 = arith.constant 0 : i32
        %swap3A_961 = arith.index_cast %swap3A_960 : i32 to index
        %swap3A_962 = arith.index_cast %add3A_852 : i32 to index
        %swap3A_963 = arith.constant 80 : index
        %swap3A_964 = tpu.vector_load %arg7[%swap3A_961, %swap3A_962, %swap3A_963] {strides = array<i32>} : memref<2x96x128xf32, #tpu.memory_space<vmem>>, vector<16xf32>,
        tpu.vector_store %arg7[%swap3A_961, %swap3A_962, %swap3A_963], %gather3A_881 {strides = array<i32>} : memref<2x96x128xf32, #tpu.memory_space<vmem>>, vector<16xf32>,
        %swap3A_965 = arith.constant 0 : i32
        %swap3A_966 = arith.index_cast %swap3A_965 : i32 to index
        %swap3A_967 = arith.index_cast %add3A_852 : i32 to index
        %swap3A_968 = arith.constant 96 : index
        %swap3A_969 = tpu.vector_load %arg7[%swap3A_966, %swap3A_967, %swap3A_968] {strides = array<i32>} : memref<2x96x128xf32, #tpu.memory_space<vmem>>, vector<16xf32>,
        tpu.vector_store %arg7[%swap3A_966, %swap3A_967, %swap3A_968], %gather3A_886 {strides = array<i32>} : memref<2x96x128xf32, #tpu.memory_space<vmem>>, vector<16xf32>,
        %swap3A_970 = arith.constant 0 : i32
        %swap3A_971 = arith.index_cast %swap3A_970 : i32 to index
        %swap3A_972 = arith.index_cast %add3A_852 : i32 to index
        %swap3A_973 = arith.constant 112 : index
        %swap3A_974 = tpu.vector_load %arg7[%swap3A_971, %swap3A_972, %swap3A_973] {strides = array<i32>} : memref<2x96x128xf32, #tpu.memory_space<vmem>>, vector<16xf32>,
        tpu.vector_store %arg7[%swap3A_971, %swap3A_972, %swap3A_973], %gather3A_891 {strides = array<i32>} : memref<2x96x128xf32, #tpu.memory_space<vmem>>, vector<16xf32>,
        %swap3A_975 = arith.constant 0 : i32
        %swap3A_976 = arith.index_cast %swap3A_975 : i32 to index
        %swap3A_977 = arith.index_cast %add3A_895 : i32 to index
        %swap3A_978 = arith.constant 0 : index
        %swap3A_979 = tpu.vector_load %arg7[%swap3A_976, %swap3A_977, %swap3A_978] {strides = array<i32>} : memref<2x96x128xf32, #tpu.memory_space<vmem>>, vector<16xf32>,
        tpu.vector_store %arg7[%swap3A_976, %swap3A_977, %swap3A_978], %gather3A_900 {strides = array<i32>} : memref<2x96x128xf32, #tpu.memory_space<vmem>>, vector<16xf32>,
        %swap3A_980 = arith.constant 0 : i32
        %swap3A_981 = arith.index_cast %swap3A_980 : i32 to index
        %swap3A_982 = arith.index_cast %add3A_895 : i32 to index
        %swap3A_983 = arith.constant 16 : index
        %swap3A_984 = tpu.vector_load %arg7[%swap3A_981, %swap3A_982, %swap3A_983] {strides = array<i32>} : memref<2x96x128xf32, #tpu.memory_space<vmem>>, vector<16xf32>,
        tpu.vector_store %arg7[%swap3A_981, %swap3A_982, %swap3A_983], %gather3A_905 {strides = array<i32>} : memref<2x96x128xf32, #tpu.memory_space<vmem>>, vector<16xf32>,
        %swap3A_985 = arith.constant 0 : i32
        %swap3A_986 = arith.index_cast %swap3A_985 : i32 to index
        %swap3A_987 = arith.index_cast %add3A_895 : i32 to index
        %swap3A_988 = arith.constant 32 : index
        %swap3A_989 = tpu.vector_load %arg7[%swap3A_986, %swap3A_987, %swap3A_988] {strides = array<i32>} : memref<2x96x128xf32, #tpu.memory_space<vmem>>, vector<16xf32>,
        tpu.vector_store %arg7[%swap3A_986, %swap3A_987, %swap3A_988], %gather3A_910 {strides = array<i32>} : memref<2x96x128xf32, #tpu.memory_space<vmem>>, vector<16xf32>,
        %swap3A_990 = arith.constant 0 : i32
        %swap3A_991 = arith.index_cast %swap3A_990 : i32 to index
        %swap3A_992 = arith.index_cast %add3A_895 : i32 to index
        %swap3A_993 = arith.constant 48 : index
        %swap3A_994 = tpu.vector_load %arg7[%swap3A_991, %swap3A_992, %swap3A_993] {strides = array<i32>} : memref<2x96x128xf32, #tpu.memory_space<vmem>>, vector<16xf32>,
        tpu.vector_store %arg7[%swap3A_991, %swap3A_992, %swap3A_993], %gather3A_915 {strides = array<i32>} : memref<2x96x128xf32, #tpu.memory_space<vmem>>, vector<16xf32>,
        %swap3A_995 = arith.constant 0 : i32
        %swap3A_996 = arith.index_cast %swap3A_995 : i32 to index
        %swap3A_997 = arith.index_cast %add3A_895 : i32 to index
        %swap3A_998 = arith.constant 64 : index
        %swap3A_999 = tpu.vector_load %arg7[%swap3A_996, %swap3A_997, %swap3A_998] {strides = array<i32>} : memref<2x96x128xf32, #tpu.memory_space<vmem>>, vector<16xf32>,
        tpu.vector_store %arg7[%swap3A_996, %swap3A_997, %swap3A_998], %gather3A_920 {strides = array<i32>} : memref<2x96x128xf32, #tpu.memory_space<vmem>>, vector<16xf32>,
        %swap3A_1000 = arith.constant 0 : i32
        %swap3A_1001 = arith.index_cast %swap3A_1000 : i32 to index
        %swap3A_1002 = arith.index_cast %add3A_895 : i32 to index
        %swap3A_1003 = arith.constant 80 : index
        %swap3A_1004 = tpu.vector_load %arg7[%swap3A_1001, %swap3A_1002, %swap3A_1003] {strides = array<i32>} : memref<2x96x128xf32, #tpu.memory_space<vmem>>, vector<16xf32>,
        tpu.vector_store %arg7[%swap3A_1001, %swap3A_1002, %swap3A_1003], %gather3A_925 {strides = array<i32>} : memref<2x96x128xf32, #tpu.memory_space<vmem>>, vector<16xf32>,
        %swap3A_1005 = arith.constant 0 : i32
        %swap3A_1006 = arith.index_cast %swap3A_1005 : i32 to index
        %swap3A_1007 = arith.index_cast %add3A_895 : i32 to index
        %swap3A_1008 = arith.constant 96 : index
        %swap3A_1009 = tpu.vector_load %arg7[%swap3A_1006, %swap3A_1007, %swap3A_1008] {strides = array<i32>} : memref<2x96x128xf32, #tpu.memory_space<vmem>>, vector<16xf32>,
        tpu.vector_store %arg7[%swap3A_1006, %swap3A_1007, %swap3A_1008], %gather3A_930 {strides = array<i32>} : memref<2x96x128xf32, #tpu.memory_space<vmem>>, vector<16xf32>,
        %swap3A_1010 = arith.constant 0 : i32
        %swap3A_1011 = arith.index_cast %swap3A_1010 : i32 to index
        %swap3A_1012 = arith.index_cast %add3A_895 : i32 to index
        %swap3A_1013 = arith.constant 112 : index
        %swap3A_1014 = tpu.vector_load %arg7[%swap3A_1011, %swap3A_1012, %swap3A_1013] {strides = array<i32>} : memref<2x96x128xf32, #tpu.memory_space<vmem>>, vector<16xf32>,
        tpu.vector_store %arg7[%swap3A_1011, %swap3A_1012, %swap3A_1013], %gather3A_935 {strides = array<i32>} : memref<2x96x128xf32, #tpu.memory_space<vmem>>, vector<16xf32>,
      }
      %scan3A_506 = arith.constant 48 : i32
      %mul3A_507 = arith.constant 128 : i32
      %mul3A_508 = arith.muli %add3A, %mul3A_507 : i32
      %add3A_509 = arith.addi %mul3A_508, %add3A_463 : i32
      %jit3A_510 = arith.constant 4 : i32
      %div3A_511 = arith.divsi %add3A_509, %jit3A_510 : i32
      %sign3A_512 = arith.constant 0 : i32
      %sign3A_513 = arith.cmpi sgt, %add3A_509, %sign3A_512 : i32
      %sign3A_514 = arith.extui %sign3A_513 : i1 to i32
      %sign3A_515 = arith.constant 0 : i32
      %sign3A_516 = arith.cmpi slt, %add3A_509, %sign3A_515 : i32
      %sign3A_517 = arith.extui %sign3A_516 : i1 to i32
      %sign3A_518 = arith.subi %sign3A_514, %sign3A_517 : i32
      %sign3A_519 = arith.constant 0 : i32
      %sign3A_520 = arith.cmpi sgt, %jit3A_510, %sign3A_519 : i32
      %sign3A_521 = arith.extui %sign3A_520 : i1 to i32
      %sign3A_522 = arith.constant 0 : i32
      %sign3A_523 = arith.cmpi slt, %jit3A_510, %sign3A_522 : i32
      %sign3A_524 = arith.extui %sign3A_523 : i1 to i32
      %sign3A_525 = arith.subi %sign3A_521, %sign3A_524 : i32
      %ne3A_526 = arith.cmpi ne, %sign3A_518, %sign3A_525 : i32
      %rem3A_527 = arith.remsi %add3A_509, %jit3A_510 : i32
      %ne3A_528 = arith.constant 0 : i32
      %ne3A_529 = arith.cmpi ne, %rem3A_527, %ne3A_528 : i32
      %and3A_530 = arith.andi %ne3A_526, %ne3A_529 : i1
      %sub3A_531 = arith.constant 1 : i32
      %sub3A_532 = arith.subi %div3A_511, %sub3A_531 : i32
      %select_n3A_533 = arith.select %and3A_530, %sub3A_532, %div3A_511 : i32
      %dma_start3A_534 = arith.constant 0 : i32
      %dma_start3A_535 = arith.constant 0 : i32
      %dma_start3A_536 = arith.constant 0 : i32
      %dma_start3A_537 = tpu.memref_slice %arg7[%dma_start3A_534, %dma_start3A_535, %dma_start3A_536] : memref<2x96x128xf32, #tpu.memory_space<vmem>> -> memref<1x96x128xf32, #tpu.memory_space<vmem>>
      %dma_start3A_538 = tpu.memref_squeeze %dma_start3A_537 : memref<1x96x128xf32, #tpu.memory_space<vmem>> -> memref<96x128xf32, #tpu.memory_space<vmem>>
      %dma_start3A_539 = arith.constant 0 : i32
      %dma_start3A_540 = arith.constant 0 : i32
      %dma_start3A_541 = tpu.memref_slice %arg4[%select_n3A_533, %dma_start3A_539, %dma_start3A_540] : memref<1024x96x512xf32, #tpu.memory_space<hbm>> -> memref<1x96x512xf32, #tpu.memory_space<hbm>>
      %dma_start3A_542 = tpu.memref_squeeze %dma_start3A_541 : memref<1x96x512xf32, #tpu.memory_space<hbm>> -> memref<96x512xf32, #tpu.memory_space<hbm>>
      %dma_start3A_543 = arith.constant 0 : i32
      %dma_start3A_544 = arith.constant 0 : i32
      %dma_start3A_545 = tpu.memref_slice %dma_start3A_542[%dma_start3A_543, %dma_start3A_544] : memref<96x512xf32, #tpu.memory_space<hbm>> -> memref<96x128xf32, #tpu.memory_space<hbm>>
      %dma_start3A_546 = arith.constant 0 : i32
      %dma_start3A_547 = arith.constant 0 : i32
      %dma_start3A_548 = tpu.memref_slice %arg4[%select_n3A_533, %dma_start3A_546, %dma_start3A_547] : memref<1024x96x512xf32, #tpu.memory_space<hbm>> -> memref<1x96x512xf32, #tpu.memory_space<hbm>>
      %dma_start3A_549 = tpu.memref_squeeze %dma_start3A_548 : memref<1x96x512xf32, #tpu.memory_space<hbm>> -> memref<96x512xf32, #tpu.memory_space<hbm>>
      %dma_start3A_550 = arith.constant 0 : i32
      %dma_start3A_551 = arith.constant 0 : i32
      %dma_start3A_552 = tpu.memref_slice %dma_start3A_549[%dma_start3A_550, %dma_start3A_551] : memref<96x512xf32, #tpu.memory_space<hbm>> -> memref<96x128xf32, #tpu.memory_space<hbm>>
      %dma_start3A_553 = arith.constant 0 : i32
      %dma_start3A_554 = arith.constant 0 : i32
      %dma_start3A_555 = tpu.memref_slice %arg7[%dma_start3A_534, %dma_start3A_553, %dma_start3A_554] : memref<2x96x128xf32, #tpu.memory_space<vmem>> -> memref<1x96x128xf32, #tpu.memory_space<vmem>>
      %dma_start3A_556 = tpu.memref_squeeze %dma_start3A_555 : memref<1x96x128xf32, #tpu.memory_space<vmem>> -> memref<96x128xf32, #tpu.memory_space<vmem>>
      tpu.enqueue_dma source(%dma_start3A_556 : memref<96x128xf32, #tpu.memory_space<vmem>>) target(%dma_start3A_552 : memref<96x128xf32, #tpu.memory_space<hbm>>) target_semaphore(%arg8 : memref<!tpu.dma_semaphore, #tpu.memory_space<semaphore_mem>>)
      %mul3A_557 = arith.constant 8 : i32
      %mul3A_558 = arith.muli %scan3A_71, %mul3A_557 : i32
      %add3A_559 = arith.constant 5 : i32
      %add3A_560 = arith.addi %mul3A_558, %add3A_559 : i32
      %ge3A_561 = arith.constant 2 : i32
      %ge3A_562 = arith.cmpi sge, %add3A_560, %ge3A_561 : i32
      %convert_element_type3A_563 = arith.extui %ge3A_562 : i1 to i32
      %cond3A_564 = arith.constant 0 : i32
      %cond3A_565 = arith.cmpi ne, %convert_element_type3A_563, %cond3A_564 : i32
      scf.if %cond3A_565 {
        %dma_wait3A_848 = arith.constant 1 : i32
        %dma_wait3A_849 = arith.constant 0 : i32
        %dma_wait3A_850 = arith.constant 0 : i32
        %dma_wait3A_851 = arith.constant 0 : i32
        %dma_wait3A_852 = tpu.memref_slice %arg7[%dma_wait3A_848, %dma_wait3A_850, %dma_wait3A_851] : memref<2x96x128xf32, #tpu.memory_space<vmem>> -> memref<1x96x128xf32, #tpu.memory_space<vmem>>
        %dma_wait3A_853 = tpu.memref_squeeze %dma_wait3A_852 : memref<1x96x128xf32, #tpu.memory_space<vmem>> -> memref<96x128xf32, #tpu.memory_space<vmem>>
        %dma_wait3A_854 = arith.constant 0 : i32
        %dma_wait3A_855 = arith.constant 0 : i32
        %dma_wait3A_856 = tpu.memref_slice %arg4[%dma_wait3A_849, %dma_wait3A_854, %dma_wait3A_855] : memref<1024x96x512xf32, #tpu.memory_space<hbm>> -> memref<1x96x512xf32, #tpu.memory_space<hbm>>
        %dma_wait3A_857 = tpu.memref_squeeze %dma_wait3A_856 : memref<1x96x512xf32, #tpu.memory_space<hbm>> -> memref<96x512xf32, #tpu.memory_space<hbm>>
        %dma_wait3A_858 = arith.constant 0 : i32
        %dma_wait3A_859 = arith.constant 0 : i32
        %dma_wait3A_860 = tpu.memref_slice %dma_wait3A_857[%dma_wait3A_858, %dma_wait3A_859] : memref<96x512xf32, #tpu.memory_space<hbm>> -> memref<96x128xf32, #tpu.memory_space<hbm>>
        %dma_wait3A_861 = arith.constant 0 : i32
        %dma_wait3A_862 = arith.constant 0 : i32
        %dma_wait3A_863 = tpu.memref_slice %arg4[%dma_wait3A_849, %dma_wait3A_861, %dma_wait3A_862] : memref<1024x96x512xf32, #tpu.memory_space<hbm>> -> memref<1x96x512xf32, #tpu.memory_space<hbm>>
        %dma_wait3A_864 = tpu.memref_squeeze %dma_wait3A_863 : memref<1x96x512xf32, #tpu.memory_space<hbm>> -> memref<96x512xf32, #tpu.memory_space<hbm>>
        %dma_wait3A_865 = arith.constant 0 : i32
        %dma_wait3A_866 = arith.constant 0 : i32
        %dma_wait3A_867 = tpu.memref_slice %dma_wait3A_864[%dma_wait3A_865, %dma_wait3A_866] : memref<96x512xf32, #tpu.memory_space<hbm>> -> memref<96x128xf32, #tpu.memory_space<hbm>>
        %dma_wait3A_868 = arith.constant 0 : i32
        %dma_wait3A_869 = arith.constant 0 : i32
        %dma_wait3A_870 = tpu.memref_slice %arg7[%dma_wait3A_848, %dma_wait3A_868, %dma_wait3A_869] : memref<2x96x128xf32, #tpu.memory_space<vmem>> -> memref<1x96x128xf32, #tpu.memory_space<vmem>>
        %dma_wait3A_871 = tpu.memref_squeeze %dma_wait3A_870 : memref<1x96x128xf32, #tpu.memory_space<vmem>> -> memref<96x128xf32, #tpu.memory_space<vmem>>
        tpu.wait_dma2 semaphore(%arg9 : memref<!tpu.dma_semaphore, #tpu.memory_space<semaphore_mem>>) src(%dma_wait3A_871 : memref<96x128xf32, #tpu.memory_space<vmem>>) dst(%dma_wait3A_867 : memref<96x128xf32, #tpu.memory_space<hbm>>)
      } else {
      }
      %get3A_566 = arith.constant 5 : i32
      %get3A_567 = arith.index_cast %get3A_566 : i32 to index
      %get3A_568 = arith.constant 0 : index
      %get3A_569 = tpu.vector_load %arg6[%get3A_567, %get3A_568] {strides = array<i32>} : memref<8x128xi32, #tpu.memory_space<vmem>>, vector<16xi32>,
      %get3A_570 = arith.constant 5 : i32
      %get3A_571 = arith.index_cast %get3A_570 : i32 to index
      %get3A_572 = arith.constant 16 : index
      %get3A_573 = tpu.vector_load %arg6[%get3A_571, %get3A_572] {strides = array<i32>} : memref<8x128xi32, #tpu.memory_space<vmem>>, vector<16xi32>,
      %get3A_574 = arith.constant 5 : i32
      %get3A_575 = arith.index_cast %get3A_574 : i32 to index
      %get3A_576 = arith.constant 32 : index
      %get3A_577 = tpu.vector_load %arg6[%get3A_575, %get3A_576] {strides = array<i32>} : memref<8x128xi32, #tpu.memory_space<vmem>>, vector<16xi32>,
      %get3A_578 = arith.constant 5 : i32
      %get3A_579 = arith.index_cast %get3A_578 : i32 to index
      %get3A_580 = arith.constant 48 : index
      %get3A_581 = tpu.vector_load %arg6[%get3A_579, %get3A_580] {strides = array<i32>} : memref<8x128xi32, #tpu.memory_space<vmem>>, vector<16xi32>,
      %get3A_582 = arith.constant 5 : i32
      %get3A_583 = arith.index_cast %get3A_582 : i32 to index
      %get3A_584 = arith.constant 64 : index
      %get3A_585 = tpu.vector_load %arg6[%get3A_583, %get3A_584] {strides = array<i32>} : memref<8x128xi32, #tpu.memory_space<vmem>>, vector<16xi32>,
      %get3A_586 = arith.constant 5 : i32
      %get3A_587 = arith.index_cast %get3A_586 : i32 to index
      %get3A_588 = arith.constant 80 : index
      %get3A_589 = tpu.vector_load %arg6[%get3A_587, %get3A_588] {strides = array<i32>} : memref<8x128xi32, #tpu.memory_space<vmem>>, vector<16xi32>,
      %get3A_590 = arith.constant 5 : i32
      %get3A_591 = arith.index_cast %get3A_590 : i32 to index
      %get3A_592 = arith.constant 96 : index
      %get3A_593 = tpu.vector_load %arg6[%get3A_591, %get3A_592] {strides = array<i32>} : memref<8x128xi32, #tpu.memory_space<vmem>>, vector<16xi32>,
      %get3A_594 = arith.constant 5 : i32
      %get3A_595 = arith.index_cast %get3A_594 : i32 to index
      %get3A_596 = arith.constant 112 : index
      %get3A_597 = tpu.vector_load %arg6[%get3A_595, %get3A_596] {strides = array<i32>} : memref<8x128xi32, #tpu.memory_space<vmem>>, vector<16xi32>,
      %scan3A_598 = arith.constant 0 : i32
      %scan3A_599 = arith.constant 0 : i32
      %scan3A_600 = arith.constant 48 : i32
      %scan3A_601 = arith.addi %scan3A_599, %scan3A_600 : i32
      %scan3A_602 = arith.constant 1 : i32
      scf.for %scan3A_848 = %scan3A_599 to %scan3A_601 step %scan3A_602  : i32 {
        %mul3A_849 = arith.constant 2 : i32
        %mul3A_850 = arith.muli %scan3A_848, %mul3A_849 : i32
        %add3A_851 = arith.constant 0 : i32
        %add3A_852 = arith.addi %mul3A_850, %add3A_851 : i32
        %mul3A_853 = arith.constant 1024 : i32
        %mul3A_854 = arith.muli %add3A_852, %mul3A_853 : i32
        %add3A_855 = vector.broadcast %mul3A_854 : i32 to vector<16xi32>
        %add3A_856 = arith.addi %get3A_569, %add3A_855 : vector<16xi32>
        %gather3A = tpu.vector_load_idx %arg5[%add3A_856] : memref<98304xf32, #tpu.memory_space<vmem>>[vector<16xi32>], vector<16xf32>,
        %mul3A_857 = arith.constant 1024 : i32
        %mul3A_858 = arith.muli %add3A_852, %mul3A_857 : i32
        %add3A_859 = vector.broadcast %mul3A_858 : i32 to vector<16xi32>
        %add3A_860 = arith.addi %get3A_573, %add3A_859 : vector<16xi32>
        %gather3A_861 = tpu.vector_load_idx %arg5[%add3A_860] : memref<98304xf32, #tpu.memory_space<vmem>>[vector<16xi32>], vector<16xf32>,
        %mul3A_862 = arith.constant 1024 : i32
        %mul3A_863 = arith.muli %add3A_852, %mul3A_862 : i32
        %add3A_864 = vector.broadcast %mul3A_863 : i32 to vector<16xi32>
        %add3A_865 = arith.addi %get3A_577, %add3A_864 : vector<16xi32>
        %gather3A_866 = tpu.vector_load_idx %arg5[%add3A_865] : memref<98304xf32, #tpu.memory_space<vmem>>[vector<16xi32>], vector<16xf32>,
        %mul3A_867 = arith.constant 1024 : i32
        %mul3A_868 = arith.muli %add3A_852, %mul3A_867 : i32
        %add3A_869 = vector.broadcast %mul3A_868 : i32 to vector<16xi32>
        %add3A_870 = arith.addi %get3A_581, %add3A_869 : vector<16xi32>
        %gather3A_871 = tpu.vector_load_idx %arg5[%add3A_870] : memref<98304xf32, #tpu.memory_space<vmem>>[vector<16xi32>], vector<16xf32>,
        %mul3A_872 = arith.constant 1024 : i32
        %mul3A_873 = arith.muli %add3A_852, %mul3A_872 : i32
        %add3A_874 = vector.broadcast %mul3A_873 : i32 to vector<16xi32>
        %add3A_875 = arith.addi %get3A_585, %add3A_874 : vector<16xi32>
        %gather3A_876 = tpu.vector_load_idx %arg5[%add3A_875] : memref<98304xf32, #tpu.memory_space<vmem>>[vector<16xi32>], vector<16xf32>,
        %mul3A_877 = arith.constant 1024 : i32
        %mul3A_878 = arith.muli %add3A_852, %mul3A_877 : i32
        %add3A_879 = vector.broadcast %mul3A_878 : i32 to vector<16xi32>
        %add3A_880 = arith.addi %get3A_589, %add3A_879 : vector<16xi32>
        %gather3A_881 = tpu.vector_load_idx %arg5[%add3A_880] : memref<98304xf32, #tpu.memory_space<vmem>>[vector<16xi32>], vector<16xf32>,
        %mul3A_882 = arith.constant 1024 : i32
        %mul3A_883 = arith.muli %add3A_852, %mul3A_882 : i32
        %add3A_884 = vector.broadcast %mul3A_883 : i32 to vector<16xi32>
        %add3A_885 = arith.addi %get3A_593, %add3A_884 : vector<16xi32>
        %gather3A_886 = tpu.vector_load_idx %arg5[%add3A_885] : memref<98304xf32, #tpu.memory_space<vmem>>[vector<16xi32>], vector<16xf32>,
        %mul3A_887 = arith.constant 1024 : i32
        %mul3A_888 = arith.muli %add3A_852, %mul3A_887 : i32
        %add3A_889 = vector.broadcast %mul3A_888 : i32 to vector<16xi32>
        %add3A_890 = arith.addi %get3A_597, %add3A_889 : vector<16xi32>
        %gather3A_891 = tpu.vector_load_idx %arg5[%add3A_890] : memref<98304xf32, #tpu.memory_space<vmem>>[vector<16xi32>], vector<16xf32>,
        %mul3A_892 = arith.constant 2 : i32
        %mul3A_893 = arith.muli %scan3A_848, %mul3A_892 : i32
        %add3A_894 = arith.constant 1 : i32
        %add3A_895 = arith.addi %mul3A_893, %add3A_894 : i32
        %mul3A_896 = arith.constant 1024 : i32
        %mul3A_897 = arith.muli %add3A_895, %mul3A_896 : i32
        %add3A_898 = vector.broadcast %mul3A_897 : i32 to vector<16xi32>
        %add3A_899 = arith.addi %get3A_569, %add3A_898 : vector<16xi32>
        %gather3A_900 = tpu.vector_load_idx %arg5[%add3A_899] : memref<98304xf32, #tpu.memory_space<vmem>>[vector<16xi32>], vector<16xf32>,
        %mul3A_901 = arith.constant 1024 : i32
        %mul3A_902 = arith.muli %add3A_895, %mul3A_901 : i32
        %add3A_903 = vector.broadcast %mul3A_902 : i32 to vector<16xi32>
        %add3A_904 = arith.addi %get3A_573, %add3A_903 : vector<16xi32>
        %gather3A_905 = tpu.vector_load_idx %arg5[%add3A_904] : memref<98304xf32, #tpu.memory_space<vmem>>[vector<16xi32>], vector<16xf32>,
        %mul3A_906 = arith.constant 1024 : i32
        %mul3A_907 = arith.muli %add3A_895, %mul3A_906 : i32
        %add3A_908 = vector.broadcast %mul3A_907 : i32 to vector<16xi32>
        %add3A_909 = arith.addi %get3A_577, %add3A_908 : vector<16xi32>
        %gather3A_910 = tpu.vector_load_idx %arg5[%add3A_909] : memref<98304xf32, #tpu.memory_space<vmem>>[vector<16xi32>], vector<16xf32>,
        %mul3A_911 = arith.constant 1024 : i32
        %mul3A_912 = arith.muli %add3A_895, %mul3A_911 : i32
        %add3A_913 = vector.broadcast %mul3A_912 : i32 to vector<16xi32>
        %add3A_914 = arith.addi %get3A_581, %add3A_913 : vector<16xi32>
        %gather3A_915 = tpu.vector_load_idx %arg5[%add3A_914] : memref<98304xf32, #tpu.memory_space<vmem>>[vector<16xi32>], vector<16xf32>,
        %mul3A_916 = arith.constant 1024 : i32
        %mul3A_917 = arith.muli %add3A_895, %mul3A_916 : i32
        %add3A_918 = vector.broadcast %mul3A_917 : i32 to vector<16xi32>
        %add3A_919 = arith.addi %get3A_585, %add3A_918 : vector<16xi32>
        %gather3A_920 = tpu.vector_load_idx %arg5[%add3A_919] : memref<98304xf32, #tpu.memory_space<vmem>>[vector<16xi32>], vector<16xf32>,
        %mul3A_921 = arith.constant 1024 : i32
        %mul3A_922 = arith.muli %add3A_895, %mul3A_921 : i32
        %add3A_923 = vector.broadcast %mul3A_922 : i32 to vector<16xi32>
        %add3A_924 = arith.addi %get3A_589, %add3A_923 : vector<16xi32>
        %gather3A_925 = tpu.vector_load_idx %arg5[%add3A_924] : memref<98304xf32, #tpu.memory_space<vmem>>[vector<16xi32>], vector<16xf32>,
        %mul3A_926 = arith.constant 1024 : i32
        %mul3A_927 = arith.muli %add3A_895, %mul3A_926 : i32
        %add3A_928 = vector.broadcast %mul3A_927 : i32 to vector<16xi32>
        %add3A_929 = arith.addi %get3A_593, %add3A_928 : vector<16xi32>
        %gather3A_930 = tpu.vector_load_idx %arg5[%add3A_929] : memref<98304xf32, #tpu.memory_space<vmem>>[vector<16xi32>], vector<16xf32>,
        %mul3A_931 = arith.constant 1024 : i32
        %mul3A_932 = arith.muli %add3A_895, %mul3A_931 : i32
        %add3A_933 = vector.broadcast %mul3A_932 : i32 to vector<16xi32>
        %add3A_934 = arith.addi %get3A_597, %add3A_933 : vector<16xi32>
        %gather3A_935 = tpu.vector_load_idx %arg5[%add3A_934] : memref<98304xf32, #tpu.memory_space<vmem>>[vector<16xi32>], vector<16xf32>,
        %swap3A = arith.constant 1 : i32
        %swap3A_936 = arith.index_cast %swap3A : i32 to index
        %swap3A_937 = arith.index_cast %add3A_852 : i32 to index
        %swap3A_938 = arith.constant 0 : index
        %swap3A_939 = tpu.vector_load %arg7[%swap3A_936, %swap3A_937, %swap3A_938] {strides = array<i32>} : memref<2x96x128xf32, #tpu.memory_space<vmem>>, vector<16xf32>,
        tpu.vector_store %arg7[%swap3A_936, %swap3A_937, %swap3A_938], %gather3A {strides = array<i32>} : memref<2x96x128xf32, #tpu.memory_space<vmem>>, vector<16xf32>,
        %swap3A_940 = arith.constant 1 : i32
        %swap3A_941 = arith.index_cast %swap3A_940 : i32 to index
        %swap3A_942 = arith.index_cast %add3A_852 : i32 to index
        %swap3A_943 = arith.constant 16 : index
        %swap3A_944 = tpu.vector_load %arg7[%swap3A_941, %swap3A_942, %swap3A_943] {strides = array<i32>} : memref<2x96x128xf32, #tpu.memory_space<vmem>>, vector<16xf32>,
        tpu.vector_store %arg7[%swap3A_941, %swap3A_942, %swap3A_943], %gather3A_861 {strides = array<i32>} : memref<2x96x128xf32, #tpu.memory_space<vmem>>, vector<16xf32>,
        %swap3A_945 = arith.constant 1 : i32
        %swap3A_946 = arith.index_cast %swap3A_945 : i32 to index
        %swap3A_947 = arith.index_cast %add3A_852 : i32 to index
        %swap3A_948 = arith.constant 32 : index
        %swap3A_949 = tpu.vector_load %arg7[%swap3A_946, %swap3A_947, %swap3A_948] {strides = array<i32>} : memref<2x96x128xf32, #tpu.memory_space<vmem>>, vector<16xf32>,
        tpu.vector_store %arg7[%swap3A_946, %swap3A_947, %swap3A_948], %gather3A_866 {strides = array<i32>} : memref<2x96x128xf32, #tpu.memory_space<vmem>>, vector<16xf32>,
        %swap3A_950 = arith.constant 1 : i32
        %swap3A_951 = arith.index_cast %swap3A_950 : i32 to index
        %swap3A_952 = arith.index_cast %add3A_852 : i32 to index
        %swap3A_953 = arith.constant 48 : index
        %swap3A_954 = tpu.vector_load %arg7[%swap3A_951, %swap3A_952, %swap3A_953] {strides = array<i32>} : memref<2x96x128xf32, #tpu.memory_space<vmem>>, vector<16xf32>,
        tpu.vector_store %arg7[%swap3A_951, %swap3A_952, %swap3A_953], %gather3A_871 {strides = array<i32>} : memref<2x96x128xf32, #tpu.memory_space<vmem>>, vector<16xf32>,
        %swap3A_955 = arith.constant 1 : i32
        %swap3A_956 = arith.index_cast %swap3A_955 : i32 to index
        %swap3A_957 = arith.index_cast %add3A_852 : i32 to index
        %swap3A_958 = arith.constant 64 : index
        %swap3A_959 = tpu.vector_load %arg7[%swap3A_956, %swap3A_957, %swap3A_958] {strides = array<i32>} : memref<2x96x128xf32, #tpu.memory_space<vmem>>, vector<16xf32>,
        tpu.vector_store %arg7[%swap3A_956, %swap3A_957, %swap3A_958], %gather3A_876 {strides = array<i32>} : memref<2x96x128xf32, #tpu.memory_space<vmem>>, vector<16xf32>,
        %swap3A_960 = arith.constant 1 : i32
        %swap3A_961 = arith.index_cast %swap3A_960 : i32 to index
        %swap3A_962 = arith.index_cast %add3A_852 : i32 to index
        %swap3A_963 = arith.constant 80 : index
        %swap3A_964 = tpu.vector_load %arg7[%swap3A_961, %swap3A_962, %swap3A_963] {strides = array<i32>} : memref<2x96x128xf32, #tpu.memory_space<vmem>>, vector<16xf32>,
        tpu.vector_store %arg7[%swap3A_961, %swap3A_962, %swap3A_963], %gather3A_881 {strides = array<i32>} : memref<2x96x128xf32, #tpu.memory_space<vmem>>, vector<16xf32>,
        %swap3A_965 = arith.constant 1 : i32
        %swap3A_966 = arith.index_cast %swap3A_965 : i32 to index
        %swap3A_967 = arith.index_cast %add3A_852 : i32 to index
        %swap3A_968 = arith.constant 96 : index
        %swap3A_969 = tpu.vector_load %arg7[%swap3A_966, %swap3A_967, %swap3A_968] {strides = array<i32>} : memref<2x96x128xf32, #tpu.memory_space<vmem>>, vector<16xf32>,
        tpu.vector_store %arg7[%swap3A_966, %swap3A_967, %swap3A_968], %gather3A_886 {strides = array<i32>} : memref<2x96x128xf32, #tpu.memory_space<vmem>>, vector<16xf32>,
        %swap3A_970 = arith.constant 1 : i32
        %swap3A_971 = arith.index_cast %swap3A_970 : i32 to index
        %swap3A_972 = arith.index_cast %add3A_852 : i32 to index
        %swap3A_973 = arith.constant 112 : index
        %swap3A_974 = tpu.vector_load %arg7[%swap3A_971, %swap3A_972, %swap3A_973] {strides = array<i32>} : memref<2x96x128xf32, #tpu.memory_space<vmem>>, vector<16xf32>,
        tpu.vector_store %arg7[%swap3A_971, %swap3A_972, %swap3A_973], %gather3A_891 {strides = array<i32>} : memref<2x96x128xf32, #tpu.memory_space<vmem>>, vector<16xf32>,
        %swap3A_975 = arith.constant 1 : i32
        %swap3A_976 = arith.index_cast %swap3A_975 : i32 to index
        %swap3A_977 = arith.index_cast %add3A_895 : i32 to index
        %swap3A_978 = arith.constant 0 : index
        %swap3A_979 = tpu.vector_load %arg7[%swap3A_976, %swap3A_977, %swap3A_978] {strides = array<i32>} : memref<2x96x128xf32, #tpu.memory_space<vmem>>, vector<16xf32>,
        tpu.vector_store %arg7[%swap3A_976, %swap3A_977, %swap3A_978], %gather3A_900 {strides = array<i32>} : memref<2x96x128xf32, #tpu.memory_space<vmem>>, vector<16xf32>,
        %swap3A_980 = arith.constant 1 : i32
        %swap3A_981 = arith.index_cast %swap3A_980 : i32 to index
        %swap3A_982 = arith.index_cast %add3A_895 : i32 to index
        %swap3A_983 = arith.constant 16 : index
        %swap3A_984 = tpu.vector_load %arg7[%swap3A_981, %swap3A_982, %swap3A_983] {strides = array<i32>} : memref<2x96x128xf32, #tpu.memory_space<vmem>>, vector<16xf32>,
        tpu.vector_store %arg7[%swap3A_981, %swap3A_982, %swap3A_983], %gather3A_905 {strides = array<i32>} : memref<2x96x128xf32, #tpu.memory_space<vmem>>, vector<16xf32>,
        %swap3A_985 = arith.constant 1 : i32
        %swap3A_986 = arith.index_cast %swap3A_985 : i32 to index
        %swap3A_987 = arith.index_cast %add3A_895 : i32 to index
        %swap3A_988 = arith.constant 32 : index
        %swap3A_989 = tpu.vector_load %arg7[%swap3A_986, %swap3A_987, %swap3A_988] {strides = array<i32>} : memref<2x96x128xf32, #tpu.memory_space<vmem>>, vector<16xf32>,
        tpu.vector_store %arg7[%swap3A_986, %swap3A_987, %swap3A_988], %gather3A_910 {strides = array<i32>} : memref<2x96x128xf32, #tpu.memory_space<vmem>>, vector<16xf32>,
        %swap3A_990 = arith.constant 1 : i32
        %swap3A_991 = arith.index_cast %swap3A_990 : i32 to index
        %swap3A_992 = arith.index_cast %add3A_895 : i32 to index
        %swap3A_993 = arith.constant 48 : index
        %swap3A_994 = tpu.vector_load %arg7[%swap3A_991, %swap3A_992, %swap3A_993] {strides = array<i32>} : memref<2x96x128xf32, #tpu.memory_space<vmem>>, vector<16xf32>,
        tpu.vector_store %arg7[%swap3A_991, %swap3A_992, %swap3A_993], %gather3A_915 {strides = array<i32>} : memref<2x96x128xf32, #tpu.memory_space<vmem>>, vector<16xf32>,
        %swap3A_995 = arith.constant 1 : i32
        %swap3A_996 = arith.index_cast %swap3A_995 : i32 to index
        %swap3A_997 = arith.index_cast %add3A_895 : i32 to index
        %swap3A_998 = arith.constant 64 : index
        %swap3A_999 = tpu.vector_load %arg7[%swap3A_996, %swap3A_997, %swap3A_998] {strides = array<i32>} : memref<2x96x128xf32, #tpu.memory_space<vmem>>, vector<16xf32>,
        tpu.vector_store %arg7[%swap3A_996, %swap3A_997, %swap3A_998], %gather3A_920 {strides = array<i32>} : memref<2x96x128xf32, #tpu.memory_space<vmem>>, vector<16xf32>,
        %swap3A_1000 = arith.constant 1 : i32
        %swap3A_1001 = arith.index_cast %swap3A_1000 : i32 to index
        %swap3A_1002 = arith.index_cast %add3A_895 : i32 to index
        %swap3A_1003 = arith.constant 80 : index
        %swap3A_1004 = tpu.vector_load %arg7[%swap3A_1001, %swap3A_1002, %swap3A_1003] {strides = array<i32>} : memref<2x96x128xf32, #tpu.memory_space<vmem>>, vector<16xf32>,
        tpu.vector_store %arg7[%swap3A_1001, %swap3A_1002, %swap3A_1003], %gather3A_925 {strides = array<i32>} : memref<2x96x128xf32, #tpu.memory_space<vmem>>, vector<16xf32>,
        %swap3A_1005 = arith.constant 1 : i32
        %swap3A_1006 = arith.index_cast %swap3A_1005 : i32 to index
        %swap3A_1007 = arith.index_cast %add3A_895 : i32 to index
        %swap3A_1008 = arith.constant 96 : index
        %swap3A_1009 = tpu.vector_load %arg7[%swap3A_1006, %swap3A_1007, %swap3A_1008] {strides = array<i32>} : memref<2x96x128xf32, #tpu.memory_space<vmem>>, vector<16xf32>,
        tpu.vector_store %arg7[%swap3A_1006, %swap3A_1007, %swap3A_1008], %gather3A_930 {strides = array<i32>} : memref<2x96x128xf32, #tpu.memory_space<vmem>>, vector<16xf32>,
        %swap3A_1010 = arith.constant 1 : i32
        %swap3A_1011 = arith.index_cast %swap3A_1010 : i32 to index
        %swap3A_1012 = arith.index_cast %add3A_895 : i32 to index
        %swap3A_1013 = arith.constant 112 : index
        %swap3A_1014 = tpu.vector_load %arg7[%swap3A_1011, %swap3A_1012, %swap3A_1013] {strides = array<i32>} : memref<2x96x128xf32, #tpu.memory_space<vmem>>, vector<16xf32>,
        tpu.vector_store %arg7[%swap3A_1011, %swap3A_1012, %swap3A_1013], %gather3A_935 {strides = array<i32>} : memref<2x96x128xf32, #tpu.memory_space<vmem>>, vector<16xf32>,
      }
      %scan3A_603 = arith.constant 48 : i32
      %mul3A_604 = arith.constant 128 : i32
      %mul3A_605 = arith.muli %add3A, %mul3A_604 : i32
      %add3A_606 = arith.addi %mul3A_605, %add3A_560 : i32
      %jit3A_607 = arith.constant 4 : i32
      %div3A_608 = arith.divsi %add3A_606, %jit3A_607 : i32
      %sign3A_609 = arith.constant 0 : i32
      %sign3A_610 = arith.cmpi sgt, %add3A_606, %sign3A_609 : i32
      %sign3A_611 = arith.extui %sign3A_610 : i1 to i32
      %sign3A_612 = arith.constant 0 : i32
      %sign3A_613 = arith.cmpi slt, %add3A_606, %sign3A_612 : i32
      %sign3A_614 = arith.extui %sign3A_613 : i1 to i32
      %sign3A_615 = arith.subi %sign3A_611, %sign3A_614 : i32
      %sign3A_616 = arith.constant 0 : i32
      %sign3A_617 = arith.cmpi sgt, %jit3A_607, %sign3A_616 : i32
      %sign3A_618 = arith.extui %sign3A_617 : i1 to i32
      %sign3A_619 = arith.constant 0 : i32
      %sign3A_620 = arith.cmpi slt, %jit3A_607, %sign3A_619 : i32
      %sign3A_621 = arith.extui %sign3A_620 : i1 to i32
      %sign3A_622 = arith.subi %sign3A_618, %sign3A_621 : i32
      %ne3A_623 = arith.cmpi ne, %sign3A_615, %sign3A_622 : i32
      %rem3A_624 = arith.remsi %add3A_606, %jit3A_607 : i32
      %ne3A_625 = arith.constant 0 : i32
      %ne3A_626 = arith.cmpi ne, %rem3A_624, %ne3A_625 : i32
      %and3A_627 = arith.andi %ne3A_623, %ne3A_626 : i1
      %sub3A_628 = arith.constant 1 : i32
      %sub3A_629 = arith.subi %div3A_608, %sub3A_628 : i32
      %select_n3A_630 = arith.select %and3A_627, %sub3A_629, %div3A_608 : i32
      %dma_start3A_631 = arith.constant 1 : i32
      %dma_start3A_632 = arith.constant 0 : i32
      %dma_start3A_633 = arith.constant 0 : i32
      %dma_start3A_634 = tpu.memref_slice %arg7[%dma_start3A_631, %dma_start3A_632, %dma_start3A_633] : memref<2x96x128xf32, #tpu.memory_space<vmem>> -> memref<1x96x128xf32, #tpu.memory_space<vmem>>
      %dma_start3A_635 = tpu.memref_squeeze %dma_start3A_634 : memref<1x96x128xf32, #tpu.memory_space<vmem>> -> memref<96x128xf32, #tpu.memory_space<vmem>>
      %dma_start3A_636 = arith.constant 0 : i32
      %dma_start3A_637 = arith.constant 0 : i32
      %dma_start3A_638 = tpu.memref_slice %arg4[%select_n3A_630, %dma_start3A_636, %dma_start3A_637] : memref<1024x96x512xf32, #tpu.memory_space<hbm>> -> memref<1x96x512xf32, #tpu.memory_space<hbm>>
      %dma_start3A_639 = tpu.memref_squeeze %dma_start3A_638 : memref<1x96x512xf32, #tpu.memory_space<hbm>> -> memref<96x512xf32, #tpu.memory_space<hbm>>
      %dma_start3A_640 = arith.constant 0 : i32
      %dma_start3A_641 = arith.constant 128 : i32
      %dma_start3A_642 = tpu.memref_slice %dma_start3A_639[%dma_start3A_640, %dma_start3A_641] : memref<96x512xf32, #tpu.memory_space<hbm>> -> memref<96x128xf32, #tpu.memory_space<hbm>>
      %dma_start3A_643 = arith.constant 0 : i32
      %dma_start3A_644 = arith.constant 0 : i32
      %dma_start3A_645 = tpu.memref_slice %arg4[%select_n3A_630, %dma_start3A_643, %dma_start3A_644] : memref<1024x96x512xf32, #tpu.memory_space<hbm>> -> memref<1x96x512xf32, #tpu.memory_space<hbm>>
      %dma_start3A_646 = tpu.memref_squeeze %dma_start3A_645 : memref<1x96x512xf32, #tpu.memory_space<hbm>> -> memref<96x512xf32, #tpu.memory_space<hbm>>
      %dma_start3A_647 = arith.constant 0 : i32
      %dma_start3A_648 = arith.constant 128 : i32
      %dma_start3A_649 = tpu.memref_slice %dma_start3A_646[%dma_start3A_647, %dma_start3A_648] : memref<96x512xf32, #tpu.memory_space<hbm>> -> memref<96x128xf32, #tpu.memory_space<hbm>>
      %dma_start3A_650 = arith.constant 0 : i32
      %dma_start3A_651 = arith.constant 0 : i32
      %dma_start3A_652 = tpu.memref_slice %arg7[%dma_start3A_631, %dma_start3A_650, %dma_start3A_651] : memref<2x96x128xf32, #tpu.memory_space<vmem>> -> memref<1x96x128xf32, #tpu.memory_space<vmem>>
      %dma_start3A_653 = tpu.memref_squeeze %dma_start3A_652 : memref<1x96x128xf32, #tpu.memory_space<vmem>> -> memref<96x128xf32, #tpu.memory_space<vmem>>
      tpu.enqueue_dma source(%dma_start3A_653 : memref<96x128xf32, #tpu.memory_space<vmem>>) target(%dma_start3A_649 : memref<96x128xf32, #tpu.memory_space<hbm>>) target_semaphore(%arg9 : memref<!tpu.dma_semaphore, #tpu.memory_space<semaphore_mem>>)
      %mul3A_654 = arith.constant 8 : i32
      %mul3A_655 = arith.muli %scan3A_71, %mul3A_654 : i32
      %add3A_656 = arith.constant 6 : i32
      %add3A_657 = arith.addi %mul3A_655, %add3A_656 : i32
      %ge3A_658 = arith.constant 2 : i32
      %ge3A_659 = arith.cmpi sge, %add3A_657, %ge3A_658 : i32
      %convert_element_type3A_660 = arith.extui %ge3A_659 : i1 to i32
      %cond3A_661 = arith.constant 0 : i32
      %cond3A_662 = arith.cmpi ne, %convert_element_type3A_660, %cond3A_661 : i32
      scf.if %cond3A_662 {
        %dma_wait3A_848 = arith.constant 0 : i32
        %dma_wait3A_849 = arith.constant 0 : i32
        %dma_wait3A_850 = arith.constant 0 : i32
        %dma_wait3A_851 = arith.constant 0 : i32
        %dma_wait3A_852 = tpu.memref_slice %arg7[%dma_wait3A_848, %dma_wait3A_850, %dma_wait3A_851] : memref<2x96x128xf32, #tpu.memory_space<vmem>> -> memref<1x96x128xf32, #tpu.memory_space<vmem>>
        %dma_wait3A_853 = tpu.memref_squeeze %dma_wait3A_852 : memref<1x96x128xf32, #tpu.memory_space<vmem>> -> memref<96x128xf32, #tpu.memory_space<vmem>>
        %dma_wait3A_854 = arith.constant 0 : i32
        %dma_wait3A_855 = arith.constant 0 : i32
        %dma_wait3A_856 = tpu.memref_slice %arg4[%dma_wait3A_849, %dma_wait3A_854, %dma_wait3A_855] : memref<1024x96x512xf32, #tpu.memory_space<hbm>> -> memref<1x96x512xf32, #tpu.memory_space<hbm>>
        %dma_wait3A_857 = tpu.memref_squeeze %dma_wait3A_856 : memref<1x96x512xf32, #tpu.memory_space<hbm>> -> memref<96x512xf32, #tpu.memory_space<hbm>>
        %dma_wait3A_858 = arith.constant 0 : i32
        %dma_wait3A_859 = arith.constant 0 : i32
        %dma_wait3A_860 = tpu.memref_slice %dma_wait3A_857[%dma_wait3A_858, %dma_wait3A_859] : memref<96x512xf32, #tpu.memory_space<hbm>> -> memref<96x128xf32, #tpu.memory_space<hbm>>
        %dma_wait3A_861 = arith.constant 0 : i32
        %dma_wait3A_862 = arith.constant 0 : i32
        %dma_wait3A_863 = tpu.memref_slice %arg4[%dma_wait3A_849, %dma_wait3A_861, %dma_wait3A_862] : memref<1024x96x512xf32, #tpu.memory_space<hbm>> -> memref<1x96x512xf32, #tpu.memory_space<hbm>>
        %dma_wait3A_864 = tpu.memref_squeeze %dma_wait3A_863 : memref<1x96x512xf32, #tpu.memory_space<hbm>> -> memref<96x512xf32, #tpu.memory_space<hbm>>
        %dma_wait3A_865 = arith.constant 0 : i32
        %dma_wait3A_866 = arith.constant 0 : i32
        %dma_wait3A_867 = tpu.memref_slice %dma_wait3A_864[%dma_wait3A_865, %dma_wait3A_866] : memref<96x512xf32, #tpu.memory_space<hbm>> -> memref<96x128xf32, #tpu.memory_space<hbm>>
        %dma_wait3A_868 = arith.constant 0 : i32
        %dma_wait3A_869 = arith.constant 0 : i32
        %dma_wait3A_870 = tpu.memref_slice %arg7[%dma_wait3A_848, %dma_wait3A_868, %dma_wait3A_869] : memref<2x96x128xf32, #tpu.memory_space<vmem>> -> memref<1x96x128xf32, #tpu.memory_space<vmem>>
        %dma_wait3A_871 = tpu.memref_squeeze %dma_wait3A_870 : memref<1x96x128xf32, #tpu.memory_space<vmem>> -> memref<96x128xf32, #tpu.memory_space<vmem>>
        tpu.wait_dma2 semaphore(%arg8 : memref<!tpu.dma_semaphore, #tpu.memory_space<semaphore_mem>>) src(%dma_wait3A_871 : memref<96x128xf32, #tpu.memory_space<vmem>>) dst(%dma_wait3A_867 : memref<96x128xf32, #tpu.memory_space<hbm>>)
      } else {
      }
      %get3A_663 = arith.constant 6 : i32
      %get3A_664 = arith.index_cast %get3A_663 : i32 to index
      %get3A_665 = arith.constant 0 : index
      %get3A_666 = tpu.vector_load %arg6[%get3A_664, %get3A_665] {strides = array<i32>} : memref<8x128xi32, #tpu.memory_space<vmem>>, vector<16xi32>,
      %get3A_667 = arith.constant 6 : i32
      %get3A_668 = arith.index_cast %get3A_667 : i32 to index
      %get3A_669 = arith.constant 16 : index
      %get3A_670 = tpu.vector_load %arg6[%get3A_668, %get3A_669] {strides = array<i32>} : memref<8x128xi32, #tpu.memory_space<vmem>>, vector<16xi32>,
      %get3A_671 = arith.constant 6 : i32
      %get3A_672 = arith.index_cast %get3A_671 : i32 to index
      %get3A_673 = arith.constant 32 : index
      %get3A_674 = tpu.vector_load %arg6[%get3A_672, %get3A_673] {strides = array<i32>} : memref<8x128xi32, #tpu.memory_space<vmem>>, vector<16xi32>,
      %get3A_675 = arith.constant 6 : i32
      %get3A_676 = arith.index_cast %get3A_675 : i32 to index
      %get3A_677 = arith.constant 48 : index
      %get3A_678 = tpu.vector_load %arg6[%get3A_676, %get3A_677] {strides = array<i32>} : memref<8x128xi32, #tpu.memory_space<vmem>>, vector<16xi32>,
      %get3A_679 = arith.constant 6 : i32
      %get3A_680 = arith.index_cast %get3A_679 : i32 to index
      %get3A_681 = arith.constant 64 : index
      %get3A_682 = tpu.vector_load %arg6[%get3A_680, %get3A_681] {strides = array<i32>} : memref<8x128xi32, #tpu.memory_space<vmem>>, vector<16xi32>,
      %get3A_683 = arith.constant 6 : i32
      %get3A_684 = arith.index_cast %get3A_683 : i32 to index
      %get3A_685 = arith.constant 80 : index
      %get3A_686 = tpu.vector_load %arg6[%get3A_684, %get3A_685] {strides = array<i32>} : memref<8x128xi32, #tpu.memory_space<vmem>>, vector<16xi32>,
      %get3A_687 = arith.constant 6 : i32
      %get3A_688 = arith.index_cast %get3A_687 : i32 to index
      %get3A_689 = arith.constant 96 : index
      %get3A_690 = tpu.vector_load %arg6[%get3A_688, %get3A_689] {strides = array<i32>} : memref<8x128xi32, #tpu.memory_space<vmem>>, vector<16xi32>,
      %get3A_691 = arith.constant 6 : i32
      %get3A_692 = arith.index_cast %get3A_691 : i32 to index
      %get3A_693 = arith.constant 112 : index
      %get3A_694 = tpu.vector_load %arg6[%get3A_692, %get3A_693] {strides = array<i32>} : memref<8x128xi32, #tpu.memory_space<vmem>>, vector<16xi32>,
      %scan3A_695 = arith.constant 0 : i32
      %scan3A_696 = arith.constant 0 : i32
      %scan3A_697 = arith.constant 48 : i32
      %scan3A_698 = arith.addi %scan3A_696, %scan3A_697 : i32
      %scan3A_699 = arith.constant 1 : i32
      scf.for %scan3A_848 = %scan3A_696 to %scan3A_698 step %scan3A_699  : i32 {
        %mul3A_849 = arith.constant 2 : i32
        %mul3A_850 = arith.muli %scan3A_848, %mul3A_849 : i32
        %add3A_851 = arith.constant 0 : i32
        %add3A_852 = arith.addi %mul3A_850, %add3A_851 : i32
        %mul3A_853 = arith.constant 1024 : i32
        %mul3A_854 = arith.muli %add3A_852, %mul3A_853 : i32
        %add3A_855 = vector.broadcast %mul3A_854 : i32 to vector<16xi32>
        %add3A_856 = arith.addi %get3A_666, %add3A_855 : vector<16xi32>
        %gather3A = tpu.vector_load_idx %arg5[%add3A_856] : memref<98304xf32, #tpu.memory_space<vmem>>[vector<16xi32>], vector<16xf32>,
        %mul3A_857 = arith.constant 1024 : i32
        %mul3A_858 = arith.muli %add3A_852, %mul3A_857 : i32
        %add3A_859 = vector.broadcast %mul3A_858 : i32 to vector<16xi32>
        %add3A_860 = arith.addi %get3A_670, %add3A_859 : vector<16xi32>
        %gather3A_861 = tpu.vector_load_idx %arg5[%add3A_860] : memref<98304xf32, #tpu.memory_space<vmem>>[vector<16xi32>], vector<16xf32>,
        %mul3A_862 = arith.constant 1024 : i32
        %mul3A_863 = arith.muli %add3A_852, %mul3A_862 : i32
        %add3A_864 = vector.broadcast %mul3A_863 : i32 to vector<16xi32>
        %add3A_865 = arith.addi %get3A_674, %add3A_864 : vector<16xi32>
        %gather3A_866 = tpu.vector_load_idx %arg5[%add3A_865] : memref<98304xf32, #tpu.memory_space<vmem>>[vector<16xi32>], vector<16xf32>,
        %mul3A_867 = arith.constant 1024 : i32
        %mul3A_868 = arith.muli %add3A_852, %mul3A_867 : i32
        %add3A_869 = vector.broadcast %mul3A_868 : i32 to vector<16xi32>
        %add3A_870 = arith.addi %get3A_678, %add3A_869 : vector<16xi32>
        %gather3A_871 = tpu.vector_load_idx %arg5[%add3A_870] : memref<98304xf32, #tpu.memory_space<vmem>>[vector<16xi32>], vector<16xf32>,
        %mul3A_872 = arith.constant 1024 : i32
        %mul3A_873 = arith.muli %add3A_852, %mul3A_872 : i32
        %add3A_874 = vector.broadcast %mul3A_873 : i32 to vector<16xi32>
        %add3A_875 = arith.addi %get3A_682, %add3A_874 : vector<16xi32>
        %gather3A_876 = tpu.vector_load_idx %arg5[%add3A_875] : memref<98304xf32, #tpu.memory_space<vmem>>[vector<16xi32>], vector<16xf32>,
        %mul3A_877 = arith.constant 1024 : i32
        %mul3A_878 = arith.muli %add3A_852, %mul3A_877 : i32
        %add3A_879 = vector.broadcast %mul3A_878 : i32 to vector<16xi32>
        %add3A_880 = arith.addi %get3A_686, %add3A_879 : vector<16xi32>
        %gather3A_881 = tpu.vector_load_idx %arg5[%add3A_880] : memref<98304xf32, #tpu.memory_space<vmem>>[vector<16xi32>], vector<16xf32>,
        %mul3A_882 = arith.constant 1024 : i32
        %mul3A_883 = arith.muli %add3A_852, %mul3A_882 : i32
        %add3A_884 = vector.broadcast %mul3A_883 : i32 to vector<16xi32>
        %add3A_885 = arith.addi %get3A_690, %add3A_884 : vector<16xi32>
        %gather3A_886 = tpu.vector_load_idx %arg5[%add3A_885] : memref<98304xf32, #tpu.memory_space<vmem>>[vector<16xi32>], vector<16xf32>,
        %mul3A_887 = arith.constant 1024 : i32
        %mul3A_888 = arith.muli %add3A_852, %mul3A_887 : i32
        %add3A_889 = vector.broadcast %mul3A_888 : i32 to vector<16xi32>
        %add3A_890 = arith.addi %get3A_694, %add3A_889 : vector<16xi32>
        %gather3A_891 = tpu.vector_load_idx %arg5[%add3A_890] : memref<98304xf32, #tpu.memory_space<vmem>>[vector<16xi32>], vector<16xf32>,
        %mul3A_892 = arith.constant 2 : i32
        %mul3A_893 = arith.muli %scan3A_848, %mul3A_892 : i32
        %add3A_894 = arith.constant 1 : i32
        %add3A_895 = arith.addi %mul3A_893, %add3A_894 : i32
        %mul3A_896 = arith.constant 1024 : i32
        %mul3A_897 = arith.muli %add3A_895, %mul3A_896 : i32
        %add3A_898 = vector.broadcast %mul3A_897 : i32 to vector<16xi32>
        %add3A_899 = arith.addi %get3A_666, %add3A_898 : vector<16xi32>
        %gather3A_900 = tpu.vector_load_idx %arg5[%add3A_899] : memref<98304xf32, #tpu.memory_space<vmem>>[vector<16xi32>], vector<16xf32>,
        %mul3A_901 = arith.constant 1024 : i32
        %mul3A_902 = arith.muli %add3A_895, %mul3A_901 : i32
        %add3A_903 = vector.broadcast %mul3A_902 : i32 to vector<16xi32>
        %add3A_904 = arith.addi %get3A_670, %add3A_903 : vector<16xi32>
        %gather3A_905 = tpu.vector_load_idx %arg5[%add3A_904] : memref<98304xf32, #tpu.memory_space<vmem>>[vector<16xi32>], vector<16xf32>,
        %mul3A_906 = arith.constant 1024 : i32
        %mul3A_907 = arith.muli %add3A_895, %mul3A_906 : i32
        %add3A_908 = vector.broadcast %mul3A_907 : i32 to vector<16xi32>
        %add3A_909 = arith.addi %get3A_674, %add3A_908 : vector<16xi32>
        %gather3A_910 = tpu.vector_load_idx %arg5[%add3A_909] : memref<98304xf32, #tpu.memory_space<vmem>>[vector<16xi32>], vector<16xf32>,
        %mul3A_911 = arith.constant 1024 : i32
        %mul3A_912 = arith.muli %add3A_895, %mul3A_911 : i32
        %add3A_913 = vector.broadcast %mul3A_912 : i32 to vector<16xi32>
        %add3A_914 = arith.addi %get3A_678, %add3A_913 : vector<16xi32>
        %gather3A_915 = tpu.vector_load_idx %arg5[%add3A_914] : memref<98304xf32, #tpu.memory_space<vmem>>[vector<16xi32>], vector<16xf32>,
        %mul3A_916 = arith.constant 1024 : i32
        %mul3A_917 = arith.muli %add3A_895, %mul3A_916 : i32
        %add3A_918 = vector.broadcast %mul3A_917 : i32 to vector<16xi32>
        %add3A_919 = arith.addi %get3A_682, %add3A_918 : vector<16xi32>
        %gather3A_920 = tpu.vector_load_idx %arg5[%add3A_919] : memref<98304xf32, #tpu.memory_space<vmem>>[vector<16xi32>], vector<16xf32>,
        %mul3A_921 = arith.constant 1024 : i32
        %mul3A_922 = arith.muli %add3A_895, %mul3A_921 : i32
        %add3A_923 = vector.broadcast %mul3A_922 : i32 to vector<16xi32>
        %add3A_924 = arith.addi %get3A_686, %add3A_923 : vector<16xi32>
        %gather3A_925 = tpu.vector_load_idx %arg5[%add3A_924] : memref<98304xf32, #tpu.memory_space<vmem>>[vector<16xi32>], vector<16xf32>,
        %mul3A_926 = arith.constant 1024 : i32
        %mul3A_927 = arith.muli %add3A_895, %mul3A_926 : i32
        %add3A_928 = vector.broadcast %mul3A_927 : i32 to vector<16xi32>
        %add3A_929 = arith.addi %get3A_690, %add3A_928 : vector<16xi32>
        %gather3A_930 = tpu.vector_load_idx %arg5[%add3A_929] : memref<98304xf32, #tpu.memory_space<vmem>>[vector<16xi32>], vector<16xf32>,
        %mul3A_931 = arith.constant 1024 : i32
        %mul3A_932 = arith.muli %add3A_895, %mul3A_931 : i32
        %add3A_933 = vector.broadcast %mul3A_932 : i32 to vector<16xi32>
        %add3A_934 = arith.addi %get3A_694, %add3A_933 : vector<16xi32>
        %gather3A_935 = tpu.vector_load_idx %arg5[%add3A_934] : memref<98304xf32, #tpu.memory_space<vmem>>[vector<16xi32>], vector<16xf32>,
        %swap3A = arith.constant 0 : i32
        %swap3A_936 = arith.index_cast %swap3A : i32 to index
        %swap3A_937 = arith.index_cast %add3A_852 : i32 to index
        %swap3A_938 = arith.constant 0 : index
        %swap3A_939 = tpu.vector_load %arg7[%swap3A_936, %swap3A_937, %swap3A_938] {strides = array<i32>} : memref<2x96x128xf32, #tpu.memory_space<vmem>>, vector<16xf32>,
        tpu.vector_store %arg7[%swap3A_936, %swap3A_937, %swap3A_938], %gather3A {strides = array<i32>} : memref<2x96x128xf32, #tpu.memory_space<vmem>>, vector<16xf32>,
        %swap3A_940 = arith.constant 0 : i32
        %swap3A_941 = arith.index_cast %swap3A_940 : i32 to index
        %swap3A_942 = arith.index_cast %add3A_852 : i32 to index
        %swap3A_943 = arith.constant 16 : index
        %swap3A_944 = tpu.vector_load %arg7[%swap3A_941, %swap3A_942, %swap3A_943] {strides = array<i32>} : memref<2x96x128xf32, #tpu.memory_space<vmem>>, vector<16xf32>,
        tpu.vector_store %arg7[%swap3A_941, %swap3A_942, %swap3A_943], %gather3A_861 {strides = array<i32>} : memref<2x96x128xf32, #tpu.memory_space<vmem>>, vector<16xf32>,
        %swap3A_945 = arith.constant 0 : i32
        %swap3A_946 = arith.index_cast %swap3A_945 : i32 to index
        %swap3A_947 = arith.index_cast %add3A_852 : i32 to index
        %swap3A_948 = arith.constant 32 : index
        %swap3A_949 = tpu.vector_load %arg7[%swap3A_946, %swap3A_947, %swap3A_948] {strides = array<i32>} : memref<2x96x128xf32, #tpu.memory_space<vmem>>, vector<16xf32>,
        tpu.vector_store %arg7[%swap3A_946, %swap3A_947, %swap3A_948], %gather3A_866 {strides = array<i32>} : memref<2x96x128xf32, #tpu.memory_space<vmem>>, vector<16xf32>,
        %swap3A_950 = arith.constant 0 : i32
        %swap3A_951 = arith.index_cast %swap3A_950 : i32 to index
        %swap3A_952 = arith.index_cast %add3A_852 : i32 to index
        %swap3A_953 = arith.constant 48 : index
        %swap3A_954 = tpu.vector_load %arg7[%swap3A_951, %swap3A_952, %swap3A_953] {strides = array<i32>} : memref<2x96x128xf32, #tpu.memory_space<vmem>>, vector<16xf32>,
        tpu.vector_store %arg7[%swap3A_951, %swap3A_952, %swap3A_953], %gather3A_871 {strides = array<i32>} : memref<2x96x128xf32, #tpu.memory_space<vmem>>, vector<16xf32>,
        %swap3A_955 = arith.constant 0 : i32
        %swap3A_956 = arith.index_cast %swap3A_955 : i32 to index
        %swap3A_957 = arith.index_cast %add3A_852 : i32 to index
        %swap3A_958 = arith.constant 64 : index
        %swap3A_959 = tpu.vector_load %arg7[%swap3A_956, %swap3A_957, %swap3A_958] {strides = array<i32>} : memref<2x96x128xf32, #tpu.memory_space<vmem>>, vector<16xf32>,
        tpu.vector_store %arg7[%swap3A_956, %swap3A_957, %swap3A_958], %gather3A_876 {strides = array<i32>} : memref<2x96x128xf32, #tpu.memory_space<vmem>>, vector<16xf32>,
        %swap3A_960 = arith.constant 0 : i32
        %swap3A_961 = arith.index_cast %swap3A_960 : i32 to index
        %swap3A_962 = arith.index_cast %add3A_852 : i32 to index
        %swap3A_963 = arith.constant 80 : index
        %swap3A_964 = tpu.vector_load %arg7[%swap3A_961, %swap3A_962, %swap3A_963] {strides = array<i32>} : memref<2x96x128xf32, #tpu.memory_space<vmem>>, vector<16xf32>,
        tpu.vector_store %arg7[%swap3A_961, %swap3A_962, %swap3A_963], %gather3A_881 {strides = array<i32>} : memref<2x96x128xf32, #tpu.memory_space<vmem>>, vector<16xf32>,
        %swap3A_965 = arith.constant 0 : i32
        %swap3A_966 = arith.index_cast %swap3A_965 : i32 to index
        %swap3A_967 = arith.index_cast %add3A_852 : i32 to index
        %swap3A_968 = arith.constant 96 : index
        %swap3A_969 = tpu.vector_load %arg7[%swap3A_966, %swap3A_967, %swap3A_968] {strides = array<i32>} : memref<2x96x128xf32, #tpu.memory_space<vmem>>, vector<16xf32>,
        tpu.vector_store %arg7[%swap3A_966, %swap3A_967, %swap3A_968], %gather3A_886 {strides = array<i32>} : memref<2x96x128xf32, #tpu.memory_space<vmem>>, vector<16xf32>,
        %swap3A_970 = arith.constant 0 : i32
        %swap3A_971 = arith.index_cast %swap3A_970 : i32 to index
        %swap3A_972 = arith.index_cast %add3A_852 : i32 to index
        %swap3A_973 = arith.constant 112 : index
        %swap3A_974 = tpu.vector_load %arg7[%swap3A_971, %swap3A_972, %swap3A_973] {strides = array<i32>} : memref<2x96x128xf32, #tpu.memory_space<vmem>>, vector<16xf32>,
        tpu.vector_store %arg7[%swap3A_971, %swap3A_972, %swap3A_973], %gather3A_891 {strides = array<i32>} : memref<2x96x128xf32, #tpu.memory_space<vmem>>, vector<16xf32>,
        %swap3A_975 = arith.constant 0 : i32
        %swap3A_976 = arith.index_cast %swap3A_975 : i32 to index
        %swap3A_977 = arith.index_cast %add3A_895 : i32 to index
        %swap3A_978 = arith.constant 0 : index
        %swap3A_979 = tpu.vector_load %arg7[%swap3A_976, %swap3A_977, %swap3A_978] {strides = array<i32>} : memref<2x96x128xf32, #tpu.memory_space<vmem>>, vector<16xf32>,
        tpu.vector_store %arg7[%swap3A_976, %swap3A_977, %swap3A_978], %gather3A_900 {strides = array<i32>} : memref<2x96x128xf32, #tpu.memory_space<vmem>>, vector<16xf32>,
        %swap3A_980 = arith.constant 0 : i32
        %swap3A_981 = arith.index_cast %swap3A_980 : i32 to index
        %swap3A_982 = arith.index_cast %add3A_895 : i32 to index
        %swap3A_983 = arith.constant 16 : index
        %swap3A_984 = tpu.vector_load %arg7[%swap3A_981, %swap3A_982, %swap3A_983] {strides = array<i32>} : memref<2x96x128xf32, #tpu.memory_space<vmem>>, vector<16xf32>,
        tpu.vector_store %arg7[%swap3A_981, %swap3A_982, %swap3A_983], %gather3A_905 {strides = array<i32>} : memref<2x96x128xf32, #tpu.memory_space<vmem>>, vector<16xf32>,
        %swap3A_985 = arith.constant 0 : i32
        %swap3A_986 = arith.index_cast %swap3A_985 : i32 to index
        %swap3A_987 = arith.index_cast %add3A_895 : i32 to index
        %swap3A_988 = arith.constant 32 : index
        %swap3A_989 = tpu.vector_load %arg7[%swap3A_986, %swap3A_987, %swap3A_988] {strides = array<i32>} : memref<2x96x128xf32, #tpu.memory_space<vmem>>, vector<16xf32>,
        tpu.vector_store %arg7[%swap3A_986, %swap3A_987, %swap3A_988], %gather3A_910 {strides = array<i32>} : memref<2x96x128xf32, #tpu.memory_space<vmem>>, vector<16xf32>,
        %swap3A_990 = arith.constant 0 : i32
        %swap3A_991 = arith.index_cast %swap3A_990 : i32 to index
        %swap3A_992 = arith.index_cast %add3A_895 : i32 to index
        %swap3A_993 = arith.constant 48 : index
        %swap3A_994 = tpu.vector_load %arg7[%swap3A_991, %swap3A_992, %swap3A_993] {strides = array<i32>} : memref<2x96x128xf32, #tpu.memory_space<vmem>>, vector<16xf32>,
        tpu.vector_store %arg7[%swap3A_991, %swap3A_992, %swap3A_993], %gather3A_915 {strides = array<i32>} : memref<2x96x128xf32, #tpu.memory_space<vmem>>, vector<16xf32>,
        %swap3A_995 = arith.constant 0 : i32
        %swap3A_996 = arith.index_cast %swap3A_995 : i32 to index
        %swap3A_997 = arith.index_cast %add3A_895 : i32 to index
        %swap3A_998 = arith.constant 64 : index
        %swap3A_999 = tpu.vector_load %arg7[%swap3A_996, %swap3A_997, %swap3A_998] {strides = array<i32>} : memref<2x96x128xf32, #tpu.memory_space<vmem>>, vector<16xf32>,
        tpu.vector_store %arg7[%swap3A_996, %swap3A_997, %swap3A_998], %gather3A_920 {strides = array<i32>} : memref<2x96x128xf32, #tpu.memory_space<vmem>>, vector<16xf32>,
        %swap3A_1000 = arith.constant 0 : i32
        %swap3A_1001 = arith.index_cast %swap3A_1000 : i32 to index
        %swap3A_1002 = arith.index_cast %add3A_895 : i32 to index
        %swap3A_1003 = arith.constant 80 : index
        %swap3A_1004 = tpu.vector_load %arg7[%swap3A_1001, %swap3A_1002, %swap3A_1003] {strides = array<i32>} : memref<2x96x128xf32, #tpu.memory_space<vmem>>, vector<16xf32>,
        tpu.vector_store %arg7[%swap3A_1001, %swap3A_1002, %swap3A_1003], %gather3A_925 {strides = array<i32>} : memref<2x96x128xf32, #tpu.memory_space<vmem>>, vector<16xf32>,
        %swap3A_1005 = arith.constant 0 : i32
        %swap3A_1006 = arith.index_cast %swap3A_1005 : i32 to index
        %swap3A_1007 = arith.index_cast %add3A_895 : i32 to index
        %swap3A_1008 = arith.constant 96 : index
        %swap3A_1009 = tpu.vector_load %arg7[%swap3A_1006, %swap3A_1007, %swap3A_1008] {strides = array<i32>} : memref<2x96x128xf32, #tpu.memory_space<vmem>>, vector<16xf32>,
        tpu.vector_store %arg7[%swap3A_1006, %swap3A_1007, %swap3A_1008], %gather3A_930 {strides = array<i32>} : memref<2x96x128xf32, #tpu.memory_space<vmem>>, vector<16xf32>,
        %swap3A_1010 = arith.constant 0 : i32
        %swap3A_1011 = arith.index_cast %swap3A_1010 : i32 to index
        %swap3A_1012 = arith.index_cast %add3A_895 : i32 to index
        %swap3A_1013 = arith.constant 112 : index
        %swap3A_1014 = tpu.vector_load %arg7[%swap3A_1011, %swap3A_1012, %swap3A_1013] {strides = array<i32>} : memref<2x96x128xf32, #tpu.memory_space<vmem>>, vector<16xf32>,
        tpu.vector_store %arg7[%swap3A_1011, %swap3A_1012, %swap3A_1013], %gather3A_935 {strides = array<i32>} : memref<2x96x128xf32, #tpu.memory_space<vmem>>, vector<16xf32>,
      }
      %scan3A_700 = arith.constant 48 : i32
      %mul3A_701 = arith.constant 128 : i32
      %mul3A_702 = arith.muli %add3A, %mul3A_701 : i32
      %add3A_703 = arith.addi %mul3A_702, %add3A_657 : i32
      %jit3A_704 = arith.constant 4 : i32
      %div3A_705 = arith.divsi %add3A_703, %jit3A_704 : i32
      %sign3A_706 = arith.constant 0 : i32
      %sign3A_707 = arith.cmpi sgt, %add3A_703, %sign3A_706 : i32
      %sign3A_708 = arith.extui %sign3A_707 : i1 to i32
      %sign3A_709 = arith.constant 0 : i32
      %sign3A_710 = arith.cmpi slt, %add3A_703, %sign3A_709 : i32
      %sign3A_711 = arith.extui %sign3A_710 : i1 to i32
      %sign3A_712 = arith.subi %sign3A_708, %sign3A_711 : i32
      %sign3A_713 = arith.constant 0 : i32
      %sign3A_714 = arith.cmpi sgt, %jit3A_704, %sign3A_713 : i32
      %sign3A_715 = arith.extui %sign3A_714 : i1 to i32
      %sign3A_716 = arith.constant 0 : i32
      %sign3A_717 = arith.cmpi slt, %jit3A_704, %sign3A_716 : i32
      %sign3A_718 = arith.extui %sign3A_717 : i1 to i32
      %sign3A_719 = arith.subi %sign3A_715, %sign3A_718 : i32
      %ne3A_720 = arith.cmpi ne, %sign3A_712, %sign3A_719 : i32
      %rem3A_721 = arith.remsi %add3A_703, %jit3A_704 : i32
      %ne3A_722 = arith.constant 0 : i32
      %ne3A_723 = arith.cmpi ne, %rem3A_721, %ne3A_722 : i32
      %and3A_724 = arith.andi %ne3A_720, %ne3A_723 : i1
      %sub3A_725 = arith.constant 1 : i32
      %sub3A_726 = arith.subi %div3A_705, %sub3A_725 : i32
      %select_n3A_727 = arith.select %and3A_724, %sub3A_726, %div3A_705 : i32
      %dma_start3A_728 = arith.constant 0 : i32
      %dma_start3A_729 = arith.constant 0 : i32
      %dma_start3A_730 = arith.constant 0 : i32
      %dma_start3A_731 = tpu.memref_slice %arg7[%dma_start3A_728, %dma_start3A_729, %dma_start3A_730] : memref<2x96x128xf32, #tpu.memory_space<vmem>> -> memref<1x96x128xf32, #tpu.memory_space<vmem>>
      %dma_start3A_732 = tpu.memref_squeeze %dma_start3A_731 : memref<1x96x128xf32, #tpu.memory_space<vmem>> -> memref<96x128xf32, #tpu.memory_space<vmem>>
      %dma_start3A_733 = arith.constant 0 : i32
      %dma_start3A_734 = arith.constant 0 : i32
      %dma_start3A_735 = tpu.memref_slice %arg4[%select_n3A_727, %dma_start3A_733, %dma_start3A_734] : memref<1024x96x512xf32, #tpu.memory_space<hbm>> -> memref<1x96x512xf32, #tpu.memory_space<hbm>>
      %dma_start3A_736 = tpu.memref_squeeze %dma_start3A_735 : memref<1x96x512xf32, #tpu.memory_space<hbm>> -> memref<96x512xf32, #tpu.memory_space<hbm>>
      %dma_start3A_737 = arith.constant 0 : i32
      %dma_start3A_738 = arith.constant 256 : i32
      %dma_start3A_739 = tpu.memref_slice %dma_start3A_736[%dma_start3A_737, %dma_start3A_738] : memref<96x512xf32, #tpu.memory_space<hbm>> -> memref<96x128xf32, #tpu.memory_space<hbm>>
      %dma_start3A_740 = arith.constant 0 : i32
      %dma_start3A_741 = arith.constant 0 : i32
      %dma_start3A_742 = tpu.memref_slice %arg4[%select_n3A_727, %dma_start3A_740, %dma_start3A_741] : memref<1024x96x512xf32, #tpu.memory_space<hbm>> -> memref<1x96x512xf32, #tpu.memory_space<hbm>>
      %dma_start3A_743 = tpu.memref_squeeze %dma_start3A_742 : memref<1x96x512xf32, #tpu.memory_space<hbm>> -> memref<96x512xf32, #tpu.memory_space<hbm>>
      %dma_start3A_744 = arith.constant 0 : i32
      %dma_start3A_745 = arith.constant 256 : i32
      %dma_start3A_746 = tpu.memref_slice %dma_start3A_743[%dma_start3A_744, %dma_start3A_745] : memref<96x512xf32, #tpu.memory_space<hbm>> -> memref<96x128xf32, #tpu.memory_space<hbm>>
      %dma_start3A_747 = arith.constant 0 : i32
      %dma_start3A_748 = arith.constant 0 : i32
      %dma_start3A_749 = tpu.memref_slice %arg7[%dma_start3A_728, %dma_start3A_747, %dma_start3A_748] : memref<2x96x128xf32, #tpu.memory_space<vmem>> -> memref<1x96x128xf32, #tpu.memory_space<vmem>>
      %dma_start3A_750 = tpu.memref_squeeze %dma_start3A_749 : memref<1x96x128xf32, #tpu.memory_space<vmem>> -> memref<96x128xf32, #tpu.memory_space<vmem>>
      tpu.enqueue_dma source(%dma_start3A_750 : memref<96x128xf32, #tpu.memory_space<vmem>>) target(%dma_start3A_746 : memref<96x128xf32, #tpu.memory_space<hbm>>) target_semaphore(%arg8 : memref<!tpu.dma_semaphore, #tpu.memory_space<semaphore_mem>>)
      %mul3A_751 = arith.constant 8 : i32
      %mul3A_752 = arith.muli %scan3A_71, %mul3A_751 : i32
      %add3A_753 = arith.constant 7 : i32
      %add3A_754 = arith.addi %mul3A_752, %add3A_753 : i32
      %ge3A_755 = arith.constant 2 : i32
      %ge3A_756 = arith.cmpi sge, %add3A_754, %ge3A_755 : i32
      %convert_element_type3A_757 = arith.extui %ge3A_756 : i1 to i32
      %cond3A_758 = arith.constant 0 : i32
      %cond3A_759 = arith.cmpi ne, %convert_element_type3A_757, %cond3A_758 : i32
      scf.if %cond3A_759 {
        %dma_wait3A_848 = arith.constant 1 : i32
        %dma_wait3A_849 = arith.constant 0 : i32
        %dma_wait3A_850 = arith.constant 0 : i32
        %dma_wait3A_851 = arith.constant 0 : i32
        %dma_wait3A_852 = tpu.memref_slice %arg7[%dma_wait3A_848, %dma_wait3A_850, %dma_wait3A_851] : memref<2x96x128xf32, #tpu.memory_space<vmem>> -> memref<1x96x128xf32, #tpu.memory_space<vmem>>
        %dma_wait3A_853 = tpu.memref_squeeze %dma_wait3A_852 : memref<1x96x128xf32, #tpu.memory_space<vmem>> -> memref<96x128xf32, #tpu.memory_space<vmem>>
        %dma_wait3A_854 = arith.constant 0 : i32
        %dma_wait3A_855 = arith.constant 0 : i32
        %dma_wait3A_856 = tpu.memref_slice %arg4[%dma_wait3A_849, %dma_wait3A_854, %dma_wait3A_855] : memref<1024x96x512xf32, #tpu.memory_space<hbm>> -> memref<1x96x512xf32, #tpu.memory_space<hbm>>
        %dma_wait3A_857 = tpu.memref_squeeze %dma_wait3A_856 : memref<1x96x512xf32, #tpu.memory_space<hbm>> -> memref<96x512xf32, #tpu.memory_space<hbm>>
        %dma_wait3A_858 = arith.constant 0 : i32
        %dma_wait3A_859 = arith.constant 0 : i32
        %dma_wait3A_860 = tpu.memref_slice %dma_wait3A_857[%dma_wait3A_858, %dma_wait3A_859] : memref<96x512xf32, #tpu.memory_space<hbm>> -> memref<96x128xf32, #tpu.memory_space<hbm>>
        %dma_wait3A_861 = arith.constant 0 : i32
        %dma_wait3A_862 = arith.constant 0 : i32
        %dma_wait3A_863 = tpu.memref_slice %arg4[%dma_wait3A_849, %dma_wait3A_861, %dma_wait3A_862] : memref<1024x96x512xf32, #tpu.memory_space<hbm>> -> memref<1x96x512xf32, #tpu.memory_space<hbm>>
        %dma_wait3A_864 = tpu.memref_squeeze %dma_wait3A_863 : memref<1x96x512xf32, #tpu.memory_space<hbm>> -> memref<96x512xf32, #tpu.memory_space<hbm>>
        %dma_wait3A_865 = arith.constant 0 : i32
        %dma_wait3A_866 = arith.constant 0 : i32
        %dma_wait3A_867 = tpu.memref_slice %dma_wait3A_864[%dma_wait3A_865, %dma_wait3A_866] : memref<96x512xf32, #tpu.memory_space<hbm>> -> memref<96x128xf32, #tpu.memory_space<hbm>>
        %dma_wait3A_868 = arith.constant 0 : i32
        %dma_wait3A_869 = arith.constant 0 : i32
        %dma_wait3A_870 = tpu.memref_slice %arg7[%dma_wait3A_848, %dma_wait3A_868, %dma_wait3A_869] : memref<2x96x128xf32, #tpu.memory_space<vmem>> -> memref<1x96x128xf32, #tpu.memory_space<vmem>>
        %dma_wait3A_871 = tpu.memref_squeeze %dma_wait3A_870 : memref<1x96x128xf32, #tpu.memory_space<vmem>> -> memref<96x128xf32, #tpu.memory_space<vmem>>
        tpu.wait_dma2 semaphore(%arg9 : memref<!tpu.dma_semaphore, #tpu.memory_space<semaphore_mem>>) src(%dma_wait3A_871 : memref<96x128xf32, #tpu.memory_space<vmem>>) dst(%dma_wait3A_867 : memref<96x128xf32, #tpu.memory_space<hbm>>)
      } else {
      }
      %get3A_760 = arith.constant 7 : i32
      %get3A_761 = arith.index_cast %get3A_760 : i32 to index
      %get3A_762 = arith.constant 0 : index
      %get3A_763 = tpu.vector_load %arg6[%get3A_761, %get3A_762] {strides = array<i32>} : memref<8x128xi32, #tpu.memory_space<vmem>>, vector<16xi32>,
      %get3A_764 = arith.constant 7 : i32
      %get3A_765 = arith.index_cast %get3A_764 : i32 to index
      %get3A_766 = arith.constant 16 : index
      %get3A_767 = tpu.vector_load %arg6[%get3A_765, %get3A_766] {strides = array<i32>} : memref<8x128xi32, #tpu.memory_space<vmem>>, vector<16xi32>,
      %get3A_768 = arith.constant 7 : i32
      %get3A_769 = arith.index_cast %get3A_768 : i32 to index
      %get3A_770 = arith.constant 32 : index
      %get3A_771 = tpu.vector_load %arg6[%get3A_769, %get3A_770] {strides = array<i32>} : memref<8x128xi32, #tpu.memory_space<vmem>>, vector<16xi32>,
      %get3A_772 = arith.constant 7 : i32
      %get3A_773 = arith.index_cast %get3A_772 : i32 to index
      %get3A_774 = arith.constant 48 : index
      %get3A_775 = tpu.vector_load %arg6[%get3A_773, %get3A_774] {strides = array<i32>} : memref<8x128xi32, #tpu.memory_space<vmem>>, vector<16xi32>,
      %get3A_776 = arith.constant 7 : i32
      %get3A_777 = arith.index_cast %get3A_776 : i32 to index
      %get3A_778 = arith.constant 64 : index
      %get3A_779 = tpu.vector_load %arg6[%get3A_777, %get3A_778] {strides = array<i32>} : memref<8x128xi32, #tpu.memory_space<vmem>>, vector<16xi32>,
      %get3A_780 = arith.constant 7 : i32
      %get3A_781 = arith.index_cast %get3A_780 : i32 to index
      %get3A_782 = arith.constant 80 : index
      %get3A_783 = tpu.vector_load %arg6[%get3A_781, %get3A_782] {strides = array<i32>} : memref<8x128xi32, #tpu.memory_space<vmem>>, vector<16xi32>,
      %get3A_784 = arith.constant 7 : i32
      %get3A_785 = arith.index_cast %get3A_784 : i32 to index
      %get3A_786 = arith.constant 96 : index
      %get3A_787 = tpu.vector_load %arg6[%get3A_785, %get3A_786] {strides = array<i32>} : memref<8x128xi32, #tpu.memory_space<vmem>>, vector<16xi32>,
      %get3A_788 = arith.constant 7 : i32
      %get3A_789 = arith.index_cast %get3A_788 : i32 to index
      %get3A_790 = arith.constant 112 : index
      %get3A_791 = tpu.vector_load %arg6[%get3A_789, %get3A_790] {strides = array<i32>} : memref<8x128xi32, #tpu.memory_space<vmem>>, vector<16xi32>,
      %scan3A_792 = arith.constant 0 : i32
      %scan3A_793 = arith.constant 0 : i32
      %scan3A_794 = arith.constant 48 : i32
      %scan3A_795 = arith.addi %scan3A_793, %scan3A_794 : i32
      %scan3A_796 = arith.constant 1 : i32
      scf.for %scan3A_848 = %scan3A_793 to %scan3A_795 step %scan3A_796  : i32 {
        %mul3A_849 = arith.constant 2 : i32
        %mul3A_850 = arith.muli %scan3A_848, %mul3A_849 : i32
        %add3A_851 = arith.constant 0 : i32
        %add3A_852 = arith.addi %mul3A_850, %add3A_851 : i32
        %mul3A_853 = arith.constant 1024 : i32
        %mul3A_854 = arith.muli %add3A_852, %mul3A_853 : i32
        %add3A_855 = vector.broadcast %mul3A_854 : i32 to vector<16xi32>
        %add3A_856 = arith.addi %get3A_763, %add3A_855 : vector<16xi32>
        %gather3A = tpu.vector_load_idx %arg5[%add3A_856] : memref<98304xf32, #tpu.memory_space<vmem>>[vector<16xi32>], vector<16xf32>,
        %mul3A_857 = arith.constant 1024 : i32
        %mul3A_858 = arith.muli %add3A_852, %mul3A_857 : i32
        %add3A_859 = vector.broadcast %mul3A_858 : i32 to vector<16xi32>
        %add3A_860 = arith.addi %get3A_767, %add3A_859 : vector<16xi32>
        %gather3A_861 = tpu.vector_load_idx %arg5[%add3A_860] : memref<98304xf32, #tpu.memory_space<vmem>>[vector<16xi32>], vector<16xf32>,
        %mul3A_862 = arith.constant 1024 : i32
        %mul3A_863 = arith.muli %add3A_852, %mul3A_862 : i32
        %add3A_864 = vector.broadcast %mul3A_863 : i32 to vector<16xi32>
        %add3A_865 = arith.addi %get3A_771, %add3A_864 : vector<16xi32>
        %gather3A_866 = tpu.vector_load_idx %arg5[%add3A_865] : memref<98304xf32, #tpu.memory_space<vmem>>[vector<16xi32>], vector<16xf32>,
        %mul3A_867 = arith.constant 1024 : i32
        %mul3A_868 = arith.muli %add3A_852, %mul3A_867 : i32
        %add3A_869 = vector.broadcast %mul3A_868 : i32 to vector<16xi32>
        %add3A_870 = arith.addi %get3A_775, %add3A_869 : vector<16xi32>
        %gather3A_871 = tpu.vector_load_idx %arg5[%add3A_870] : memref<98304xf32, #tpu.memory_space<vmem>>[vector<16xi32>], vector<16xf32>,
        %mul3A_872 = arith.constant 1024 : i32
        %mul3A_873 = arith.muli %add3A_852, %mul3A_872 : i32
        %add3A_874 = vector.broadcast %mul3A_873 : i32 to vector<16xi32>
        %add3A_875 = arith.addi %get3A_779, %add3A_874 : vector<16xi32>
        %gather3A_876 = tpu.vector_load_idx %arg5[%add3A_875] : memref<98304xf32, #tpu.memory_space<vmem>>[vector<16xi32>], vector<16xf32>,
        %mul3A_877 = arith.constant 1024 : i32
        %mul3A_878 = arith.muli %add3A_852, %mul3A_877 : i32
        %add3A_879 = vector.broadcast %mul3A_878 : i32 to vector<16xi32>
        %add3A_880 = arith.addi %get3A_783, %add3A_879 : vector<16xi32>
        %gather3A_881 = tpu.vector_load_idx %arg5[%add3A_880] : memref<98304xf32, #tpu.memory_space<vmem>>[vector<16xi32>], vector<16xf32>,
        %mul3A_882 = arith.constant 1024 : i32
        %mul3A_883 = arith.muli %add3A_852, %mul3A_882 : i32
        %add3A_884 = vector.broadcast %mul3A_883 : i32 to vector<16xi32>
        %add3A_885 = arith.addi %get3A_787, %add3A_884 : vector<16xi32>
        %gather3A_886 = tpu.vector_load_idx %arg5[%add3A_885] : memref<98304xf32, #tpu.memory_space<vmem>>[vector<16xi32>], vector<16xf32>,
        %mul3A_887 = arith.constant 1024 : i32
        %mul3A_888 = arith.muli %add3A_852, %mul3A_887 : i32
        %add3A_889 = vector.broadcast %mul3A_888 : i32 to vector<16xi32>
        %add3A_890 = arith.addi %get3A_791, %add3A_889 : vector<16xi32>
        %gather3A_891 = tpu.vector_load_idx %arg5[%add3A_890] : memref<98304xf32, #tpu.memory_space<vmem>>[vector<16xi32>], vector<16xf32>,
        %mul3A_892 = arith.constant 2 : i32
        %mul3A_893 = arith.muli %scan3A_848, %mul3A_892 : i32
        %add3A_894 = arith.constant 1 : i32
        %add3A_895 = arith.addi %mul3A_893, %add3A_894 : i32
        %mul3A_896 = arith.constant 1024 : i32
        %mul3A_897 = arith.muli %add3A_895, %mul3A_896 : i32
        %add3A_898 = vector.broadcast %mul3A_897 : i32 to vector<16xi32>
        %add3A_899 = arith.addi %get3A_763, %add3A_898 : vector<16xi32>
        %gather3A_900 = tpu.vector_load_idx %arg5[%add3A_899] : memref<98304xf32, #tpu.memory_space<vmem>>[vector<16xi32>], vector<16xf32>,
        %mul3A_901 = arith.constant 1024 : i32
        %mul3A_902 = arith.muli %add3A_895, %mul3A_901 : i32
        %add3A_903 = vector.broadcast %mul3A_902 : i32 to vector<16xi32>
        %add3A_904 = arith.addi %get3A_767, %add3A_903 : vector<16xi32>
        %gather3A_905 = tpu.vector_load_idx %arg5[%add3A_904] : memref<98304xf32, #tpu.memory_space<vmem>>[vector<16xi32>], vector<16xf32>,
        %mul3A_906 = arith.constant 1024 : i32
        %mul3A_907 = arith.muli %add3A_895, %mul3A_906 : i32
        %add3A_908 = vector.broadcast %mul3A_907 : i32 to vector<16xi32>
        %add3A_909 = arith.addi %get3A_771, %add3A_908 : vector<16xi32>
        %gather3A_910 = tpu.vector_load_idx %arg5[%add3A_909] : memref<98304xf32, #tpu.memory_space<vmem>>[vector<16xi32>], vector<16xf32>,
        %mul3A_911 = arith.constant 1024 : i32
        %mul3A_912 = arith.muli %add3A_895, %mul3A_911 : i32
        %add3A_913 = vector.broadcast %mul3A_912 : i32 to vector<16xi32>
        %add3A_914 = arith.addi %get3A_775, %add3A_913 : vector<16xi32>
        %gather3A_915 = tpu.vector_load_idx %arg5[%add3A_914] : memref<98304xf32, #tpu.memory_space<vmem>>[vector<16xi32>], vector<16xf32>,
        %mul3A_916 = arith.constant 1024 : i32
        %mul3A_917 = arith.muli %add3A_895, %mul3A_916 : i32
        %add3A_918 = vector.broadcast %mul3A_917 : i32 to vector<16xi32>
        %add3A_919 = arith.addi %get3A_779, %add3A_918 : vector<16xi32>
        %gather3A_920 = tpu.vector_load_idx %arg5[%add3A_919] : memref<98304xf32, #tpu.memory_space<vmem>>[vector<16xi32>], vector<16xf32>,
        %mul3A_921 = arith.constant 1024 : i32
        %mul3A_922 = arith.muli %add3A_895, %mul3A_921 : i32
        %add3A_923 = vector.broadcast %mul3A_922 : i32 to vector<16xi32>
        %add3A_924 = arith.addi %get3A_783, %add3A_923 : vector<16xi32>
        %gather3A_925 = tpu.vector_load_idx %arg5[%add3A_924] : memref<98304xf32, #tpu.memory_space<vmem>>[vector<16xi32>], vector<16xf32>,
        %mul3A_926 = arith.constant 1024 : i32
        %mul3A_927 = arith.muli %add3A_895, %mul3A_926 : i32
        %add3A_928 = vector.broadcast %mul3A_927 : i32 to vector<16xi32>
        %add3A_929 = arith.addi %get3A_787, %add3A_928 : vector<16xi32>
        %gather3A_930 = tpu.vector_load_idx %arg5[%add3A_929] : memref<98304xf32, #tpu.memory_space<vmem>>[vector<16xi32>], vector<16xf32>,
        %mul3A_931 = arith.constant 1024 : i32
        %mul3A_932 = arith.muli %add3A_895, %mul3A_931 : i32
        %add3A_933 = vector.broadcast %mul3A_932 : i32 to vector<16xi32>
        %add3A_934 = arith.addi %get3A_791, %add3A_933 : vector<16xi32>
        %gather3A_935 = tpu.vector_load_idx %arg5[%add3A_934] : memref<98304xf32, #tpu.memory_space<vmem>>[vector<16xi32>], vector<16xf32>,
        %swap3A = arith.constant 1 : i32
        %swap3A_936 = arith.index_cast %swap3A : i32 to index
        %swap3A_937 = arith.index_cast %add3A_852 : i32 to index
        %swap3A_938 = arith.constant 0 : index
        %swap3A_939 = tpu.vector_load %arg7[%swap3A_936, %swap3A_937, %swap3A_938] {strides = array<i32>} : memref<2x96x128xf32, #tpu.memory_space<vmem>>, vector<16xf32>,
        tpu.vector_store %arg7[%swap3A_936, %swap3A_937, %swap3A_938], %gather3A {strides = array<i32>} : memref<2x96x128xf32, #tpu.memory_space<vmem>>, vector<16xf32>,
        %swap3A_940 = arith.constant 1 : i32
        %swap3A_941 = arith.index_cast %swap3A_940 : i32 to index
        %swap3A_942 = arith.index_cast %add3A_852 : i32 to index
        %swap3A_943 = arith.constant 16 : index
        %swap3A_944 = tpu.vector_load %arg7[%swap3A_941, %swap3A_942, %swap3A_943] {strides = array<i32>} : memref<2x96x128xf32, #tpu.memory_space<vmem>>, vector<16xf32>,
        tpu.vector_store %arg7[%swap3A_941, %swap3A_942, %swap3A_943], %gather3A_861 {strides = array<i32>} : memref<2x96x128xf32, #tpu.memory_space<vmem>>, vector<16xf32>,
        %swap3A_945 = arith.constant 1 : i32
        %swap3A_946 = arith.index_cast %swap3A_945 : i32 to index
        %swap3A_947 = arith.index_cast %add3A_852 : i32 to index
        %swap3A_948 = arith.constant 32 : index
        %swap3A_949 = tpu.vector_load %arg7[%swap3A_946, %swap3A_947, %swap3A_948] {strides = array<i32>} : memref<2x96x128xf32, #tpu.memory_space<vmem>>, vector<16xf32>,
        tpu.vector_store %arg7[%swap3A_946, %swap3A_947, %swap3A_948], %gather3A_866 {strides = array<i32>} : memref<2x96x128xf32, #tpu.memory_space<vmem>>, vector<16xf32>,
        %swap3A_950 = arith.constant 1 : i32
        %swap3A_951 = arith.index_cast %swap3A_950 : i32 to index
        %swap3A_952 = arith.index_cast %add3A_852 : i32 to index
        %swap3A_953 = arith.constant 48 : index
        %swap3A_954 = tpu.vector_load %arg7[%swap3A_951, %swap3A_952, %swap3A_953] {strides = array<i32>} : memref<2x96x128xf32, #tpu.memory_space<vmem>>, vector<16xf32>,
        tpu.vector_store %arg7[%swap3A_951, %swap3A_952, %swap3A_953], %gather3A_871 {strides = array<i32>} : memref<2x96x128xf32, #tpu.memory_space<vmem>>, vector<16xf32>,
        %swap3A_955 = arith.constant 1 : i32
        %swap3A_956 = arith.index_cast %swap3A_955 : i32 to index
        %swap3A_957 = arith.index_cast %add3A_852 : i32 to index
        %swap3A_958 = arith.constant 64 : index
        %swap3A_959 = tpu.vector_load %arg7[%swap3A_956, %swap3A_957, %swap3A_958] {strides = array<i32>} : memref<2x96x128xf32, #tpu.memory_space<vmem>>, vector<16xf32>,
        tpu.vector_store %arg7[%swap3A_956, %swap3A_957, %swap3A_958], %gather3A_876 {strides = array<i32>} : memref<2x96x128xf32, #tpu.memory_space<vmem>>, vector<16xf32>,
        %swap3A_960 = arith.constant 1 : i32
        %swap3A_961 = arith.index_cast %swap3A_960 : i32 to index
        %swap3A_962 = arith.index_cast %add3A_852 : i32 to index
        %swap3A_963 = arith.constant 80 : index
        %swap3A_964 = tpu.vector_load %arg7[%swap3A_961, %swap3A_962, %swap3A_963] {strides = array<i32>} : memref<2x96x128xf32, #tpu.memory_space<vmem>>, vector<16xf32>,
        tpu.vector_store %arg7[%swap3A_961, %swap3A_962, %swap3A_963], %gather3A_881 {strides = array<i32>} : memref<2x96x128xf32, #tpu.memory_space<vmem>>, vector<16xf32>,
        %swap3A_965 = arith.constant 1 : i32
        %swap3A_966 = arith.index_cast %swap3A_965 : i32 to index
        %swap3A_967 = arith.index_cast %add3A_852 : i32 to index
        %swap3A_968 = arith.constant 96 : index
        %swap3A_969 = tpu.vector_load %arg7[%swap3A_966, %swap3A_967, %swap3A_968] {strides = array<i32>} : memref<2x96x128xf32, #tpu.memory_space<vmem>>, vector<16xf32>,
        tpu.vector_store %arg7[%swap3A_966, %swap3A_967, %swap3A_968], %gather3A_886 {strides = array<i32>} : memref<2x96x128xf32, #tpu.memory_space<vmem>>, vector<16xf32>,
        %swap3A_970 = arith.constant 1 : i32
        %swap3A_971 = arith.index_cast %swap3A_970 : i32 to index
        %swap3A_972 = arith.index_cast %add3A_852 : i32 to index
        %swap3A_973 = arith.constant 112 : index
        %swap3A_974 = tpu.vector_load %arg7[%swap3A_971, %swap3A_972, %swap3A_973] {strides = array<i32>} : memref<2x96x128xf32, #tpu.memory_space<vmem>>, vector<16xf32>,
        tpu.vector_store %arg7[%swap3A_971, %swap3A_972, %swap3A_973], %gather3A_891 {strides = array<i32>} : memref<2x96x128xf32, #tpu.memory_space<vmem>>, vector<16xf32>,
        %swap3A_975 = arith.constant 1 : i32
        %swap3A_976 = arith.index_cast %swap3A_975 : i32 to index
        %swap3A_977 = arith.index_cast %add3A_895 : i32 to index
        %swap3A_978 = arith.constant 0 : index
        %swap3A_979 = tpu.vector_load %arg7[%swap3A_976, %swap3A_977, %swap3A_978] {strides = array<i32>} : memref<2x96x128xf32, #tpu.memory_space<vmem>>, vector<16xf32>,
        tpu.vector_store %arg7[%swap3A_976, %swap3A_977, %swap3A_978], %gather3A_900 {strides = array<i32>} : memref<2x96x128xf32, #tpu.memory_space<vmem>>, vector<16xf32>,
        %swap3A_980 = arith.constant 1 : i32
        %swap3A_981 = arith.index_cast %swap3A_980 : i32 to index
        %swap3A_982 = arith.index_cast %add3A_895 : i32 to index
        %swap3A_983 = arith.constant 16 : index
        %swap3A_984 = tpu.vector_load %arg7[%swap3A_981, %swap3A_982, %swap3A_983] {strides = array<i32>} : memref<2x96x128xf32, #tpu.memory_space<vmem>>, vector<16xf32>,
        tpu.vector_store %arg7[%swap3A_981, %swap3A_982, %swap3A_983], %gather3A_905 {strides = array<i32>} : memref<2x96x128xf32, #tpu.memory_space<vmem>>, vector<16xf32>,
        %swap3A_985 = arith.constant 1 : i32
        %swap3A_986 = arith.index_cast %swap3A_985 : i32 to index
        %swap3A_987 = arith.index_cast %add3A_895 : i32 to index
        %swap3A_988 = arith.constant 32 : index
        %swap3A_989 = tpu.vector_load %arg7[%swap3A_986, %swap3A_987, %swap3A_988] {strides = array<i32>} : memref<2x96x128xf32, #tpu.memory_space<vmem>>, vector<16xf32>,
        tpu.vector_store %arg7[%swap3A_986, %swap3A_987, %swap3A_988], %gather3A_910 {strides = array<i32>} : memref<2x96x128xf32, #tpu.memory_space<vmem>>, vector<16xf32>,
        %swap3A_990 = arith.constant 1 : i32
        %swap3A_991 = arith.index_cast %swap3A_990 : i32 to index
        %swap3A_992 = arith.index_cast %add3A_895 : i32 to index
        %swap3A_993 = arith.constant 48 : index
        %swap3A_994 = tpu.vector_load %arg7[%swap3A_991, %swap3A_992, %swap3A_993] {strides = array<i32>} : memref<2x96x128xf32, #tpu.memory_space<vmem>>, vector<16xf32>,
        tpu.vector_store %arg7[%swap3A_991, %swap3A_992, %swap3A_993], %gather3A_915 {strides = array<i32>} : memref<2x96x128xf32, #tpu.memory_space<vmem>>, vector<16xf32>,
        %swap3A_995 = arith.constant 1 : i32
        %swap3A_996 = arith.index_cast %swap3A_995 : i32 to index
        %swap3A_997 = arith.index_cast %add3A_895 : i32 to index
        %swap3A_998 = arith.constant 64 : index
        %swap3A_999 = tpu.vector_load %arg7[%swap3A_996, %swap3A_997, %swap3A_998] {strides = array<i32>} : memref<2x96x128xf32, #tpu.memory_space<vmem>>, vector<16xf32>,
        tpu.vector_store %arg7[%swap3A_996, %swap3A_997, %swap3A_998], %gather3A_920 {strides = array<i32>} : memref<2x96x128xf32, #tpu.memory_space<vmem>>, vector<16xf32>,
        %swap3A_1000 = arith.constant 1 : i32
        %swap3A_1001 = arith.index_cast %swap3A_1000 : i32 to index
        %swap3A_1002 = arith.index_cast %add3A_895 : i32 to index
        %swap3A_1003 = arith.constant 80 : index
        %swap3A_1004 = tpu.vector_load %arg7[%swap3A_1001, %swap3A_1002, %swap3A_1003] {strides = array<i32>} : memref<2x96x128xf32, #tpu.memory_space<vmem>>, vector<16xf32>,
        tpu.vector_store %arg7[%swap3A_1001, %swap3A_1002, %swap3A_1003], %gather3A_925 {strides = array<i32>} : memref<2x96x128xf32, #tpu.memory_space<vmem>>, vector<16xf32>,
        %swap3A_1005 = arith.constant 1 : i32
        %swap3A_1006 = arith.index_cast %swap3A_1005 : i32 to index
        %swap3A_1007 = arith.index_cast %add3A_895 : i32 to index
        %swap3A_1008 = arith.constant 96 : index
        %swap3A_1009 = tpu.vector_load %arg7[%swap3A_1006, %swap3A_1007, %swap3A_1008] {strides = array<i32>} : memref<2x96x128xf32, #tpu.memory_space<vmem>>, vector<16xf32>,
        tpu.vector_store %arg7[%swap3A_1006, %swap3A_1007, %swap3A_1008], %gather3A_930 {strides = array<i32>} : memref<2x96x128xf32, #tpu.memory_space<vmem>>, vector<16xf32>,
        %swap3A_1010 = arith.constant 1 : i32
        %swap3A_1011 = arith.index_cast %swap3A_1010 : i32 to index
        %swap3A_1012 = arith.index_cast %add3A_895 : i32 to index
        %swap3A_1013 = arith.constant 112 : index
        %swap3A_1014 = tpu.vector_load %arg7[%swap3A_1011, %swap3A_1012, %swap3A_1013] {strides = array<i32>} : memref<2x96x128xf32, #tpu.memory_space<vmem>>, vector<16xf32>,
        tpu.vector_store %arg7[%swap3A_1011, %swap3A_1012, %swap3A_1013], %gather3A_935 {strides = array<i32>} : memref<2x96x128xf32, #tpu.memory_space<vmem>>, vector<16xf32>,
      }
      %scan3A_797 = arith.constant 48 : i32
      %mul3A_798 = arith.constant 128 : i32
      %mul3A_799 = arith.muli %add3A, %mul3A_798 : i32
      %add3A_800 = arith.addi %mul3A_799, %add3A_754 : i32
      %jit3A_801 = arith.constant 4 : i32
      %div3A_802 = arith.divsi %add3A_800, %jit3A_801 : i32
      %sign3A_803 = arith.constant 0 : i32
      %sign3A_804 = arith.cmpi sgt, %add3A_800, %sign3A_803 : i32
      %sign3A_805 = arith.extui %sign3A_804 : i1 to i32
      %sign3A_806 = arith.constant 0 : i32
      %sign3A_807 = arith.cmpi slt, %add3A_800, %sign3A_806 : i32
      %sign3A_808 = arith.extui %sign3A_807 : i1 to i32
      %sign3A_809 = arith.subi %sign3A_805, %sign3A_808 : i32
      %sign3A_810 = arith.constant 0 : i32
      %sign3A_811 = arith.cmpi sgt, %jit3A_801, %sign3A_810 : i32
      %sign3A_812 = arith.extui %sign3A_811 : i1 to i32
      %sign3A_813 = arith.constant 0 : i32
      %sign3A_814 = arith.cmpi slt, %jit3A_801, %sign3A_813 : i32
      %sign3A_815 = arith.extui %sign3A_814 : i1 to i32
      %sign3A_816 = arith.subi %sign3A_812, %sign3A_815 : i32
      %ne3A_817 = arith.cmpi ne, %sign3A_809, %sign3A_816 : i32
      %rem3A_818 = arith.remsi %add3A_800, %jit3A_801 : i32
      %ne3A_819 = arith.constant 0 : i32
      %ne3A_820 = arith.cmpi ne, %rem3A_818, %ne3A_819 : i32
      %and3A_821 = arith.andi %ne3A_817, %ne3A_820 : i1
      %sub3A_822 = arith.constant 1 : i32
      %sub3A_823 = arith.subi %div3A_802, %sub3A_822 : i32
      %select_n3A_824 = arith.select %and3A_821, %sub3A_823, %div3A_802 : i32
      %dma_start3A_825 = arith.constant 1 : i32
      %dma_start3A_826 = arith.constant 0 : i32
      %dma_start3A_827 = arith.constant 0 : i32
      %dma_start3A_828 = tpu.memref_slice %arg7[%dma_start3A_825, %dma_start3A_826, %dma_start3A_827] : memref<2x96x128xf32, #tpu.memory_space<vmem>> -> memref<1x96x128xf32, #tpu.memory_space<vmem>>
      %dma_start3A_829 = tpu.memref_squeeze %dma_start3A_828 : memref<1x96x128xf32, #tpu.memory_space<vmem>> -> memref<96x128xf32, #tpu.memory_space<vmem>>
      %dma_start3A_830 = arith.constant 0 : i32
      %dma_start3A_831 = arith.constant 0 : i32
      %dma_start3A_832 = tpu.memref_slice %arg4[%select_n3A_824, %dma_start3A_830, %dma_start3A_831] : memref<1024x96x512xf32, #tpu.memory_space<hbm>> -> memref<1x96x512xf32, #tpu.memory_space<hbm>>
      %dma_start3A_833 = tpu.memref_squeeze %dma_start3A_832 : memref<1x96x512xf32, #tpu.memory_space<hbm>> -> memref<96x512xf32, #tpu.memory_space<hbm>>
      %dma_start3A_834 = arith.constant 0 : i32
      %dma_start3A_835 = arith.constant 384 : i32
      %dma_start3A_836 = tpu.memref_slice %dma_start3A_833[%dma_start3A_834, %dma_start3A_835] : memref<96x512xf32, #tpu.memory_space<hbm>> -> memref<96x128xf32, #tpu.memory_space<hbm>>
      %dma_start3A_837 = arith.constant 0 : i32
      %dma_start3A_838 = arith.constant 0 : i32
      %dma_start3A_839 = tpu.memref_slice %arg4[%select_n3A_824, %dma_start3A_837, %dma_start3A_838] : memref<1024x96x512xf32, #tpu.memory_space<hbm>> -> memref<1x96x512xf32, #tpu.memory_space<hbm>>
      %dma_start3A_840 = tpu.memref_squeeze %dma_start3A_839 : memref<1x96x512xf32, #tpu.memory_space<hbm>> -> memref<96x512xf32, #tpu.memory_space<hbm>>
      %dma_start3A_841 = arith.constant 0 : i32
      %dma_start3A_842 = arith.constant 384 : i32
      %dma_start3A_843 = tpu.memref_slice %dma_start3A_840[%dma_start3A_841, %dma_start3A_842] : memref<96x512xf32, #tpu.memory_space<hbm>> -> memref<96x128xf32, #tpu.memory_space<hbm>>
      %dma_start3A_844 = arith.constant 0 : i32
      %dma_start3A_845 = arith.constant 0 : i32
      %dma_start3A_846 = tpu.memref_slice %arg7[%dma_start3A_825, %dma_start3A_844, %dma_start3A_845] : memref<2x96x128xf32, #tpu.memory_space<vmem>> -> memref<1x96x128xf32, #tpu.memory_space<vmem>>
      %dma_start3A_847 = tpu.memref_squeeze %dma_start3A_846 : memref<1x96x128xf32, #tpu.memory_space<vmem>> -> memref<96x128xf32, #tpu.memory_space<vmem>>
      tpu.enqueue_dma source(%dma_start3A_847 : memref<96x128xf32, #tpu.memory_space<vmem>>) target(%dma_start3A_843 : memref<96x128xf32, #tpu.memory_space<hbm>>) target_semaphore(%arg9 : memref<!tpu.dma_semaphore, #tpu.memory_space<semaphore_mem>>)
    }
    %scan3A_23 = arith.constant 16 : i32
    %dma_wait3A = arith.constant 0 : i32
    %dma_wait3A_24 = arith.constant 0 : i32
    %dma_wait3A_25 = arith.constant 0 : i32
    %dma_wait3A_26 = arith.constant 0 : i32
    %dma_wait3A_27 = tpu.memref_slice %arg7[%dma_wait3A, %dma_wait3A_25, %dma_wait3A_26] : memref<2x96x128xf32, #tpu.memory_space<vmem>> -> memref<1x96x128xf32, #tpu.memory_space<vmem>>
    %dma_wait3A_28 = tpu.memref_squeeze %dma_wait3A_27 : memref<1x96x128xf32, #tpu.memory_space<vmem>> -> memref<96x128xf32, #tpu.memory_space<vmem>>
    %dma_wait3A_29 = arith.constant 0 : i32
    %dma_wait3A_30 = arith.constant 0 : i32
    %dma_wait3A_31 = tpu.memref_slice %arg4[%dma_wait3A_24, %dma_wait3A_29, %dma_wait3A_30] : memref<1024x96x512xf32, #tpu.memory_space<hbm>> -> memref<1x96x512xf32, #tpu.memory_space<hbm>>
    %dma_wait3A_32 = tpu.memref_squeeze %dma_wait3A_31 : memref<1x96x512xf32, #tpu.memory_space<hbm>> -> memref<96x512xf32, #tpu.memory_space<hbm>>
    %dma_wait3A_33 = arith.constant 0 : i32
    %dma_wait3A_34 = arith.constant 0 : i32
    %dma_wait3A_35 = tpu.memref_slice %dma_wait3A_32[%dma_wait3A_33, %dma_wait3A_34] : memref<96x512xf32, #tpu.memory_space<hbm>> -> memref<96x128xf32, #tpu.memory_space<hbm>>
    %dma_wait3A_36 = arith.constant 0 : i32
    %dma_wait3A_37 = arith.constant 0 : i32
    %dma_wait3A_38 = tpu.memref_slice %arg4[%dma_wait3A_24, %dma_wait3A_36, %dma_wait3A_37] : memref<1024x96x512xf32, #tpu.memory_space<hbm>> -> memref<1x96x512xf32, #tpu.memory_space<hbm>>
    %dma_wait3A_39 = tpu.memref_squeeze %dma_wait3A_38 : memref<1x96x512xf32, #tpu.memory_space<hbm>> -> memref<96x512xf32, #tpu.memory_space<hbm>>
    %dma_wait3A_40 = arith.constant 0 : i32
    %dma_wait3A_41 = arith.constant 0 : i32
    %dma_wait3A_42 = tpu.memref_slice %dma_wait3A_39[%dma_wait3A_40, %dma_wait3A_41] : memref<96x512xf32, #tpu.memory_space<hbm>> -> memref<96x128xf32, #tpu.memory_space<hbm>>
    %dma_wait3A_43 = arith.constant 0 : i32
    %dma_wait3A_44 = arith.constant 0 : i32
    %dma_wait3A_45 = tpu.memref_slice %arg7[%dma_wait3A, %dma_wait3A_43, %dma_wait3A_44] : memref<2x96x128xf32, #tpu.memory_space<vmem>> -> memref<1x96x128xf32, #tpu.memory_space<vmem>>
    %dma_wait3A_46 = tpu.memref_squeeze %dma_wait3A_45 : memref<1x96x128xf32, #tpu.memory_space<vmem>> -> memref<96x128xf32, #tpu.memory_space<vmem>>
    tpu.wait_dma2 semaphore(%arg8 : memref<!tpu.dma_semaphore, #tpu.memory_space<semaphore_mem>>) src(%dma_wait3A_46 : memref<96x128xf32, #tpu.memory_space<vmem>>) dst(%dma_wait3A_42 : memref<96x128xf32, #tpu.memory_space<hbm>>)
    %dma_wait3A_47 = arith.constant 1 : i32
    %dma_wait3A_48 = arith.constant 0 : i32
    %dma_wait3A_49 = arith.constant 0 : i32
    %dma_wait3A_50 = arith.constant 0 : i32
    %dma_wait3A_51 = tpu.memref_slice %arg7[%dma_wait3A_47, %dma_wait3A_49, %dma_wait3A_50] : memref<2x96x128xf32, #tpu.memory_space<vmem>> -> memref<1x96x128xf32, #tpu.memory_space<vmem>>
    %dma_wait3A_52 = tpu.memref_squeeze %dma_wait3A_51 : memref<1x96x128xf32, #tpu.memory_space<vmem>> -> memref<96x128xf32, #tpu.memory_space<vmem>>
    %dma_wait3A_53 = arith.constant 0 : i32
    %dma_wait3A_54 = arith.constant 0 : i32
    %dma_wait3A_55 = tpu.memref_slice %arg4[%dma_wait3A_48, %dma_wait3A_53, %dma_wait3A_54] : memref<1024x96x512xf32, #tpu.memory_space<hbm>> -> memref<1x96x512xf32, #tpu.memory_space<hbm>>
    %dma_wait3A_56 = tpu.memref_squeeze %dma_wait3A_55 : memref<1x96x512xf32, #tpu.memory_space<hbm>> -> memref<96x512xf32, #tpu.memory_space<hbm>>
    %dma_wait3A_57 = arith.constant 0 : i32
    %dma_wait3A_58 = arith.constant 0 : i32
    %dma_wait3A_59 = tpu.memref_slice %dma_wait3A_56[%dma_wait3A_57, %dma_wait3A_58] : memref<96x512xf32, #tpu.memory_space<hbm>> -> memref<96x128xf32, #tpu.memory_space<hbm>>
    %dma_wait3A_60 = arith.constant 0 : i32
    %dma_wait3A_61 = arith.constant 0 : i32
    %dma_wait3A_62 = tpu.memref_slice %arg4[%dma_wait3A_48, %dma_wait3A_60, %dma_wait3A_61] : memref<1024x96x512xf32, #tpu.memory_space<hbm>> -> memref<1x96x512xf32, #tpu.memory_space<hbm>>
    %dma_wait3A_63 = tpu.memref_squeeze %dma_wait3A_62 : memref<1x96x512xf32, #tpu.memory_space<hbm>> -> memref<96x512xf32, #tpu.memory_space<hbm>>
    %dma_wait3A_64 = arith.constant 0 : i32
    %dma_wait3A_65 = arith.constant 0 : i32
    %dma_wait3A_66 = tpu.memref_slice %dma_wait3A_63[%dma_wait3A_64, %dma_wait3A_65] : memref<96x512xf32, #tpu.memory_space<hbm>> -> memref<96x128xf32, #tpu.memory_space<hbm>>
    %dma_wait3A_67 = arith.constant 0 : i32
    %dma_wait3A_68 = arith.constant 0 : i32
    %dma_wait3A_69 = tpu.memref_slice %arg7[%dma_wait3A_47, %dma_wait3A_67, %dma_wait3A_68] : memref<2x96x128xf32, #tpu.memory_space<vmem>> -> memref<1x96x128xf32, #tpu.memory_space<vmem>>
    %dma_wait3A_70 = tpu.memref_squeeze %dma_wait3A_69 : memref<1x96x128xf32, #tpu.memory_space<vmem>> -> memref<96x128xf32, #tpu.memory_space<vmem>>
    tpu.wait_dma2 semaphore(%arg9 : memref<!tpu.dma_semaphore, #tpu.memory_space<semaphore_mem>>) src(%dma_wait3A_70 : memref<96x128xf32, #tpu.memory_space<vmem>>) dst(%dma_wait3A_66 : memref<96x128xf32, #tpu.memory_space<hbm>>)
    return
  }
}

</mosaic_0001>

<sc_bundles>
// kernel: wrapper.3.cloned.1.call-start
scs
__scs_entry_jumppad:
0x0: {  	(pc) =	sbr.rel $0x88, $3  }
0x1: {  	(tag) =	ssettag $0x0;
	lr =	simm.s32 $0x1  }
0x2: {  	[smem:$0x3F9F] =	sst lr;
	_ =	strace $0xD0000000  }
0x3: {  	_ = 	snop  }
0x4: {  	_ = 	snop  }
0x5: {  	_ = 	snop  }
0x6: {  	_ = 	snop  }
0x7: {  	_ = 	snop  }
__scs_overlays_trampoline_lowered:
0x8: {  	[smem:$0x3FAE] =	sst s0  }
0x9: {  	[smem:$0x3FAF] =	sst s1  }
0xa: {  	[smem:$0x3FB0] =	sst s2  }
0xb: {  	[smem:$0x3FB1] =	sst s3  }
0xc: {  	[smem:$0x3FB2] =	sst s4  }
0xd: {  	[smem:$0x3FB3] =	sst s5  }
0xe: {  	[smem:$0x3FB4] =	sst s6  }
0xf: {  	[smem:$0x3FB5] =	sst s7  }
0x10: {  	[smem:$0x3FB6] =	sst s8  }
0x11: {  	[smem:$0x3FB7] =	sst s9;
	s0 =	simm.s32 @!p0 $0x0  }
0x12: {  	s1 =	sld [smem:$0x3F9D];
	s0 =	simm.s32 @p0 $0x1  }
0x13: {  	[smem:$0x3FB8] =	sst s0;
	s0 =	simm.s32 @!p1 $0x0  }
0x14: {  	s2 =	sld [smem:$0x3F9C];
	s0 =	simm.s32 @p1 $0x1  }
0x15: {  	[smem:$0x3FB9] =	sst s0;
	s0 =	simm.s32 @!p2 $0x0  }
0x16: {  	s3 =	sld [smem:$0x3FDB];
	s0 =	simm.s32 @p2 $0x1  }
0x17: {  	s4 =	simm.s32 $0x1BF5;
	[smem:$0x3FBB] =	sst s0  }
0x18: {  	s0 =	sld [smem:$0x3F9E];
	_ =	swait.ge [sflag:s4], $0x0  }
0x19: {  	s7 =	sld [smem:$0x3F9F]  }
0x1a: {  	s8 =	sadd.s32 $0xFFFFE003, lr  }
0x1b: {  	s9 =	sadd.s32 $0xFFFFFEF7, lr;
	s5 =	simm.s32 $0xFFFFFFFF;
	p2 =	slt.u32 s8, $0xFFFFF086  }
0x1c: {  	p1 =	slt.u32 s9, $0xF7A;
	s5 =	simm.s32 @!p2 $0x0  }
0x1d: {  	s5 =	simm.s32 @p1 $0x1;
	p0 =	seq.s32 s7, s2  }
0x1e: {  	s7 =	smul.u32 @!p0 $0xF7A, s2;
	p2 =	seq.s32 @!p0 s5, $0x0  }
0x1f: {  	s9 =	smul.u32 $0xF7A, s1;
	s8 =	simm.s32 @!p0 $0x1BF5;
	p2 =	por !p2, p0  }
0x20: {  	[sflag:s8] =	ssyncset.s32 @!p0 $0xFFFFF086;
	s6 =	sadd.s32 @!p0 s3, s7;
	s7 =	simm.s32 @!p0 $0x108  }
0x21: {  	s3 =	sadd.s32 s3, s9;
	s6 =	sadd.s32 @!p0 $0x88, s6;
	s7 =	simm.s32 @p2 $0x1082  }
0x22: {  	[simem:s7], [sflag:s8] =	dma.local @!p0 [hbm:s6], $0xF7A  }
0x23: {  	s9 =	sor.u32 $0xD0000000, s2;
	s6 =	simm.s32 $0x108;
	_ =	swait.ge @!p0 [sflag:s8], $0x0  }
0x24: {  	s3 =	sadd.s32 $0x88, s3;
	s6 =	simm.s32 @!p1 $0x1082;
	[sflag:s4] =	ssyncset.s32 $0xFFFFF086  }
0x25: {  	[simem:s6], [sflag:s4] =	dma.local [hbm:s3], $0xF7A  }
0x26: {  	[smem:$0x3F9F] =	sst s1;
	(tag) =	ssettag s2;
	_ =	strace s9  }
0x27: {  	s1 =	sld [smem:$0x3FAF]  }
0x28: {  	s2 =	sld [smem:$0x3FB0]  }
0x29: {  	s4 =	sld [smem:$0x3FB2]  }
0x2a: {  	p0 =	seq.s32 s5, $0x0;
	s5 =	sld [smem:$0x3FB3]  }
0x2b: {  	s6 =	sld [smem:$0x3FB4]  }
0x2c: {  	s7 =	sld [smem:$0x3FB5]  }
0x2d: {  	s3 =	simm.s32 $0x108;
	s8 =	sld [smem:$0x3FB6]  }
0x2e: {  	s3 =	simm.s32 @!p0 $0x1082;
	s9 =	sld [smem:$0x3FB7]  }
0x2f: {  	lr =	sadd.s32 s0, s3;
	s0 =	sld [smem:$0x3FAE]  }
0x30: {  	s3 =	sld [smem:$0x3FB1]  }
0x31: {  	[smem:$0x3FBA] =	sst s10  }
0x32: {  	s10 =	sld [smem:$0x3FB8];
	_ =	sdelay $0x3  }
0x33: {  	p0 =	seq.s32 s10, $0x1;
	s10 =	sld [smem:$0x3FBA];
	_ =	sdelay $0x3  }
0x34: {  	[smem:$0x3FBA] =	sst s10  }
0x35: {  	s10 =	sld [smem:$0x3FB9];
	_ =	sdelay $0x3  }
0x36: {  	p1 =	seq.s32 s10, $0x1;
	s10 =	sld [smem:$0x3FBA];
	_ =	sdelay $0x3  }
0x37: {  	[smem:$0x3FBA] =	sst s10  }
0x38: {  	s10 =	sld [smem:$0x3FBB]  }
0x39: {  	_ = 	snop;
	(pc) =	sbr.ind lr, $3  }
0x3a: {  	_ = 	snop  }
0x3b: {  	_ = 	snop  }
0x3c: {  	p2 =	seq.s32 s10, $0x1;
	s10 =	sld [smem:$0x3FBA]  }
0x3d: {  	_ =	shalt  }
0x3e: {  	_ =	shalt  }
0x3f: {  	_ =	shalt  }
0x40: {  	_ =	shalt  }
0x41: {  	_ =	shalt  }
0x42: {  	_ =	shalt  }
0x43: {  	_ =	shalt  }
0x44: {  	_ =	shalt  }
0x45: {  	_ =	shalt  }
0x46: {  	_ =	shalt  }
0x47: {  	_ =	shalt  }
0x48: {  	_ =	shalt  }
0x49: {  	_ =	shalt  }
0x4a: {  	_ =	shalt  }
0x4b: {  	_ =	shalt  }
0x4c: {  	_ =	shalt  }
0x4d: {  	_ =	shalt  }
0x4e: {  	_ =	shalt  }
0x4f: {  	_ =	shalt  }
0x50: {  	_ =	shalt  }
0x51: {  	_ =	shalt  }
0x52: {  	_ =	shalt  }
0x53: {  	_ =	shalt  }
0x54: {  	_ =	shalt  }
0x55: {  	_ =	shalt  }
0x56: {  	_ =	shalt  }
0x57: {  	_ =	shalt  }
0x58: {  	_ =	shalt  }
0x59: {  	_ =	shalt  }
0x5a: {  	_ =	shalt  }
0x5b: {  	_ =	shalt  }
0x5c: {  	_ =	shalt  }
0x5d: {  	_ =	shalt  }
0x5e: {  	_ =	shalt  }
0x5f: {  	_ =	shalt  }
0x60: {  	_ =	shalt  }
0x61: {  	_ =	shalt  }
0x62: {  	_ =	shalt  }
0x63: {  	_ =	shalt  }
0x64: {  	_ =	shalt  }
0x65: {  	_ =	shalt  }
0x66: {  	_ =	shalt  }
0x67: {  	_ =	shalt  }
0x68: {  	_ =	shalt  }
0x69: {  	_ =	shalt  }
0x6a: {  	_ =	shalt  }
0x6b: {  	_ =	shalt  }
0x6c: {  	_ =	shalt  }
0x6d: {  	_ =	shalt  }
0x6e: {  	_ =	shalt  }
0x6f: {  	_ =	shalt  }
0x70: {  	_ =	shalt  }
0x71: {  	_ =	shalt  }
0x72: {  	_ =	shalt  }
0x73: {  	_ =	shalt  }
0x74: {  	_ =	shalt  }
0x75: {  	_ =	shalt  }
0x76: {  	_ =	shalt  }
0x77: {  	_ =	shalt  }
0x78: {  	_ =	shalt  }
0x79: {  	_ =	shalt  }
0x7a: {  	_ =	shalt  }
0x7b: {  	_ =	shalt  }
0x7c: {  	_ =	shalt  }
0x7d: {  	_ =	shalt  }
0x7e: {  	_ =	shalt  }
0x7f: {  	_ =	shalt  }
0x80: {  	_ =	shalt  }
0x81: {  	_ =	shalt  }
0x82: {  	_ =	shalt  }
0x83: {  	_ =	shalt  }
0x84: {  	_ =	shalt  }
0x85: {  	_ =	shalt  }
0x86: {  	_ =	shalt  }
0x87: {  	_ =	shalt  }
.Lfunc_end0:
.L_simem_size_0:
called_computation_lowered:
.L_overlay_start_0:
0x88: {  	s2 =	sld [smem:$0x3FD9]  }
0x89: {  	s3 =	sld [smem:$0x3FFE];
	_ =	sdelay $0x1  }
0x8a: {  	s1 =	srdreg.scid  }
0x8b: {  	s0 =	sand.u32 $0x1, s1  }
0x8c: {  	s18 =	sshll.u32 s0, $0xA;
	s2 =	sadd.s32 s3, s2  }
0x8d: {  	s2 =	sadd.s32 s2, s18  }
0x8e: {  	[smem:$0x3FC6] =	sst s2  }
0x8f: {  	_ = 	snop  }
0x90: {  	s2 =	sld [smem:$0x3FC9]  }
0x91: {  	s19 =	sld [smem:$0x3FC8]  }
0x92: {  	s4 =	sld [smem:$0x3FD0];
	(tm) =	ssettm $0x1  }
0x93: {  	s5 =	sld [smem:$0x3FFB];
	_ =	sdelay $0x3  }
0x94: {  	_ =	strace s5  }
0x95: {  	s5 =	sld [smem:$0x3FFC];
	_ =	sdelay $0x3  }
0x96: {  	_ =	strace s5  }
0x97: {  	s5 =	sld [smem:$0x3FFD];
	_ =	sdelay $0x3  }
0x98: {  	_ =	strace s5  }
0x99: {  	_ =	strace $0x8FFFFFFF  }
0x9a: {  	s20 =	sld [smem:$0x3FDB];
	_ =	sdelay $0x1  }
0x9b: {  	s6 =	simm.s32 $_scs_section_size  }
0x9c: {  	s7 =	simm.s32 $_size__tile_overlayer_lowered;
	s8 =	simm.s32 $_tile_overlayer_lowered  }
0x9d: {  	s23 =	simm.s32 $0x1BFF;
	s22 =	sshll.u32 s8, $0x1;
	s5 =	sadd.s32 s6, s20  }
0x9e: {  	s9 =	simm.s32 $0x0;
	s21 =	sshll.u32 s7, $0x1;
	s7 =	sadd.s32 s22, s5  }
0x9f: {  	[timem:s9], [sflag:s23] =	dma.local [hbm:s7], s21  }
0xa0: {  	_ =	swait.ge [sflag:s23], s21  }
0xa1: {  	s6 =	ssub.s32 $0x0, s21;
	[sflag:s23] =	ssyncset.done $0x0  }
0xa2: {  	[sflag:s23] =	ssyncadd.s32 s6;
	_ =	sdelay $0x1  }
0xa3: {  	s24 =	simm.s32 $0x1B8B  }
0xa4: {  	_ =	swait.ge [sflag:s24], $0x1  }
0xa5: {  	[sflag:s24] =	ssyncset.done $0x0  }
0xa6: {  	s25 =	simm.s32 $0x1B8E;
	[sflag:s24] =	ssyncadd.s32 $0xFFFFFFFF  }
0xa7: {  	s26 =	simm.s32 $execute0_lowered;
	[smem:$0x3FD2] =	sst s25  }
0xa8: {  	s6 =	sshll.u32 s26, $0x1;
	_ =	strace $0x80000046;
	[dreg:$0x1] =	wrdreg $0xFFFFFFFF  }
0xa9: {  	s28 =	simm.s32 $_size_execute0_lowered;
	s5 =	sadd.s32 s5, s6;
	[dreg:$0x0] =	wrdreg $0x0  }
0xaa: {  	s6 =	sshll.u32 s28, $0x1;
	[dreg:$0x2] =	wrdreg s5  }
0xab: {  	[dreg:$0x3] =	wrdreg s6  }
0xac: {  	[dreg:$0x4] =	wrdreg $0xC0  }
0xad: {  	_ =	task [dreg:s9], $0x5FFFF  }
0xae: {  	[dreg:$0x1] =	wrdreg $0xFFFFFFFF  }
0xaf: {  	[dreg:$0x0] =	wrdreg $0x60  }
0xb0: {  	[dreg:$0x2] =	wrdreg s2  }
0xb1: {  	[dreg:$0x3] =	wrdreg s19  }
0xb2: {  	[dreg:$0x4] =	wrdreg s4  }
0xb3: {  	[dreg:$0x5] =	wrdreg $0x9  }
0xb4: {  	_ =	task.clear_ibuf [dreg:s9], $0x6FFFF;
	_ =	strace $0x90000046  }
0xb5: {  	s29 =	simm.s32 $0x9;
	_ =	strace $0x80000048  }
0xb6: {  	_ =	swait.ge [sflag:s29], $0x1  }
0xb7: {  	[sflag:s29] =	ssyncadd.s32 $0xFFFFFFFF  }
0xb8: {  	_ =	strace $0x90000048  }
0xb9: {  	_ =	sfence  }
0xba: {  	s30 =	sld [smem:$0x0];
	_ =	sdelay $0x2  }
0xbb: {  	s31 =	sshll.u32 s1, $0xD;
	s1 =	sshrl.u32 s1, $0x2  }
0xbc: {  	s3 =	sand.u32 $0x4000, s31;
	s1 =	sadd.s32 s1, s30  }
0xbd: {  	s0 =	sor.u32 s3, s0;
	s1 =	sshll.u32 s1, $0x11  }
0xbe: {  	s0 =	sor.u32 s1, s0  }
0xbf: {  	s0 =	sadd.s32 $0x8F2B, s0  }
0xc0: {  	[sflag:s0] =	ssyncadd.remote.s32 $0x1  }
0xc1: {  	_ =	sfence.sel $0xFFFF  }
0xc2: {  	[dreg:$0x0] =	wrdreg $0xFFFFFFFF;
	(pc) =	sbr.abs _section_cstart, $3  }
0xc3: {  	[dreg:$0x1] =	wrdreg $0xFFFFFFFF  }
0xc4: {  	_ =	task.clear_ibuf [dreg:s9], $0x2FFFF;
	_ =	strace $0x9FFFFFFF  }
0xc5: {  	(tm) =	ssettm $0x7FFFFFFF  }
tec
execute0_lowered:
.L_overlay_start_1:
0x0: {  	(tag) =	ssettag $0x1  }
0x1: {  	s1 =	rddreg [dreg:$0x0]  }
0x2: {  	s5 =	rddreg [dreg:$0x1]  }
0x3: {  	s3 =	rddreg [dreg:$0x2];
	s4 =	srdreg.scid  }
0x4: {  	s0 =	rddreg [dreg:$0x3];
	s2 =	stileid.u32  }
0x5: {  	s10 =	simm.s32 $0x18000;
	s11 =	simm.s32 $0x400;
	s12 =	simm.s32 $0x1000  }
0x6: {  	s13 =	simm.s32 $0x18400;
	s14 =	simm.s32 $0x1B400;
	s15 =	simm.s32 $0x1  }
0x7: {  	s16 =	simm.s32 $0x2;
	s17 =	simm.s32 $0x0;
	s6 =	sand.u32 $0x1, s4  }
0x8: {  	s4 =	simm.s32 $0x0;
	s8 =	sshrl.u32 s2, $0x3;
	s31 =	sshll.u32 s2, $0x8  }
0x9: {  	s7 =	ssub.s32 $0x2, s6;
	[smem:$0x7FF] =	sst s4;
	s8 =	smul.u32 $0x3000, s8  }
0xa: {  	s6 =	sshll.u32 s6, $0x7;
	s9 =	sshrl.u32 s7, $0x1;
	_ =	strace $0x80000047  }
0xb: {  	s6 =	sor.u32 s6, s31;
	s7 =	ssub.s32 s7, s9;
	s5 =	sadd.s32 s5, s8  }
0xc: {  	s8 =	sadd.s32 $0x1800, s3;
	s9 =	simm.s32 $0x3;
	s7 =	smax.u32 s7, $0x1  }
.LBB2_1:
0xd: {  	[tilespmem:s4], [sflag:$0x3] =	stream.linear.gather [hbm4b:s5+s4], $0x18000, $0x38;
	[tilespmem:$0x1E400] =	vst v63  }
0xe: {  	_ =	swait.ge [sflag:s9], $0x18000  }
0xf: {  	[sflag:s9] =	ssyncset.done $0x0  }
0x10: {  	s18 =	simm.s32 $0x0;
	[sflag:s9] =	ssyncadd.s32 $0xFFFE8000  }
.LBB2_2:
0x11: {  	s19 =	sshll.u32 s18, $0x3  }
0x12: {  	s19 =	sor.u32 s6, s19  }
0x13: {  	s20 =	sshll.u32 s19, $0x4  }
0x14: {  	s20 =	sadd.s32 s1, s20  }
0x15: {  	[tilespmem:s10], [sflag:$0x3] =	stream.linear.gather [hbm4b:s20+s4], $0x400, $0x38;
	[tilespmem:$0x1E400] =	vst v63  }
0x16: {  	_ =	swait.ge [sflag:s9], $0x400  }
0x17: {  	p0 =	seq.s32 s18, $0x0;
	[sflag:s9] =	ssyncset.done $0x0  }
0x18: {  	s20 =	simm.s32 @!p0 $0x1;
	[sflag:s9] =	ssyncadd.s32 $0xFFFFFC00  }
0x19: {  	_ =	swait.ge @!p0 [sflag:s20], $0x3000  }
0x1a: {  	[sflag:s20] =	ssyncset.done @!p0 $0x0  }
0x1b: {  	[sflag:s20] =	ssyncadd.s32 @!p0 $0xFFFFD000  }
0x1c: {  	v6 =	vld [tilespmem:$0x18000]  }
0x1d: {  	v5 =	vld [tilespmem:$0x18010]  }
0x1e: {  	v4 =	vld [tilespmem:$0x18020]  }
0x1f: {  	v3 =	vld [tilespmem:$0x18030]  }
0x20: {  	s30 =	simm.s32 $0x400;
	v0 =	vld [tilespmem:$0x18040]  }
0x21: {  	v2 =	vld [tilespmem:$0x18050];
	v8 =	vadd.s32 s30, v6  }
0x22: {  	v1 =	vld [tilespmem:$0x18060];
	v9 =	vadd.s32 s30, v5  }
0x23: {  	v7 =	vld [tilespmem:$0x18070];
	v10 =	vadd.s32 s30, v4  }
0x24: {  	v11 =	vadd.s32 s30, v3  }
0x25: {  	v12 =	vadd.s32 s30, v0  }
0x26: {  	v13 =	vadd.s32 s30, v2;
	v8 =	vld.idx.msk [tilespmem:v8+s4+$0x0], $0xffff  }
0x27: {  	v14 =	vadd.s32 s30, v1;
	v9 =	vld.idx.msk [tilespmem:v9+s4+$0x0], $0xffff  }
0x28: {  	s21 =	simm.s32 $0x0;
	v15 =	vadd.s32 s30, v7;
	v10 =	vld.idx.msk [tilespmem:v10+s4+$0x0], $0xffff  }
0x29: {  	v16 =	vadd.s32 s21, v6;
	v11 =	vld.idx.msk [tilespmem:v11+s4+$0x0], $0xffff  }
0x2a: {  	v17 =	vadd.s32 s21, v7;
	v12 =	vld.idx.msk [tilespmem:v12+s4+$0x0], $0xffff  }
0x2b: {  	v18 =	vadd.s32 s21, v5;
	v13 =	vld.idx.msk [tilespmem:v13+s4+$0x0], $0xffff  }
0x2c: {  	v19 =	vadd.s32 s21, v4;
	v14 =	vld.idx.msk [tilespmem:v14+s4+$0x0], $0xffff  }
0x2d: {  	v20 =	vadd.s32 s21, v3;
	v15 =	vld.idx.msk [tilespmem:v15+s4+$0x0], $0xffff  }
0x2e: {  	v21 =	vadd.s32 s21, v0;
	v16 =	vld.idx.msk [tilespmem:v16+s4+$0x0], $0xffff  }
0x2f: {  	v22 =	vadd.s32 s21, v2;
	v17 =	vld.idx.msk [tilespmem:v17+s4+$0x0], $0xffff  }
0x30: {  	v23 =	vadd.s32 s21, v1;
	v18 =	vld.idx.msk [tilespmem:v18+s4+$0x0], $0xffff  }
0x31: {  	v19 =	vld.idx.msk [tilespmem:v19+s4+$0x0], $0xffff  }
0x32: {  	v20 =	vld.idx.msk [tilespmem:v20+s4+$0x0], $0xffff  }
0x33: {  	v21 =	vld.idx.msk [tilespmem:v21+s4+$0x0], $0xffff  }
0x34: {  	s20 =	simm.s32 $0x18480;
	v22 =	vld.idx.msk [tilespmem:v22+s4+$0x0], $0xffff  }
0x35: {  	v23 =	vld.idx.msk [tilespmem:v23+s4+$0x0], $0xffff;
	[tilespmem:s20+$0xFFFFFFF0] =	vst v17  }
0x36: {  	[tilespmem:s20+$0xFFFFFF80] =	vst v16  }
0x37: {  	[tilespmem:s20+$0xFFFFFF90] =	vst v18  }
0x38: {  	[tilespmem:s20+$0xFFFFFFA0] =	vst v19  }
0x39: {  	[tilespmem:s20+$0xFFFFFFB0] =	vst v20  }
0x3a: {  	[tilespmem:s20+$0xFFFFFFC0] =	vst v21  }
0x3b: {  	[tilespmem:s20+$0xFFFFFFD0] =	vst v22  }
0x3c: {  	[tilespmem:s20+$0xFFFFFFE0] =	vst v23  }
0x3d: {  	[tilespmem:s20+$0x0] =	vst v8  }
0x3e: {  	[tilespmem:s20+$0x10] =	vst v9  }
0x3f: {  	s31 =	simm.s32 $0xC00;
	[tilespmem:s20+$0x20] =	vst v10  }
0x40: {  	v8 =	vadd.s32 s31, v6;
	[tilespmem:s20+$0x30] =	vst v11  }
0x41: {  	v9 =	vadd.s32 s31, v5;
	[tilespmem:s20+$0x40] =	vst v12  }
0x42: {  	v10 =	vadd.s32 s31, v4;
	[tilespmem:s20+$0x50] =	vst v13  }
0x43: {  	v11 =	vadd.s32 s31, v3;
	[tilespmem:s20+$0x60] =	vst v14  }
0x44: {  	[tilespmem:s20+$0x70] =	vst v15;
	v12 =	vadd.s32 s31, v0  }
0x45: {  	v13 =	vadd.s32 s31, v2;
	v8 =	vld.idx.msk [tilespmem:v8+s4+$0x0], $0xffff  }
0x46: {  	v14 =	vadd.s32 s31, v1;
	v9 =	vld.idx.msk [tilespmem:v9+s4+$0x0], $0xffff  }
0x47: {  	s22 =	simm.s32 $0x800;
	v15 =	vadd.s32 s31, v7;
	v10 =	vld.idx.msk [tilespmem:v10+s4+$0x0], $0xffff  }
0x48: {  	s21 =	simm.s32 $0x1400;
	v16 =	vadd.s32 s22, v6;
	v11 =	vld.idx.msk [tilespmem:v11+s4+$0x0], $0xffff  }
.LBB2_3:
0x49: {  	p1 =	sne.s32 s21, $0x17C00;
	v17 =	vadd.s32 s22, v7;
	v12 =	vld.idx.msk [tilespmem:v12+s4+$0x0], $0xffff  }
0x4a: {  	v18 =	vadd.s32 s22, v5;
	v13 =	vld.idx.msk [tilespmem:v13+s4+$0x0], $0xffff  }
0x4b: {  	v19 =	vadd.s32 s22, v4;
	v14 =	vld.idx.msk [tilespmem:v14+s4+$0x0], $0xffff  }
0x4c: {  	v20 =	vadd.s32 s22, v3;
	v15 =	vld.idx.msk [tilespmem:v15+s4+$0x0], $0xffff  }
0x4d: {  	v21 =	vadd.s32 s22, v0;
	v16 =	vld.idx.msk [tilespmem:v16+s4+$0x0], $0xffff  }
0x4e: {  	v22 =	vadd.s32 s22, v2;
	v17 =	vld.idx.msk [tilespmem:v17+s4+$0x0], $0xffff  }
0x4f: {  	v23 =	vadd.s32 s22, v1;
	v18 =	vld.idx.msk [tilespmem:v18+s4+$0x0], $0xffff  }
0x50: {  	v19 =	vld.idx.msk [tilespmem:v19+s4+$0x0], $0xffff  }
0x51: {  	v20 =	vld.idx.msk [tilespmem:v20+s4+$0x0], $0xffff  }
0x52: {  	v21 =	vld.idx.msk [tilespmem:v21+s4+$0x0], $0xffff  }
0x53: {  	s20 =	sadd.s32 $0x100, s20;
	v22 =	vld.idx.msk [tilespmem:v22+s4+$0x0], $0xffff  }
0x54: {  	v23 =	vld.idx.msk [tilespmem:v23+s4+$0x0], $0xffff;
	[tilespmem:s20+$0xFFFFFFF0] =	vst v17  }
0x55: {  	[tilespmem:s20+$0xFFFFFF80] =	vst v16  }
0x56: {  	[tilespmem:s20+$0xFFFFFF90] =	vst v18  }
0x57: {  	[tilespmem:s20+$0xFFFFFFA0] =	vst v19  }
0x58: {  	[tilespmem:s20+$0xFFFFFFB0] =	vst v20  }
0x59: {  	[tilespmem:s20+$0xFFFFFFC0] =	vst v21  }
0x5a: {  	[tilespmem:s20+$0xFFFFFFD0] =	vst v22  }
0x5b: {  	[tilespmem:s20+$0xFFFFFFE0] =	vst v23  }
0x5c: {  	[tilespmem:s20+$0x0] =	vst v8  }
0x5d: {  	[tilespmem:s20+$0x10] =	vst v9  }
0x5e: {  	[tilespmem:s20+$0x20] =	vst v10  }
0x5f: {  	v8 =	vadd.s32 s21, v6;
	[tilespmem:s20+$0x30] =	vst v11  }
0x60: {  	v9 =	vadd.s32 s21, v5;
	[tilespmem:s20+$0x40] =	vst v12  }
0x61: {  	v10 =	vadd.s32 s21, v4;
	[tilespmem:s20+$0x50] =	vst v13  }
0x62: {  	v11 =	vadd.s32 s21, v3;
	[tilespmem:s20+$0x60] =	vst v14  }
.Ltmp0:
0x63: {  	v12 =	vadd.s32 s21, v0;
	[tilespmem:s20+$0x70] =	vst v15;
	(pc) =	sbr.rel @p1 .LBB2_3-.Ltmp0, $4  }
0x64: {  	v13 =	vadd.s32 s21, v2;
	v8 =	vld.idx.msk [tilespmem:v8+s4+$0x0], $0xffff  }
0x65: {  	v14 =	vadd.s32 s21, v1;
	v9 =	vld.idx.msk [tilespmem:v9+s4+$0x0], $0xffff  }
0x66: {  	s22 =	sadd.s32 $0xFFFFFC00, s21;
	v15 =	vadd.s32 s21, v7;
	v10 =	vld.idx.msk [tilespmem:v10+s4+$0x0], $0xffff  }
0x67: {  	v16 =	vadd.s32 s22, v6;
	s21 =	sadd.s32 $0x800, s21;
	v11 =	vld.idx.msk [tilespmem:v11+s4+$0x0], $0xffff  }
0x68: {  	_ =	sdelay $0x3  }
0x69: {  	v6 =	vadd.s32 s22, v7;
	v7 =	vld.idx.msk [tilespmem:v12+s4+$0x0], $0xffff  }
0x6a: {  	v5 =	vadd.s32 s22, v5;
	v12 =	vld.idx.msk [tilespmem:v13+s4+$0x0], $0xffff  }
0x6b: {  	v4 =	vadd.s32 s22, v4;
	v13 =	vld.idx.msk [tilespmem:v14+s4+$0x0], $0xffff  }
0x6c: {  	v3 =	vadd.s32 s22, v3;
	v14 =	vld.idx.msk [tilespmem:v15+s4+$0x0], $0xffff  }
0x6d: {  	v15 =	vld.idx.msk [tilespmem:v16+s4+$0x0], $0xffff;
	v0 =	vadd.s32 s22, v0  }
0x6e: {  	v2 =	vadd.s32 s22, v2;
	v6 =	vld.idx.msk [tilespmem:v6+s4+$0x0], $0xffff  }
0x6f: {  	v1 =	vadd.s32 s22, v1;
	v5 =	vld.idx.msk [tilespmem:v5+s4+$0x0], $0xffff  }
0x70: {  	v4 =	vld.idx.msk [tilespmem:v4+s4+$0x0], $0xffff  }
0x71: {  	v3 =	vld.idx.msk [tilespmem:v3+s4+$0x0], $0xffff  }
0x72: {  	v0 =	vld.idx.msk [tilespmem:v0+s4+$0x0], $0xffff  }
0x73: {  	s20 =	sadd.s32 $0x100, s20;
	v2 =	vld.idx.msk [tilespmem:v2+s4+$0x0], $0xffff  }
0x74: {  	v1 =	vld.idx.msk [tilespmem:v1+s4+$0x0], $0xffff;
	[tilespmem:s20+$0xFFFFFF80] =	vst v15  }
0x75: {  	[tilespmem:s20+$0x0] =	vst v8  }
0x76: {  	[tilespmem:s20+$0x10] =	vst v9  }
0x77: {  	[tilespmem:s20+$0x20] =	vst v10  }
0x78: {  	[tilespmem:s20+$0x30] =	vst v11  }
0x79: {  	[tilespmem:s20+$0x40] =	vst v7  }
0x7a: {  	[tilespmem:s20+$0x50] =	vst v12  }
0x7b: {  	[tilespmem:s20+$0x60] =	vst v13  }
0x7c: {  	[tilespmem:s20+$0x70] =	vst v14  }
0x7d: {  	[tilespmem:s20+$0xFFFFFFF0] =	vst v6  }
0x7e: {  	[tilespmem:s20+$0xFFFFFF90] =	vst v5  }
0x7f: {  	[tilespmem:s20+$0xFFFFFFA0] =	vst v4  }
0x80: {  	s19 =	sshrl.u32 s19, $0x2;
	[tilespmem:s20+$0xFFFFFFB0] =	vst v3  }
0x81: {  	s19 =	smul.u32 $0x1800, s19;
	[tilespmem:s20+$0xFFFFFFC0] =	vst v0  }
0x82: {  	[tilespmem:s20+$0xFFFFFFD0] =	vst v2  }
0x83: {  	s21 =	simm.s32 @!p0 $0x2;
	[tilespmem:s20+$0xFFFFFFE0] =	vst v1;
	s20 =	sadd.s32 s3, s19  }
0x84: {  	[hbm4b:s20+s11] =	stream.strided.scatter [tilespmem:s13], [sflag:$0x1], $0x3000, s12, s11, $0x38;
	[tilespmem:$0x1E400] =	vst v63  }
0x85: {  	_ =	swait.ge @!p0 [sflag:s21], $0x3000  }
0x86: {  	[sflag:s21] =	ssyncset.done @!p0 $0x0  }
0x87: {  	[sflag:s21] =	ssyncadd.s32 @!p0 $0xFFFFD000  }
0x88: {  	v6 =	vld [tilespmem:$0x18080]  }
0x89: {  	v5 =	vld [tilespmem:$0x18090]  }
0x8a: {  	v4 =	vld [tilespmem:$0x180A0]  }
0x8b: {  	v3 =	vld [tilespmem:$0x180B0]  }
0x8c: {  	s29 =	simm.s32 $0x400;
	v0 =	vld [tilespmem:$0x180C0]  }
0x8d: {  	v2 =	vld [tilespmem:$0x180D0];
	v8 =	vadd.s32 s29, v6  }
0x8e: {  	v1 =	vld [tilespmem:$0x180E0];
	v9 =	vadd.s32 s29, v5  }
0x8f: {  	v7 =	vld [tilespmem:$0x180F0];
	v10 =	vadd.s32 s29, v4  }
0x90: {  	v11 =	vadd.s32 s29, v3  }
0x91: {  	v12 =	vadd.s32 s29, v0  }
0x92: {  	v13 =	vadd.s32 s29, v2;
	v8 =	vld.idx.msk [tilespmem:v8+s4+$0x0], $0xffff  }
0x93: {  	v14 =	vadd.s32 s29, v1;
	v9 =	vld.idx.msk [tilespmem:v9+s4+$0x0], $0xffff  }
0x94: {  	s30 =	simm.s32 $0x0;
	v15 =	vadd.s32 s29, v7;
	v10 =	vld.idx.msk [tilespmem:v10+s4+$0x0], $0xffff  }
0x95: {  	v16 =	vadd.s32 s30, v6;
	v11 =	vld.idx.msk [tilespmem:v11+s4+$0x0], $0xffff  }
0x96: {  	v17 =	vadd.s32 s30, v7;
	v12 =	vld.idx.msk [tilespmem:v12+s4+$0x0], $0xffff  }
0x97: {  	v18 =	vadd.s32 s30, v5;
	v13 =	vld.idx.msk [tilespmem:v13+s4+$0x0], $0xffff  }
0x98: {  	v19 =	vadd.s32 s30, v4;
	v14 =	vld.idx.msk [tilespmem:v14+s4+$0x0], $0xffff  }
0x99: {  	v20 =	vadd.s32 s30, v3;
	v15 =	vld.idx.msk [tilespmem:v15+s4+$0x0], $0xffff  }
0x9a: {  	v21 =	vadd.s32 s30, v0;
	v16 =	vld.idx.msk [tilespmem:v16+s4+$0x0], $0xffff  }
0x9b: {  	v22 =	vadd.s32 s30, v2;
	v17 =	vld.idx.msk [tilespmem:v17+s4+$0x0], $0xffff  }
0x9c: {  	v23 =	vadd.s32 s30, v1;
	v18 =	vld.idx.msk [tilespmem:v18+s4+$0x0], $0xffff  }
0x9d: {  	v19 =	vld.idx.msk [tilespmem:v19+s4+$0x0], $0xffff  }
0x9e: {  	v20 =	vld.idx.msk [tilespmem:v20+s4+$0x0], $0xffff  }
0x9f: {  	v21 =	vld.idx.msk [tilespmem:v21+s4+$0x0], $0xffff  }
0xa0: {  	s21 =	simm.s32 $0x1B4F0;
	v22 =	vld.idx.msk [tilespmem:v22+s4+$0x0], $0xffff  }
0xa1: {  	v23 =	vld.idx.msk [tilespmem:v23+s4+$0x0], $0xffff;
	[tilespmem:s21+$0xFFFFFF80] =	vst v17  }
0xa2: {  	[tilespmem:s21+$0xFFFFFF10] =	vst v16  }
0xa3: {  	[tilespmem:s21+$0xFFFFFF20] =	vst v18  }
0xa4: {  	[tilespmem:s21+$0xFFFFFF30] =	vst v19  }
0xa5: {  	[tilespmem:s21+$0xFFFFFF40] =	vst v20  }
0xa6: {  	[tilespmem:s21+$0xFFFFFF50] =	vst v21  }
0xa7: {  	[tilespmem:s21+$0xFFFFFF60] =	vst v22  }
0xa8: {  	[tilespmem:s21+$0xFFFFFF70] =	vst v23  }
0xa9: {  	[tilespmem:s21+$0xFFFFFF90] =	vst v8  }
0xaa: {  	[tilespmem:s21+$0xFFFFFFA0] =	vst v9  }
0xab: {  	s31 =	simm.s32 $0xC00;
	[tilespmem:s21+$0xFFFFFFB0] =	vst v10  }
0xac: {  	v8 =	vadd.s32 s31, v6;
	[tilespmem:s21+$0xFFFFFFC0] =	vst v11  }
0xad: {  	v9 =	vadd.s32 s31, v5;
	[tilespmem:s21+$0xFFFFFFD0] =	vst v12  }
0xae: {  	v10 =	vadd.s32 s31, v4;
	[tilespmem:s21+$0xFFFFFFE0] =	vst v13  }
0xaf: {  	v11 =	vadd.s32 s31, v3;
	[tilespmem:s21+$0xFFFFFFF0] =	vst v14  }
0xb0: {  	[tilespmem:s21+$0x0] =	vst v15;
	v12 =	vadd.s32 s31, v0  }
0xb1: {  	v13 =	vadd.s32 s31, v2;
	v8 =	vld.idx.msk [tilespmem:v8+s4+$0x0], $0xffff  }
0xb2: {  	v14 =	vadd.s32 s31, v1;
	v9 =	vld.idx.msk [tilespmem:v9+s4+$0x0], $0xffff  }
0xb3: {  	s23 =	simm.s32 $0x800;
	v15 =	vadd.s32 s31, v7;
	v10 =	vld.idx.msk [tilespmem:v10+s4+$0x0], $0xffff  }
0xb4: {  	s22 =	simm.s32 $0x1400;
	v16 =	vadd.s32 s23, v6;
	v11 =	vld.idx.msk [tilespmem:v11+s4+$0x0], $0xffff  }
.LBB2_5:
0xb5: {  	p0 =	sne.s32 s22, $0x17C00;
	v17 =	vadd.s32 s23, v7;
	v12 =	vld.idx.msk [tilespmem:v12+s4+$0x0], $0xffff  }
0xb6: {  	v18 =	vadd.s32 s23, v5;
	v13 =	vld.idx.msk [tilespmem:v13+s4+$0x0], $0xffff  }
0xb7: {  	v19 =	vadd.s32 s23, v4;
	v14 =	vld.idx.msk [tilespmem:v14+s4+$0x0], $0xffff  }
0xb8: {  	v20 =	vadd.s32 s23, v3;
	v15 =	vld.idx.msk [tilespmem:v15+s4+$0x0], $0xffff  }
0xb9: {  	v21 =	vadd.s32 s23, v0;
	v16 =	vld.idx.msk [tilespmem:v16+s4+$0x0], $0xffff  }
0xba: {  	v22 =	vadd.s32 s23, v2;
	v17 =	vld.idx.msk [tilespmem:v17+s4+$0x0], $0xffff  }
0xbb: {  	v23 =	vadd.s32 s23, v1;
	v18 =	vld.idx.msk [tilespmem:v18+s4+$0x0], $0xffff  }
0xbc: {  	v19 =	vld.idx.msk [tilespmem:v19+s4+$0x0], $0xffff  }
0xbd: {  	v20 =	vld.idx.msk [tilespmem:v20+s4+$0x0], $0xffff  }
0xbe: {  	v21 =	vld.idx.msk [tilespmem:v21+s4+$0x0], $0xffff  }
0xbf: {  	s21 =	sadd.s32 $0x100, s21;
	v22 =	vld.idx.msk [tilespmem:v22+s4+$0x0], $0xffff  }
0xc0: {  	v23 =	vld.idx.msk [tilespmem:v23+s4+$0x0], $0xffff;
	[tilespmem:s21+$0xFFFFFF80] =	vst v17  }
0xc1: {  	[tilespmem:s21+$0xFFFFFF10] =	vst v16  }
0xc2: {  	[tilespmem:s21+$0xFFFFFF20] =	vst v18  }
0xc3: {  	[tilespmem:s21+$0xFFFFFF30] =	vst v19  }
0xc4: {  	[tilespmem:s21+$0xFFFFFF40] =	vst v20  }
0xc5: {  	[tilespmem:s21+$0xFFFFFF50] =	vst v21  }
0xc6: {  	[tilespmem:s21+$0xFFFFFF60] =	vst v22  }
0xc7: {  	[tilespmem:s21+$0xFFFFFF70] =	vst v23  }
0xc8: {  	[tilespmem:s21+$0xFFFFFF90] =	vst v8  }
0xc9: {  	[tilespmem:s21+$0xFFFFFFA0] =	vst v9  }
0xca: {  	[tilespmem:s21+$0xFFFFFFB0] =	vst v10  }
0xcb: {  	v8 =	vadd.s32 s22, v6;
	[tilespmem:s21+$0xFFFFFFC0] =	vst v11  }
0xcc: {  	v9 =	vadd.s32 s22, v5;
	[tilespmem:s21+$0xFFFFFFD0] =	vst v12  }
0xcd: {  	v10 =	vadd.s32 s22, v4;
	[tilespmem:s21+$0xFFFFFFE0] =	vst v13  }
0xce: {  	v11 =	vadd.s32 s22, v3;
	[tilespmem:s21+$0xFFFFFFF0] =	vst v14  }
.Ltmp1:
0xcf: {  	v12 =	vadd.s32 s22, v0;
	[tilespmem:s21+$0x0] =	vst v15;
	(pc) =	sbr.rel @p0 .LBB2_5-.Ltmp1, $4  }
0xd0: {  	v13 =	vadd.s32 s22, v2;
	v8 =	vld.idx.msk [tilespmem:v8+s4+$0x0], $0xffff  }
0xd1: {  	v14 =	vadd.s32 s22, v1;
	v9 =	vld.idx.msk [tilespmem:v9+s4+$0x0], $0xffff  }
0xd2: {  	s23 =	sadd.s32 $0xFFFFFC00, s22;
	v15 =	vadd.s32 s22, v7;
	v10 =	vld.idx.msk [tilespmem:v10+s4+$0x0], $0xffff  }
0xd3: {  	v16 =	vadd.s32 s23, v6;
	s22 =	sadd.s32 $0x800, s22;
	v11 =	vld.idx.msk [tilespmem:v11+s4+$0x0], $0xffff  }
0xd4: {  	_ =	sdelay $0x3  }
0xd5: {  	v6 =	vadd.s32 s23, v7;
	v7 =	vld.idx.msk [tilespmem:v12+s4+$0x0], $0xffff  }
0xd6: {  	v5 =	vadd.s32 s23, v5;
	v12 =	vld.idx.msk [tilespmem:v13+s4+$0x0], $0xffff  }
0xd7: {  	v4 =	vadd.s32 s23, v4;
	v13 =	vld.idx.msk [tilespmem:v14+s4+$0x0], $0xffff  }
0xd8: {  	v3 =	vadd.s32 s23, v3;
	v14 =	vld.idx.msk [tilespmem:v15+s4+$0x0], $0xffff  }
0xd9: {  	v15 =	vld.idx.msk [tilespmem:v16+s4+$0x0], $0xffff;
	v0 =	vadd.s32 s23, v0  }
0xda: {  	v2 =	vadd.s32 s23, v2;
	v6 =	vld.idx.msk [tilespmem:v6+s4+$0x0], $0xffff  }
0xdb: {  	v1 =	vadd.s32 s23, v1;
	v5 =	vld.idx.msk [tilespmem:v5+s4+$0x0], $0xffff  }
0xdc: {  	v4 =	vld.idx.msk [tilespmem:v4+s4+$0x0], $0xffff  }
0xdd: {  	v3 =	vld.idx.msk [tilespmem:v3+s4+$0x0], $0xffff  }
0xde: {  	v0 =	vld.idx.msk [tilespmem:v0+s4+$0x0], $0xffff  }
0xdf: {  	s21 =	sadd.s32 $0x100, s21;
	v2 =	vld.idx.msk [tilespmem:v2+s4+$0x0], $0xffff  }
0xe0: {  	v1 =	vld.idx.msk [tilespmem:v1+s4+$0x0], $0xffff;
	[tilespmem:s21+$0xFFFFFF10] =	vst v15  }
0xe1: {  	[tilespmem:s21+$0xFFFFFF90] =	vst v8  }
0xe2: {  	[tilespmem:s21+$0xFFFFFFA0] =	vst v9  }
0xe3: {  	[tilespmem:s21+$0xFFFFFFB0] =	vst v10  }
0xe4: {  	[tilespmem:s21+$0xFFFFFFC0] =	vst v11  }
0xe5: {  	[tilespmem:s21+$0xFFFFFFD0] =	vst v7  }
0xe6: {  	[tilespmem:s21+$0xFFFFFFE0] =	vst v12  }
0xe7: {  	[tilespmem:s21+$0xFFFFFFF0] =	vst v13  }
0xe8: {  	[tilespmem:s21+$0x0] =	vst v14  }
0xe9: {  	[tilespmem:s21+$0xFFFFFF80] =	vst v6  }
0xea: {  	[tilespmem:s21+$0xFFFFFF20] =	vst v5  }
0xeb: {  	[tilespmem:s21+$0xFFFFFF30] =	vst v4  }
0xec: {  	[tilespmem:s21+$0xFFFFFF40] =	vst v3  }
0xed: {  	[tilespmem:s21+$0xFFFFFF50] =	vst v0  }
0xee: {  	[tilespmem:s21+$0xFFFFFF60] =	vst v2  }
0xef: {  	s29 =	sadd.s32 $0x80, s20;
	s22 =	simm.s32 $0x400;
	[tilespmem:s21+$0xFFFFFF70] =	vst v1  }
0xf0: {  	[hbm4b:s29+s22] =	stream.strided.scatter [tilespmem:s14], [sflag:$0x2], $0x3000, s12, s22, $0x38;
	[tilespmem:$0x1E400] =	vst v63  }
0xf1: {  	_ =	swait.ge [sflag:s15], $0x3000  }
0xf2: {  	[sflag:s15] =	ssyncset.done $0x0  }
0xf3: {  	[sflag:s15] =	ssyncadd.s32 $0xFFFFD000  }
0xf4: {  	v6 =	vld [tilespmem:$0x18100]  }
0xf5: {  	v5 =	vld [tilespmem:$0x18110]  }
0xf6: {  	v4 =	vld [tilespmem:$0x18120]  }
0xf7: {  	v3 =	vld [tilespmem:$0x18130]  }
0xf8: {  	v1 =	vld [tilespmem:$0x18140]  }
0xf9: {  	v2 =	vld [tilespmem:$0x18150];
	v8 =	vadd.s32 s22, v6  }
0xfa: {  	v0 =	vld [tilespmem:$0x18160];
	v9 =	vadd.s32 s22, v5  }
0xfb: {  	v7 =	vld [tilespmem:$0x18170];
	v10 =	vadd.s32 s22, v4  }
0xfc: {  	v11 =	vadd.s32 s22, v3  }
0xfd: {  	v12 =	vadd.s32 s22, v1  }
0xfe: {  	v13 =	vadd.s32 s22, v2;
	v8 =	vld.idx.msk [tilespmem:v8+s4+$0x0], $0xffff  }
0xff: {  	v14 =	vadd.s32 s22, v0;
	v9 =	vld.idx.msk [tilespmem:v9+s4+$0x0], $0xffff  }
0x100: {  	s30 =	simm.s32 $0x0;
	v15 =	vadd.s32 s22, v7;
	v10 =	vld.idx.msk [tilespmem:v10+s4+$0x0], $0xffff  }
0x101: {  	v16 =	vadd.s32 s30, v6;
	v11 =	vld.idx.msk [tilespmem:v11+s4+$0x0], $0xffff  }
0x102: {  	v17 =	vadd.s32 s30, v7;
	v12 =	vld.idx.msk [tilespmem:v12+s4+$0x0], $0xffff  }
0x103: {  	v18 =	vadd.s32 s30, v5;
	v13 =	vld.idx.msk [tilespmem:v13+s4+$0x0], $0xffff  }
0x104: {  	v19 =	vadd.s32 s30, v4;
	v14 =	vld.idx.msk [tilespmem:v14+s4+$0x0], $0xffff  }
0x105: {  	v20 =	vadd.s32 s30, v3;
	v15 =	vld.idx.msk [tilespmem:v15+s4+$0x0], $0xffff  }
0x106: {  	v21 =	vadd.s32 s30, v1;
	v16 =	vld.idx.msk [tilespmem:v16+s4+$0x0], $0xffff  }
0x107: {  	v22 =	vadd.s32 s30, v2;
	v17 =	vld.idx.msk [tilespmem:v17+s4+$0x0], $0xffff  }
0x108: {  	v23 =	vadd.s32 s30, v0;
	v18 =	vld.idx.msk [tilespmem:v18+s4+$0x0], $0xffff  }
0x109: {  	v19 =	vld.idx.msk [tilespmem:v19+s4+$0x0], $0xffff  }
0x10a: {  	v20 =	vld.idx.msk [tilespmem:v20+s4+$0x0], $0xffff  }
0x10b: {  	v21 =	vld.idx.msk [tilespmem:v21+s4+$0x0], $0xffff  }
0x10c: {  	s21 =	simm.s32 $0x18480;
	v22 =	vld.idx.msk [tilespmem:v22+s4+$0x0], $0xffff  }
0x10d: {  	v23 =	vld.idx.msk [tilespmem:v23+s4+$0x0], $0xffff;
	[tilespmem:s21+$0xFFFFFFF0] =	vst v17  }
0x10e: {  	[tilespmem:s21+$0xFFFFFF80] =	vst v16  }
0x10f: {  	[tilespmem:s21+$0xFFFFFF90] =	vst v18  }
0x110: {  	[tilespmem:s21+$0xFFFFFFA0] =	vst v19  }
0x111: {  	[tilespmem:s21+$0xFFFFFFB0] =	vst v20  }
0x112: {  	[tilespmem:s21+$0xFFFFFFC0] =	vst v21  }
0x113: {  	[tilespmem:s21+$0xFFFFFFD0] =	vst v22  }
0x114: {  	[tilespmem:s21+$0xFFFFFFE0] =	vst v23  }
0x115: {  	[tilespmem:s21+$0x0] =	vst v8  }
0x116: {  	[tilespmem:s21+$0x10] =	vst v9  }
0x117: {  	s31 =	simm.s32 $0xC00;
	[tilespmem:s21+$0x20] =	vst v10  }
0x118: {  	v8 =	vadd.s32 s31, v6;
	[tilespmem:s21+$0x30] =	vst v11  }
0x119: {  	v9 =	vadd.s32 s31, v5;
	[tilespmem:s21+$0x40] =	vst v12  }
0x11a: {  	v10 =	vadd.s32 s31, v4;
	[tilespmem:s21+$0x50] =	vst v13  }
0x11b: {  	v11 =	vadd.s32 s31, v3;
	[tilespmem:s21+$0x60] =	vst v14  }
0x11c: {  	[tilespmem:s21+$0x70] =	vst v15;
	v12 =	vadd.s32 s31, v1  }
0x11d: {  	v13 =	vadd.s32 s31, v2;
	v8 =	vld.idx.msk [tilespmem:v8+s4+$0x0], $0xffff  }
0x11e: {  	v14 =	vadd.s32 s31, v0;
	v9 =	vld.idx.msk [tilespmem:v9+s4+$0x0], $0xffff  }
0x11f: {  	s23 =	simm.s32 $0x800;
	v15 =	vadd.s32 s31, v7;
	v10 =	vld.idx.msk [tilespmem:v10+s4+$0x0], $0xffff  }
0x120: {  	s22 =	simm.s32 $0x1400;
	v16 =	vadd.s32 s23, v6;
	v11 =	vld.idx.msk [tilespmem:v11+s4+$0x0], $0xffff  }
.LBB2_7:
0x121: {  	p0 =	sne.s32 s22, $0x17C00;
	v17 =	vadd.s32 s23, v7;
	v12 =	vld.idx.msk [tilespmem:v12+s4+$0x0], $0xffff  }
0x122: {  	v18 =	vadd.s32 s23, v5;
	v13 =	vld.idx.msk [tilespmem:v13+s4+$0x0], $0xffff  }
0x123: {  	v19 =	vadd.s32 s23, v4;
	v14 =	vld.idx.msk [tilespmem:v14+s4+$0x0], $0xffff  }
0x124: {  	v20 =	vadd.s32 s23, v3;
	v15 =	vld.idx.msk [tilespmem:v15+s4+$0x0], $0xffff  }
0x125: {  	v21 =	vadd.s32 s23, v1;
	v16 =	vld.idx.msk [tilespmem:v16+s4+$0x0], $0xffff  }
0x126: {  	v22 =	vadd.s32 s23, v2;
	v17 =	vld.idx.msk [tilespmem:v17+s4+$0x0], $0xffff  }
0x127: {  	v23 =	vadd.s32 s23, v0;
	v18 =	vld.idx.msk [tilespmem:v18+s4+$0x0], $0xffff  }
0x128: {  	v19 =	vld.idx.msk [tilespmem:v19+s4+$0x0], $0xffff  }
0x129: {  	v20 =	vld.idx.msk [tilespmem:v20+s4+$0x0], $0xffff  }
0x12a: {  	v21 =	vld.idx.msk [tilespmem:v21+s4+$0x0], $0xffff  }
0x12b: {  	s21 =	sadd.s32 $0x100, s21;
	v22 =	vld.idx.msk [tilespmem:v22+s4+$0x0], $0xffff  }
0x12c: {  	v23 =	vld.idx.msk [tilespmem:v23+s4+$0x0], $0xffff;
	[tilespmem:s21+$0xFFFFFFF0] =	vst v17  }
0x12d: {  	[tilespmem:s21+$0xFFFFFF80] =	vst v16  }
0x12e: {  	[tilespmem:s21+$0xFFFFFF90] =	vst v18  }
0x12f: {  	[tilespmem:s21+$0xFFFFFFA0] =	vst v19  }
0x130: {  	[tilespmem:s21+$0xFFFFFFB0] =	vst v20  }
0x131: {  	[tilespmem:s21+$0xFFFFFFC0] =	vst v21  }
0x132: {  	[tilespmem:s21+$0xFFFFFFD0] =	vst v22  }
0x133: {  	[tilespmem:s21+$0xFFFFFFE0] =	vst v23  }
0x134: {  	[tilespmem:s21+$0x0] =	vst v8  }
0x135: {  	[tilespmem:s21+$0x10] =	vst v9  }
0x136: {  	[tilespmem:s21+$0x20] =	vst v10  }
0x137: {  	v8 =	vadd.s32 s22, v6;
	[tilespmem:s21+$0x30] =	vst v11  }
0x138: {  	v9 =	vadd.s32 s22, v5;
	[tilespmem:s21+$0x40] =	vst v12  }
0x139: {  	v10 =	vadd.s32 s22, v4;
	[tilespmem:s21+$0x50] =	vst v13  }
0x13a: {  	v11 =	vadd.s32 s22, v3;
	[tilespmem:s21+$0x60] =	vst v14  }
.Ltmp2:
0x13b: {  	v12 =	vadd.s32 s22, v1;
	[tilespmem:s21+$0x70] =	vst v15;
	(pc) =	sbr.rel @p0 .LBB2_7-.Ltmp2, $4  }
0x13c: {  	v13 =	vadd.s32 s22, v2;
	v8 =	vld.idx.msk [tilespmem:v8+s4+$0x0], $0xffff  }
0x13d: {  	v14 =	vadd.s32 s22, v0;
	v9 =	vld.idx.msk [tilespmem:v9+s4+$0x0], $0xffff  }
0x13e: {  	s23 =	sadd.s32 $0xFFFFFC00, s22;
	v15 =	vadd.s32 s22, v7;
	v10 =	vld.idx.msk [tilespmem:v10+s4+$0x0], $0xffff  }
0x13f: {  	v16 =	vadd.s32 s23, v6;
	s22 =	sadd.s32 $0x800, s22;
	v11 =	vld.idx.msk [tilespmem:v11+s4+$0x0], $0xffff  }
0x140: {  	_ =	sdelay $0x3  }
0x141: {  	v6 =	vadd.s32 s23, v7;
	v7 =	vld.idx.msk [tilespmem:v12+s4+$0x0], $0xffff  }
0x142: {  	v5 =	vadd.s32 s23, v5;
	v12 =	vld.idx.msk [tilespmem:v13+s4+$0x0], $0xffff  }
0x143: {  	v4 =	vadd.s32 s23, v4;
	v13 =	vld.idx.msk [tilespmem:v14+s4+$0x0], $0xffff  }
0x144: {  	v3 =	vadd.s32 s23, v3;
	v14 =	vld.idx.msk [tilespmem:v15+s4+$0x0], $0xffff  }
0x145: {  	v15 =	vld.idx.msk [tilespmem:v16+s4+$0x0], $0xffff;
	v1 =	vadd.s32 s23, v1  }
0x146: {  	v2 =	vadd.s32 s23, v2;
	v6 =	vld.idx.msk [tilespmem:v6+s4+$0x0], $0xffff  }
0x147: {  	v0 =	vadd.s32 s23, v0;
	v5 =	vld.idx.msk [tilespmem:v5+s4+$0x0], $0xffff  }
0x148: {  	v4 =	vld.idx.msk [tilespmem:v4+s4+$0x0], $0xffff  }
0x149: {  	v3 =	vld.idx.msk [tilespmem:v3+s4+$0x0], $0xffff  }
0x14a: {  	v1 =	vld.idx.msk [tilespmem:v1+s4+$0x0], $0xffff  }
0x14b: {  	s21 =	sadd.s32 $0x100, s21;
	v2 =	vld.idx.msk [tilespmem:v2+s4+$0x0], $0xffff  }
0x14c: {  	v0 =	vld.idx.msk [tilespmem:v0+s4+$0x0], $0xffff;
	[tilespmem:s21+$0xFFFFFF80] =	vst v15  }
0x14d: {  	[tilespmem:s21+$0x0] =	vst v8  }
0x14e: {  	[tilespmem:s21+$0x10] =	vst v9  }
0x14f: {  	[tilespmem:s21+$0x20] =	vst v10  }
0x150: {  	[tilespmem:s21+$0x30] =	vst v11  }
0x151: {  	[tilespmem:s21+$0x40] =	vst v7  }
0x152: {  	[tilespmem:s21+$0x50] =	vst v12  }
0x153: {  	[tilespmem:s21+$0x60] =	vst v13  }
0x154: {  	[tilespmem:s21+$0x70] =	vst v14  }
0x155: {  	[tilespmem:s21+$0xFFFFFFF0] =	vst v6  }
0x156: {  	[tilespmem:s21+$0xFFFFFF90] =	vst v5  }
0x157: {  	[tilespmem:s21+$0xFFFFFFA0] =	vst v4  }
0x158: {  	[tilespmem:s21+$0xFFFFFFB0] =	vst v3  }
0x159: {  	[tilespmem:s21+$0xFFFFFFC0] =	vst v1  }
0x15a: {  	[tilespmem:s21+$0xFFFFFFD0] =	vst v2  }
0x15b: {  	s29 =	sadd.s32 $0x100, s20;
	s22 =	simm.s32 $0x400;
	[tilespmem:s21+$0xFFFFFFE0] =	vst v0  }
0x15c: {  	[hbm4b:s29+s22] =	stream.strided.scatter [tilespmem:s13], [sflag:$0x1], $0x3000, s12, s22, $0x38;
	[tilespmem:$0x1E400] =	vst v63  }
0x15d: {  	_ =	swait.ge [sflag:s16], $0x3000  }
0x15e: {  	[sflag:s16] =	ssyncset.done $0x0  }
0x15f: {  	[sflag:s16] =	ssyncadd.s32 $0xFFFFD000  }
0x160: {  	v6 =	vld [tilespmem:$0x18180]  }
0x161: {  	v5 =	vld [tilespmem:$0x18190]  }
0x162: {  	v4 =	vld [tilespmem:$0x181A0]  }
0x163: {  	v3 =	vld [tilespmem:$0x181B0]  }
0x164: {  	v1 =	vld [tilespmem:$0x181C0]  }
0x165: {  	v2 =	vld [tilespmem:$0x181D0];
	v8 =	vadd.s32 s22, v6  }
0x166: {  	v0 =	vld [tilespmem:$0x181E0];
	v9 =	vadd.s32 s22, v5  }
0x167: {  	v7 =	vld [tilespmem:$0x181F0];
	v10 =	vadd.s32 s22, v4  }
0x168: {  	v11 =	vadd.s32 s22, v3  }
0x169: {  	v12 =	vadd.s32 s22, v1  }
0x16a: {  	v13 =	vadd.s32 s22, v2;
	v8 =	vld.idx.msk [tilespmem:v8+s4+$0x0], $0xffff  }
0x16b: {  	v14 =	vadd.s32 s22, v0;
	v9 =	vld.idx.msk [tilespmem:v9+s4+$0x0], $0xffff  }
0x16c: {  	s30 =	simm.s32 $0x0;
	v15 =	vadd.s32 s22, v7;
	v10 =	vld.idx.msk [tilespmem:v10+s4+$0x0], $0xffff  }
0x16d: {  	v16 =	vadd.s32 s30, v6;
	v11 =	vld.idx.msk [tilespmem:v11+s4+$0x0], $0xffff  }
0x16e: {  	v17 =	vadd.s32 s30, v7;
	v12 =	vld.idx.msk [tilespmem:v12+s4+$0x0], $0xffff  }
0x16f: {  	v18 =	vadd.s32 s30, v5;
	v13 =	vld.idx.msk [tilespmem:v13+s4+$0x0], $0xffff  }
0x170: {  	v19 =	vadd.s32 s30, v4;
	v14 =	vld.idx.msk [tilespmem:v14+s4+$0x0], $0xffff  }
0x171: {  	v20 =	vadd.s32 s30, v3;
	v15 =	vld.idx.msk [tilespmem:v15+s4+$0x0], $0xffff  }
0x172: {  	v21 =	vadd.s32 s30, v1;
	v16 =	vld.idx.msk [tilespmem:v16+s4+$0x0], $0xffff  }
0x173: {  	v22 =	vadd.s32 s30, v2;
	v17 =	vld.idx.msk [tilespmem:v17+s4+$0x0], $0xffff  }
0x174: {  	v23 =	vadd.s32 s30, v0;
	v18 =	vld.idx.msk [tilespmem:v18+s4+$0x0], $0xffff  }
0x175: {  	v19 =	vld.idx.msk [tilespmem:v19+s4+$0x0], $0xffff  }
0x176: {  	v20 =	vld.idx.msk [tilespmem:v20+s4+$0x0], $0xffff  }
0x177: {  	v21 =	vld.idx.msk [tilespmem:v21+s4+$0x0], $0xffff  }
0x178: {  	s21 =	simm.s32 $0x1B4F0;
	v22 =	vld.idx.msk [tilespmem:v22+s4+$0x0], $0xffff  }
0x179: {  	v23 =	vld.idx.msk [tilespmem:v23+s4+$0x0], $0xffff;
	[tilespmem:s21+$0xFFFFFF80] =	vst v17  }
0x17a: {  	[tilespmem:s21+$0xFFFFFF10] =	vst v16  }
0x17b: {  	[tilespmem:s21+$0xFFFFFF20] =	vst v18  }
0x17c: {  	[tilespmem:s21+$0xFFFFFF30] =	vst v19  }
0x17d: {  	[tilespmem:s21+$0xFFFFFF40] =	vst v20  }
0x17e: {  	[tilespmem:s21+$0xFFFFFF50] =	vst v21  }
0x17f: {  	[tilespmem:s21+$0xFFFFFF60] =	vst v22  }
0x180: {  	[tilespmem:s21+$0xFFFFFF70] =	vst v23  }
0x181: {  	[tilespmem:s21+$0xFFFFFF90] =	vst v8  }
0x182: {  	[tilespmem:s21+$0xFFFFFFA0] =	vst v9  }
0x183: {  	s31 =	simm.s32 $0xC00;
	[tilespmem:s21+$0xFFFFFFB0] =	vst v10  }
0x184: {  	v8 =	vadd.s32 s31, v6;
	[tilespmem:s21+$0xFFFFFFC0] =	vst v11  }
0x185: {  	v9 =	vadd.s32 s31, v5;
	[tilespmem:s21+$0xFFFFFFD0] =	vst v12  }
0x186: {  	v10 =	vadd.s32 s31, v4;
	[tilespmem:s21+$0xFFFFFFE0] =	vst v13  }
0x187: {  	v11 =	vadd.s32 s31, v3;
	[tilespmem:s21+$0xFFFFFFF0] =	vst v14  }
0x188: {  	[tilespmem:s21+$0x0] =	vst v15;
	v12 =	vadd.s32 s31, v1  }
0x189: {  	v13 =	vadd.s32 s31, v2;
	v8 =	vld.idx.msk [tilespmem:v8+s4+$0x0], $0xffff  }
0x18a: {  	v14 =	vadd.s32 s31, v0;
	v9 =	vld.idx.msk [tilespmem:v9+s4+$0x0], $0xffff  }
0x18b: {  	s23 =	simm.s32 $0x800;
	v15 =	vadd.s32 s31, v7;
	v10 =	vld.idx.msk [tilespmem:v10+s4+$0x0], $0xffff  }
0x18c: {  	s22 =	simm.s32 $0x1400;
	v16 =	vadd.s32 s23, v6;
	v11 =	vld.idx.msk [tilespmem:v11+s4+$0x0], $0xffff  }
.LBB2_9:
0x18d: {  	p0 =	sne.s32 s22, $0x17C00;
	v17 =	vadd.s32 s23, v7;
	v12 =	vld.idx.msk [tilespmem:v12+s4+$0x0], $0xffff  }
0x18e: {  	v18 =	vadd.s32 s23, v5;
	v13 =	vld.idx.msk [tilespmem:v13+s4+$0x0], $0xffff  }
0x18f: {  	v19 =	vadd.s32 s23, v4;
	v14 =	vld.idx.msk [tilespmem:v14+s4+$0x0], $0xffff  }
0x190: {  	v20 =	vadd.s32 s23, v3;
	v15 =	vld.idx.msk [tilespmem:v15+s4+$0x0], $0xffff  }
0x191: {  	v21 =	vadd.s32 s23, v1;
	v16 =	vld.idx.msk [tilespmem:v16+s4+$0x0], $0xffff  }
0x192: {  	v22 =	vadd.s32 s23, v2;
	v17 =	vld.idx.msk [tilespmem:v17+s4+$0x0], $0xffff  }
0x193: {  	v23 =	vadd.s32 s23, v0;
	v18 =	vld.idx.msk [tilespmem:v18+s4+$0x0], $0xffff  }
0x194: {  	v19 =	vld.idx.msk [tilespmem:v19+s4+$0x0], $0xffff  }
0x195: {  	v20 =	vld.idx.msk [tilespmem:v20+s4+$0x0], $0xffff  }
0x196: {  	v21 =	vld.idx.msk [tilespmem:v21+s4+$0x0], $0xffff  }
0x197: {  	s21 =	sadd.s32 $0x100, s21;
	v22 =	vld.idx.msk [tilespmem:v22+s4+$0x0], $0xffff  }
0x198: {  	v23 =	vld.idx.msk [tilespmem:v23+s4+$0x0], $0xffff;
	[tilespmem:s21+$0xFFFFFF80] =	vst v17  }
0x199: {  	[tilespmem:s21+$0xFFFFFF10] =	vst v16  }
0x19a: {  	[tilespmem:s21+$0xFFFFFF20] =	vst v18  }
0x19b: {  	[tilespmem:s21+$0xFFFFFF30] =	vst v19  }
0x19c: {  	[tilespmem:s21+$0xFFFFFF40] =	vst v20  }
0x19d: {  	[tilespmem:s21+$0xFFFFFF50] =	vst v21  }
0x19e: {  	[tilespmem:s21+$0xFFFFFF60] =	vst v22  }
0x19f: {  	[tilespmem:s21+$0xFFFFFF70] =	vst v23  }
0x1a0: {  	[tilespmem:s21+$0xFFFFFF90] =	vst v8  }
0x1a1: {  	[tilespmem:s21+$0xFFFFFFA0] =	vst v9  }
0x1a2: {  	[tilespmem:s21+$0xFFFFFFB0] =	vst v10  }
0x1a3: {  	v8 =	vadd.s32 s22, v6;
	[tilespmem:s21+$0xFFFFFFC0] =	vst v11  }
0x1a4: {  	v9 =	vadd.s32 s22, v5;
	[tilespmem:s21+$0xFFFFFFD0] =	vst v12  }
0x1a5: {  	v10 =	vadd.s32 s22, v4;
	[tilespmem:s21+$0xFFFFFFE0] =	vst v13  }
0x1a6: {  	v11 =	vadd.s32 s22, v3;
	[tilespmem:s21+$0xFFFFFFF0] =	vst v14  }
.Ltmp3:
0x1a7: {  	v12 =	vadd.s32 s22, v1;
	[tilespmem:s21+$0x0] =	vst v15;
	(pc) =	sbr.rel @p0 .LBB2_9-.Ltmp3, $4  }
0x1a8: {  	v13 =	vadd.s32 s22, v2;
	v8 =	vld.idx.msk [tilespmem:v8+s4+$0x0], $0xffff  }
0x1a9: {  	v14 =	vadd.s32 s22, v0;
	v9 =	vld.idx.msk [tilespmem:v9+s4+$0x0], $0xffff  }
0x1aa: {  	s23 =	sadd.s32 $0xFFFFFC00, s22;
	v15 =	vadd.s32 s22, v7;
	v10 =	vld.idx.msk [tilespmem:v10+s4+$0x0], $0xffff  }
0x1ab: {  	v16 =	vadd.s32 s23, v6;
	s22 =	sadd.s32 $0x800, s22;
	v11 =	vld.idx.msk [tilespmem:v11+s4+$0x0], $0xffff  }
0x1ac: {  	_ =	sdelay $0x3  }
0x1ad: {  	v6 =	vadd.s32 s23, v7;
	v7 =	vld.idx.msk [tilespmem:v12+s4+$0x0], $0xffff  }
0x1ae: {  	v5 =	vadd.s32 s23, v5;
	v12 =	vld.idx.msk [tilespmem:v13+s4+$0x0], $0xffff  }
0x1af: {  	v4 =	vadd.s32 s23, v4;
	v13 =	vld.idx.msk [tilespmem:v14+s4+$0x0], $0xffff  }
0x1b0: {  	v3 =	vadd.s32 s23, v3;
	v14 =	vld.idx.msk [tilespmem:v15+s4+$0x0], $0xffff  }
0x1b1: {  	v15 =	vld.idx.msk [tilespmem:v16+s4+$0x0], $0xffff;
	v1 =	vadd.s32 s23, v1  }
0x1b2: {  	v2 =	vadd.s32 s23, v2;
	v6 =	vld.idx.msk [tilespmem:v6+s4+$0x0], $0xffff  }
0x1b3: {  	v0 =	vadd.s32 s23, v0;
	v5 =	vld.idx.msk [tilespmem:v5+s4+$0x0], $0xffff  }
0x1b4: {  	v4 =	vld.idx.msk [tilespmem:v4+s4+$0x0], $0xffff  }
0x1b5: {  	v3 =	vld.idx.msk [tilespmem:v3+s4+$0x0], $0xffff  }
0x1b6: {  	v1 =	vld.idx.msk [tilespmem:v1+s4+$0x0], $0xffff  }
0x1b7: {  	s21 =	sadd.s32 $0x100, s21;
	v2 =	vld.idx.msk [tilespmem:v2+s4+$0x0], $0xffff  }
0x1b8: {  	v0 =	vld.idx.msk [tilespmem:v0+s4+$0x0], $0xffff;
	[tilespmem:s21+$0xFFFFFF10] =	vst v15  }
0x1b9: {  	[tilespmem:s21+$0xFFFFFF90] =	vst v8  }
0x1ba: {  	[tilespmem:s21+$0xFFFFFFA0] =	vst v9  }
0x1bb: {  	[tilespmem:s21+$0xFFFFFFB0] =	vst v10  }
0x1bc: {  	[tilespmem:s21+$0xFFFFFFC0] =	vst v11  }
0x1bd: {  	[tilespmem:s21+$0xFFFFFFD0] =	vst v7  }
0x1be: {  	[tilespmem:s21+$0xFFFFFFE0] =	vst v12  }
0x1bf: {  	[tilespmem:s21+$0xFFFFFFF0] =	vst v13  }
0x1c0: {  	[tilespmem:s21+$0x0] =	vst v14  }
0x1c1: {  	[tilespmem:s21+$0xFFFFFF80] =	vst v6  }
0x1c2: {  	[tilespmem:s21+$0xFFFFFF20] =	vst v5  }
0x1c3: {  	[tilespmem:s21+$0xFFFFFF30] =	vst v4  }
0x1c4: {  	[tilespmem:s21+$0xFFFFFF40] =	vst v3  }
0x1c5: {  	[tilespmem:s21+$0xFFFFFF50] =	vst v1  }
0x1c6: {  	[tilespmem:s21+$0xFFFFFF60] =	vst v2  }
0x1c7: {  	s20 =	sadd.s32 $0x180, s20;
	s29 =	simm.s32 $0x400;
	[tilespmem:s21+$0xFFFFFF70] =	vst v0  }
0x1c8: {  	[hbm4b:s20+s29] =	stream.strided.scatter [tilespmem:s14], [sflag:$0x2], $0x3000, s12, s29, $0x38;
	[tilespmem:$0x1E400] =	vst v63  }
0x1c9: {  	_ =	swait.ge [sflag:s15], $0x3000  }
0x1ca: {  	[sflag:s15] =	ssyncset.done $0x0  }
0x1cb: {  	[sflag:s15] =	ssyncadd.s32 $0xFFFFD000  }
0x1cc: {  	v6 =	vld [tilespmem:$0x18200]  }
0x1cd: {  	v5 =	vld [tilespmem:$0x18210]  }
0x1ce: {  	v4 =	vld [tilespmem:$0x18220]  }
0x1cf: {  	v3 =	vld [tilespmem:$0x18230]  }
0x1d0: {  	v1 =	vld [tilespmem:$0x18240]  }
0x1d1: {  	v2 =	vld [tilespmem:$0x18250];
	v8 =	vadd.s32 s29, v6  }
0x1d2: {  	v0 =	vld [tilespmem:$0x18260];
	v9 =	vadd.s32 s29, v5  }
0x1d3: {  	v7 =	vld [tilespmem:$0x18270];
	v10 =	vadd.s32 s29, v4  }
0x1d4: {  	v11 =	vadd.s32 s29, v3  }
0x1d5: {  	v12 =	vadd.s32 s29, v1  }
0x1d6: {  	v13 =	vadd.s32 s29, v2;
	v8 =	vld.idx.msk [tilespmem:v8+s4+$0x0], $0xffff  }
0x1d7: {  	v14 =	vadd.s32 s29, v0;
	v9 =	vld.idx.msk [tilespmem:v9+s4+$0x0], $0xffff  }
0x1d8: {  	s30 =	simm.s32 $0x0;
	v15 =	vadd.s32 s29, v7;
	v10 =	vld.idx.msk [tilespmem:v10+s4+$0x0], $0xffff  }
0x1d9: {  	v16 =	vadd.s32 s30, v6;
	v11 =	vld.idx.msk [tilespmem:v11+s4+$0x0], $0xffff  }
0x1da: {  	v17 =	vadd.s32 s30, v7;
	v12 =	vld.idx.msk [tilespmem:v12+s4+$0x0], $0xffff  }
0x1db: {  	v18 =	vadd.s32 s30, v5;
	v13 =	vld.idx.msk [tilespmem:v13+s4+$0x0], $0xffff  }
0x1dc: {  	v19 =	vadd.s32 s30, v4;
	v14 =	vld.idx.msk [tilespmem:v14+s4+$0x0], $0xffff  }
0x1dd: {  	v20 =	vadd.s32 s30, v3;
	v15 =	vld.idx.msk [tilespmem:v15+s4+$0x0], $0xffff  }
0x1de: {  	v21 =	vadd.s32 s30, v1;
	v16 =	vld.idx.msk [tilespmem:v16+s4+$0x0], $0xffff  }
0x1df: {  	v22 =	vadd.s32 s30, v2;
	v17 =	vld.idx.msk [tilespmem:v17+s4+$0x0], $0xffff  }
0x1e0: {  	v23 =	vadd.s32 s30, v0;
	v18 =	vld.idx.msk [tilespmem:v18+s4+$0x0], $0xffff  }
0x1e1: {  	v19 =	vld.idx.msk [tilespmem:v19+s4+$0x0], $0xffff  }
0x1e2: {  	v20 =	vld.idx.msk [tilespmem:v20+s4+$0x0], $0xffff  }
0x1e3: {  	v21 =	vld.idx.msk [tilespmem:v21+s4+$0x0], $0xffff  }
0x1e4: {  	s20 =	simm.s32 $0x18480;
	v22 =	vld.idx.msk [tilespmem:v22+s4+$0x0], $0xffff  }
0x1e5: {  	v23 =	vld.idx.msk [tilespmem:v23+s4+$0x0], $0xffff;
	[tilespmem:s20+$0xFFFFFFF0] =	vst v17  }
0x1e6: {  	[tilespmem:s20+$0xFFFFFF80] =	vst v16  }
0x1e7: {  	[tilespmem:s20+$0xFFFFFF90] =	vst v18  }
0x1e8: {  	[tilespmem:s20+$0xFFFFFFA0] =	vst v19  }
0x1e9: {  	[tilespmem:s20+$0xFFFFFFB0] =	vst v20  }
0x1ea: {  	[tilespmem:s20+$0xFFFFFFC0] =	vst v21  }
0x1eb: {  	[tilespmem:s20+$0xFFFFFFD0] =	vst v22  }
0x1ec: {  	[tilespmem:s20+$0xFFFFFFE0] =	vst v23  }
0x1ed: {  	[tilespmem:s20+$0x0] =	vst v8  }
0x1ee: {  	[tilespmem:s20+$0x10] =	vst v9  }
0x1ef: {  	s31 =	simm.s32 $0xC00;
	[tilespmem:s20+$0x20] =	vst v10  }
0x1f0: {  	v8 =	vadd.s32 s31, v6;
	[tilespmem:s20+$0x30] =	vst v11  }
0x1f1: {  	v9 =	vadd.s32 s31, v5;
	[tilespmem:s20+$0x40] =	vst v12  }
0x1f2: {  	v10 =	vadd.s32 s31, v4;
	[tilespmem:s20+$0x50] =	vst v13  }
0x1f3: {  	v11 =	vadd.s32 s31, v3;
	[tilespmem:s20+$0x60] =	vst v14  }
0x1f4: {  	[tilespmem:s20+$0x70] =	vst v15;
	v12 =	vadd.s32 s31, v1  }
0x1f5: {  	v13 =	vadd.s32 s31, v2;
	v8 =	vld.idx.msk [tilespmem:v8+s4+$0x0], $0xffff  }
0x1f6: {  	v14 =	vadd.s32 s31, v0;
	v9 =	vld.idx.msk [tilespmem:v9+s4+$0x0], $0xffff  }
0x1f7: {  	s22 =	simm.s32 $0x800;
	v15 =	vadd.s32 s31, v7;
	v10 =	vld.idx.msk [tilespmem:v10+s4+$0x0], $0xffff  }
0x1f8: {  	s21 =	simm.s32 $0x1400;
	v16 =	vadd.s32 s22, v6;
	v11 =	vld.idx.msk [tilespmem:v11+s4+$0x0], $0xffff  }
.LBB2_11:
0x1f9: {  	p0 =	sne.s32 s21, $0x17C00;
	v17 =	vadd.s32 s22, v7;
	v12 =	vld.idx.msk [tilespmem:v12+s4+$0x0], $0xffff  }
0x1fa: {  	v18 =	vadd.s32 s22, v5;
	v13 =	vld.idx.msk [tilespmem:v13+s4+$0x0], $0xffff  }
0x1fb: {  	v19 =	vadd.s32 s22, v4;
	v14 =	vld.idx.msk [tilespmem:v14+s4+$0x0], $0xffff  }
0x1fc: {  	v20 =	vadd.s32 s22, v3;
	v15 =	vld.idx.msk [tilespmem:v15+s4+$0x0], $0xffff  }
0x1fd: {  	v21 =	vadd.s32 s22, v1;
	v16 =	vld.idx.msk [tilespmem:v16+s4+$0x0], $0xffff  }
0x1fe: {  	v22 =	vadd.s32 s22, v2;
	v17 =	vld.idx.msk [tilespmem:v17+s4+$0x0], $0xffff  }
0x1ff: {  	v23 =	vadd.s32 s22, v0;
	v18 =	vld.idx.msk [tilespmem:v18+s4+$0x0], $0xffff  }
0x200: {  	v19 =	vld.idx.msk [tilespmem:v19+s4+$0x0], $0xffff  }
0x201: {  	v20 =	vld.idx.msk [tilespmem:v20+s4+$0x0], $0xffff  }
0x202: {  	v21 =	vld.idx.msk [tilespmem:v21+s4+$0x0], $0xffff  }
0x203: {  	s20 =	sadd.s32 $0x100, s20;
	v22 =	vld.idx.msk [tilespmem:v22+s4+$0x0], $0xffff  }
0x204: {  	v23 =	vld.idx.msk [tilespmem:v23+s4+$0x0], $0xffff;
	[tilespmem:s20+$0xFFFFFFF0] =	vst v17  }
0x205: {  	[tilespmem:s20+$0xFFFFFF80] =	vst v16  }
0x206: {  	[tilespmem:s20+$0xFFFFFF90] =	vst v18  }
0x207: {  	[tilespmem:s20+$0xFFFFFFA0] =	vst v19  }
0x208: {  	[tilespmem:s20+$0xFFFFFFB0] =	vst v20  }
0x209: {  	[tilespmem:s20+$0xFFFFFFC0] =	vst v21  }
0x20a: {  	[tilespmem:s20+$0xFFFFFFD0] =	vst v22  }
0x20b: {  	[tilespmem:s20+$0xFFFFFFE0] =	vst v23  }
0x20c: {  	[tilespmem:s20+$0x0] =	vst v8  }
0x20d: {  	[tilespmem:s20+$0x10] =	vst v9  }
0x20e: {  	[tilespmem:s20+$0x20] =	vst v10  }
0x20f: {  	v8 =	vadd.s32 s21, v6;
	[tilespmem:s20+$0x30] =	vst v11  }
0x210: {  	v9 =	vadd.s32 s21, v5;
	[tilespmem:s20+$0x40] =	vst v12  }
0x211: {  	v10 =	vadd.s32 s21, v4;
	[tilespmem:s20+$0x50] =	vst v13  }
0x212: {  	v11 =	vadd.s32 s21, v3;
	[tilespmem:s20+$0x60] =	vst v14  }
.Ltmp4:
0x213: {  	v12 =	vadd.s32 s21, v1;
	[tilespmem:s20+$0x70] =	vst v15;
	(pc) =	sbr.rel @p0 .LBB2_11-.Ltmp4, $4  }
0x214: {  	v13 =	vadd.s32 s21, v2;
	v8 =	vld.idx.msk [tilespmem:v8+s4+$0x0], $0xffff  }
0x215: {  	v14 =	vadd.s32 s21, v0;
	v9 =	vld.idx.msk [tilespmem:v9+s4+$0x0], $0xffff  }
0x216: {  	s22 =	sadd.s32 $0xFFFFFC00, s21;
	v15 =	vadd.s32 s21, v7;
	v10 =	vld.idx.msk [tilespmem:v10+s4+$0x0], $0xffff  }
0x217: {  	v16 =	vadd.s32 s22, v6;
	s21 =	sadd.s32 $0x800, s21;
	v11 =	vld.idx.msk [tilespmem:v11+s4+$0x0], $0xffff  }
0x218: {  	_ =	sdelay $0x3  }
0x219: {  	v6 =	vadd.s32 s22, v7;
	v7 =	vld.idx.msk [tilespmem:v12+s4+$0x0], $0xffff  }
0x21a: {  	v5 =	vadd.s32 s22, v5;
	v12 =	vld.idx.msk [tilespmem:v13+s4+$0x0], $0xffff  }
0x21b: {  	v4 =	vadd.s32 s22, v4;
	v13 =	vld.idx.msk [tilespmem:v14+s4+$0x0], $0xffff  }
0x21c: {  	v3 =	vadd.s32 s22, v3;
	v14 =	vld.idx.msk [tilespmem:v15+s4+$0x0], $0xffff  }
0x21d: {  	v15 =	vld.idx.msk [tilespmem:v16+s4+$0x0], $0xffff;
	v1 =	vadd.s32 s22, v1  }
0x21e: {  	v2 =	vadd.s32 s22, v2;
	v6 =	vld.idx.msk [tilespmem:v6+s4+$0x0], $0xffff  }
0x21f: {  	v0 =	vadd.s32 s22, v0;
	v5 =	vld.idx.msk [tilespmem:v5+s4+$0x0], $0xffff  }
0x220: {  	v4 =	vld.idx.msk [tilespmem:v4+s4+$0x0], $0xffff  }
0x221: {  	v3 =	vld.idx.msk [tilespmem:v3+s4+$0x0], $0xffff  }
0x222: {  	v1 =	vld.idx.msk [tilespmem:v1+s4+$0x0], $0xffff  }
0x223: {  	s20 =	sadd.s32 $0x100, s20;
	v2 =	vld.idx.msk [tilespmem:v2+s4+$0x0], $0xffff  }
0x224: {  	v0 =	vld.idx.msk [tilespmem:v0+s4+$0x0], $0xffff;
	[tilespmem:s20+$0xFFFFFF80] =	vst v15  }
0x225: {  	[tilespmem:s20+$0x0] =	vst v8  }
0x226: {  	[tilespmem:s20+$0x10] =	vst v9  }
0x227: {  	[tilespmem:s20+$0x20] =	vst v10  }
0x228: {  	[tilespmem:s20+$0x30] =	vst v11  }
0x229: {  	[tilespmem:s20+$0x40] =	vst v7  }
0x22a: {  	[tilespmem:s20+$0x50] =	vst v12  }
0x22b: {  	[tilespmem:s20+$0x60] =	vst v13  }
0x22c: {  	[tilespmem:s20+$0x70] =	vst v14  }
0x22d: {  	[tilespmem:s20+$0xFFFFFFF0] =	vst v6  }
0x22e: {  	[tilespmem:s20+$0xFFFFFF90] =	vst v5  }
0x22f: {  	[tilespmem:s20+$0xFFFFFFA0] =	vst v4  }
0x230: {  	[tilespmem:s20+$0xFFFFFFB0] =	vst v3  }
0x231: {  	[tilespmem:s20+$0xFFFFFFC0] =	vst v1  }
0x232: {  	[tilespmem:s20+$0xFFFFFFD0] =	vst v2  }
0x233: {  	s19 =	sadd.s32 s8, s19;
	s30 =	simm.s32 $0x400;
	[tilespmem:s20+$0xFFFFFFE0] =	vst v0  }
0x234: {  	[hbm4b:s19+s30] =	stream.strided.scatter [tilespmem:s13], [sflag:$0x1], $0x3000, s12, s30, $0x38;
	[tilespmem:$0x1E400] =	vst v63  }
0x235: {  	_ =	swait.ge [sflag:s16], $0x3000  }
0x236: {  	[sflag:s16] =	ssyncset.done $0x0  }
0x237: {  	[sflag:s16] =	ssyncadd.s32 $0xFFFFD000  }
0x238: {  	v6 =	vld [tilespmem:$0x18280]  }
0x239: {  	v5 =	vld [tilespmem:$0x18290]  }
0x23a: {  	v4 =	vld [tilespmem:$0x182A0]  }
0x23b: {  	v3 =	vld [tilespmem:$0x182B0]  }
0x23c: {  	v1 =	vld [tilespmem:$0x182C0]  }
0x23d: {  	v2 =	vld [tilespmem:$0x182D0];
	v8 =	vadd.s32 s30, v6  }
0x23e: {  	v0 =	vld [tilespmem:$0x182E0];
	v9 =	vadd.s32 s30, v5  }
0x23f: {  	v7 =	vld [tilespmem:$0x182F0];
	v10 =	vadd.s32 s30, v4  }
0x240: {  	v11 =	vadd.s32 s30, v3  }
0x241: {  	v12 =	vadd.s32 s30, v1  }
0x242: {  	v13 =	vadd.s32 s30, v2;
	v8 =	vld.idx.msk [tilespmem:v8+s4+$0x0], $0xffff  }
0x243: {  	v14 =	vadd.s32 s30, v0;
	v9 =	vld.idx.msk [tilespmem:v9+s4+$0x0], $0xffff  }
0x244: {  	s21 =	simm.s32 $0x0;
	v15 =	vadd.s32 s30, v7;
	v10 =	vld.idx.msk [tilespmem:v10+s4+$0x0], $0xffff  }
0x245: {  	v16 =	vadd.s32 s21, v6;
	v11 =	vld.idx.msk [tilespmem:v11+s4+$0x0], $0xffff  }
0x246: {  	v17 =	vadd.s32 s21, v7;
	v12 =	vld.idx.msk [tilespmem:v12+s4+$0x0], $0xffff  }
0x247: {  	v18 =	vadd.s32 s21, v5;
	v13 =	vld.idx.msk [tilespmem:v13+s4+$0x0], $0xffff  }
0x248: {  	v19 =	vadd.s32 s21, v4;
	v14 =	vld.idx.msk [tilespmem:v14+s4+$0x0], $0xffff  }
0x249: {  	v20 =	vadd.s32 s21, v3;
	v15 =	vld.idx.msk [tilespmem:v15+s4+$0x0], $0xffff  }
0x24a: {  	v21 =	vadd.s32 s21, v1;
	v16 =	vld.idx.msk [tilespmem:v16+s4+$0x0], $0xffff  }
0x24b: {  	v22 =	vadd.s32 s21, v2;
	v17 =	vld.idx.msk [tilespmem:v17+s4+$0x0], $0xffff  }
0x24c: {  	v23 =	vadd.s32 s21, v0;
	v18 =	vld.idx.msk [tilespmem:v18+s4+$0x0], $0xffff  }
0x24d: {  	v19 =	vld.idx.msk [tilespmem:v19+s4+$0x0], $0xffff  }
0x24e: {  	v20 =	vld.idx.msk [tilespmem:v20+s4+$0x0], $0xffff  }
0x24f: {  	v21 =	vld.idx.msk [tilespmem:v21+s4+$0x0], $0xffff  }
0x250: {  	s20 =	simm.s32 $0x1B4F0;
	v22 =	vld.idx.msk [tilespmem:v22+s4+$0x0], $0xffff  }
0x251: {  	v23 =	vld.idx.msk [tilespmem:v23+s4+$0x0], $0xffff;
	[tilespmem:s20+$0xFFFFFF80] =	vst v17  }
0x252: {  	[tilespmem:s20+$0xFFFFFF10] =	vst v16  }
0x253: {  	[tilespmem:s20+$0xFFFFFF20] =	vst v18  }
0x254: {  	[tilespmem:s20+$0xFFFFFF30] =	vst v19  }
0x255: {  	[tilespmem:s20+$0xFFFFFF40] =	vst v20  }
0x256: {  	[tilespmem:s20+$0xFFFFFF50] =	vst v21  }
0x257: {  	[tilespmem:s20+$0xFFFFFF60] =	vst v22  }
0x258: {  	[tilespmem:s20+$0xFFFFFF70] =	vst v23  }
0x259: {  	[tilespmem:s20+$0xFFFFFF90] =	vst v8  }
0x25a: {  	[tilespmem:s20+$0xFFFFFFA0] =	vst v9  }
0x25b: {  	s31 =	simm.s32 $0xC00;
	[tilespmem:s20+$0xFFFFFFB0] =	vst v10  }
0x25c: {  	v8 =	vadd.s32 s31, v6;
	[tilespmem:s20+$0xFFFFFFC0] =	vst v11  }
0x25d: {  	v9 =	vadd.s32 s31, v5;
	[tilespmem:s20+$0xFFFFFFD0] =	vst v12  }
0x25e: {  	v10 =	vadd.s32 s31, v4;
	[tilespmem:s20+$0xFFFFFFE0] =	vst v13  }
0x25f: {  	v11 =	vadd.s32 s31, v3;
	[tilespmem:s20+$0xFFFFFFF0] =	vst v14  }
0x260: {  	[tilespmem:s20+$0x0] =	vst v15;
	v12 =	vadd.s32 s31, v1  }
0x261: {  	v13 =	vadd.s32 s31, v2;
	v8 =	vld.idx.msk [tilespmem:v8+s4+$0x0], $0xffff  }
0x262: {  	v14 =	vadd.s32 s31, v0;
	v9 =	vld.idx.msk [tilespmem:v9+s4+$0x0], $0xffff  }
0x263: {  	s22 =	simm.s32 $0x800;
	v15 =	vadd.s32 s31, v7;
	v10 =	vld.idx.msk [tilespmem:v10+s4+$0x0], $0xffff  }
0x264: {  	s21 =	simm.s32 $0x1400;
	v16 =	vadd.s32 s22, v6;
	v11 =	vld.idx.msk [tilespmem:v11+s4+$0x0], $0xffff  }
.LBB2_13:
0x265: {  	p0 =	sne.s32 s21, $0x17C00;
	v17 =	vadd.s32 s22, v7;
	v12 =	vld.idx.msk [tilespmem:v12+s4+$0x0], $0xffff  }
0x266: {  	v18 =	vadd.s32 s22, v5;
	v13 =	vld.idx.msk [tilespmem:v13+s4+$0x0], $0xffff  }
0x267: {  	v19 =	vadd.s32 s22, v4;
	v14 =	vld.idx.msk [tilespmem:v14+s4+$0x0], $0xffff  }
0x268: {  	v20 =	vadd.s32 s22, v3;
	v15 =	vld.idx.msk [tilespmem:v15+s4+$0x0], $0xffff  }
0x269: {  	v21 =	vadd.s32 s22, v1;
	v16 =	vld.idx.msk [tilespmem:v16+s4+$0x0], $0xffff  }
0x26a: {  	v22 =	vadd.s32 s22, v2;
	v17 =	vld.idx.msk [tilespmem:v17+s4+$0x0], $0xffff  }
0x26b: {  	v23 =	vadd.s32 s22, v0;
	v18 =	vld.idx.msk [tilespmem:v18+s4+$0x0], $0xffff  }
0x26c: {  	v19 =	vld.idx.msk [tilespmem:v19+s4+$0x0], $0xffff  }
0x26d: {  	v20 =	vld.idx.msk [tilespmem:v20+s4+$0x0], $0xffff  }
0x26e: {  	v21 =	vld.idx.msk [tilespmem:v21+s4+$0x0], $0xffff  }
0x26f: {  	s20 =	sadd.s32 $0x100, s20;
	v22 =	vld.idx.msk [tilespmem:v22+s4+$0x0], $0xffff  }
0x270: {  	v23 =	vld.idx.msk [tilespmem:v23+s4+$0x0], $0xffff;
	[tilespmem:s20+$0xFFFFFF80] =	vst v17  }
0x271: {  	[tilespmem:s20+$0xFFFFFF10] =	vst v16  }
0x272: {  	[tilespmem:s20+$0xFFFFFF20] =	vst v18  }
0x273: {  	[tilespmem:s20+$0xFFFFFF30] =	vst v19  }
0x274: {  	[tilespmem:s20+$0xFFFFFF40] =	vst v20  }
0x275: {  	[tilespmem:s20+$0xFFFFFF50] =	vst v21  }
0x276: {  	[tilespmem:s20+$0xFFFFFF60] =	vst v22  }
0x277: {  	[tilespmem:s20+$0xFFFFFF70] =	vst v23  }
0x278: {  	[tilespmem:s20+$0xFFFFFF90] =	vst v8  }
0x279: {  	[tilespmem:s20+$0xFFFFFFA0] =	vst v9  }
0x27a: {  	[tilespmem:s20+$0xFFFFFFB0] =	vst v10  }
0x27b: {  	v8 =	vadd.s32 s21, v6;
	[tilespmem:s20+$0xFFFFFFC0] =	vst v11  }
0x27c: {  	v9 =	vadd.s32 s21, v5;
	[tilespmem:s20+$0xFFFFFFD0] =	vst v12  }
0x27d: {  	v10 =	vadd.s32 s21, v4;
	[tilespmem:s20+$0xFFFFFFE0] =	vst v13  }
0x27e: {  	v11 =	vadd.s32 s21, v3;
	[tilespmem:s20+$0xFFFFFFF0] =	vst v14  }
.Ltmp5:
0x27f: {  	v12 =	vadd.s32 s21, v1;
	[tilespmem:s20+$0x0] =	vst v15;
	(pc) =	sbr.rel @p0 .LBB2_13-.Ltmp5, $4  }
0x280: {  	v13 =	vadd.s32 s21, v2;
	v8 =	vld.idx.msk [tilespmem:v8+s4+$0x0], $0xffff  }
0x281: {  	v14 =	vadd.s32 s21, v0;
	v9 =	vld.idx.msk [tilespmem:v9+s4+$0x0], $0xffff  }
0x282: {  	s22 =	sadd.s32 $0xFFFFFC00, s21;
	v15 =	vadd.s32 s21, v7;
	v10 =	vld.idx.msk [tilespmem:v10+s4+$0x0], $0xffff  }
0x283: {  	v16 =	vadd.s32 s22, v6;
	s21 =	sadd.s32 $0x800, s21;
	v11 =	vld.idx.msk [tilespmem:v11+s4+$0x0], $0xffff  }
0x284: {  	_ =	sdelay $0x3  }
0x285: {  	v6 =	vadd.s32 s22, v7;
	v7 =	vld.idx.msk [tilespmem:v12+s4+$0x0], $0xffff  }
0x286: {  	v5 =	vadd.s32 s22, v5;
	v12 =	vld.idx.msk [tilespmem:v13+s4+$0x0], $0xffff  }
0x287: {  	v4 =	vadd.s32 s22, v4;
	v13 =	vld.idx.msk [tilespmem:v14+s4+$0x0], $0xffff  }
0x288: {  	v3 =	vadd.s32 s22, v3;
	v14 =	vld.idx.msk [tilespmem:v15+s4+$0x0], $0xffff  }
0x289: {  	v15 =	vld.idx.msk [tilespmem:v16+s4+$0x0], $0xffff;
	v1 =	vadd.s32 s22, v1  }
0x28a: {  	v2 =	vadd.s32 s22, v2;
	v6 =	vld.idx.msk [tilespmem:v6+s4+$0x0], $0xffff  }
0x28b: {  	v0 =	vadd.s32 s22, v0;
	v5 =	vld.idx.msk [tilespmem:v5+s4+$0x0], $0xffff  }
0x28c: {  	v4 =	vld.idx.msk [tilespmem:v4+s4+$0x0], $0xffff  }
0x28d: {  	v3 =	vld.idx.msk [tilespmem:v3+s4+$0x0], $0xffff  }
0x28e: {  	v1 =	vld.idx.msk [tilespmem:v1+s4+$0x0], $0xffff  }
0x28f: {  	s20 =	sadd.s32 $0x100, s20;
	v2 =	vld.idx.msk [tilespmem:v2+s4+$0x0], $0xffff  }
0x290: {  	v0 =	vld.idx.msk [tilespmem:v0+s4+$0x0], $0xffff;
	[tilespmem:s20+$0xFFFFFF10] =	vst v15  }
0x291: {  	[tilespmem:s20+$0xFFFFFF90] =	vst v8  }
0x292: {  	[tilespmem:s20+$0xFFFFFFA0] =	vst v9  }
0x293: {  	[tilespmem:s20+$0xFFFFFFB0] =	vst v10  }
0x294: {  	[tilespmem:s20+$0xFFFFFFC0] =	vst v11  }
0x295: {  	[tilespmem:s20+$0xFFFFFFD0] =	vst v7  }
0x296: {  	[tilespmem:s20+$0xFFFFFFE0] =	vst v12  }
0x297: {  	[tilespmem:s20+$0xFFFFFFF0] =	vst v13  }
0x298: {  	[tilespmem:s20+$0x0] =	vst v14  }
0x299: {  	[tilespmem:s20+$0xFFFFFF80] =	vst v6  }
0x29a: {  	[tilespmem:s20+$0xFFFFFF20] =	vst v5  }
0x29b: {  	[tilespmem:s20+$0xFFFFFF30] =	vst v4  }
0x29c: {  	[tilespmem:s20+$0xFFFFFF40] =	vst v3  }
0x29d: {  	[tilespmem:s20+$0xFFFFFF50] =	vst v1  }
0x29e: {  	[tilespmem:s20+$0xFFFFFF60] =	vst v2  }
0x29f: {  	s29 =	sadd.s32 $0x80, s19;
	s21 =	simm.s32 $0x400;
	[tilespmem:s20+$0xFFFFFF70] =	vst v0  }
0x2a0: {  	[hbm4b:s29+s21] =	stream.strided.scatter [tilespmem:s14], [sflag:$0x2], $0x3000, s12, s21, $0x38;
	[tilespmem:$0x1E400] =	vst v63  }
0x2a1: {  	_ =	swait.ge [sflag:s15], $0x3000  }
0x2a2: {  	[sflag:s15] =	ssyncset.done $0x0  }
0x2a3: {  	[sflag:s15] =	ssyncadd.s32 $0xFFFFD000  }
0x2a4: {  	v6 =	vld [tilespmem:$0x18300]  }
0x2a5: {  	v5 =	vld [tilespmem:$0x18310]  }
0x2a6: {  	v4 =	vld [tilespmem:$0x18320]  }
0x2a7: {  	v3 =	vld [tilespmem:$0x18330]  }
0x2a8: {  	v1 =	vld [tilespmem:$0x18340]  }
0x2a9: {  	v2 =	vld [tilespmem:$0x18350];
	v8 =	vadd.s32 s21, v6  }
0x2aa: {  	v0 =	vld [tilespmem:$0x18360];
	v9 =	vadd.s32 s21, v5  }
0x2ab: {  	v7 =	vld [tilespmem:$0x18370];
	v10 =	vadd.s32 s21, v4  }
0x2ac: {  	v11 =	vadd.s32 s21, v3  }
0x2ad: {  	v12 =	vadd.s32 s21, v1  }
0x2ae: {  	v13 =	vadd.s32 s21, v2;
	v8 =	vld.idx.msk [tilespmem:v8+s4+$0x0], $0xffff  }
0x2af: {  	v14 =	vadd.s32 s21, v0;
	v9 =	vld.idx.msk [tilespmem:v9+s4+$0x0], $0xffff  }
0x2b0: {  	s30 =	simm.s32 $0x0;
	v15 =	vadd.s32 s21, v7;
	v10 =	vld.idx.msk [tilespmem:v10+s4+$0x0], $0xffff  }
0x2b1: {  	v16 =	vadd.s32 s30, v6;
	v11 =	vld.idx.msk [tilespmem:v11+s4+$0x0], $0xffff  }
0x2b2: {  	v17 =	vadd.s32 s30, v7;
	v12 =	vld.idx.msk [tilespmem:v12+s4+$0x0], $0xffff  }
0x2b3: {  	v18 =	vadd.s32 s30, v5;
	v13 =	vld.idx.msk [tilespmem:v13+s4+$0x0], $0xffff  }
0x2b4: {  	v19 =	vadd.s32 s30, v4;
	v14 =	vld.idx.msk [tilespmem:v14+s4+$0x0], $0xffff  }
0x2b5: {  	v20 =	vadd.s32 s30, v3;
	v15 =	vld.idx.msk [tilespmem:v15+s4+$0x0], $0xffff  }
0x2b6: {  	v21 =	vadd.s32 s30, v1;
	v16 =	vld.idx.msk [tilespmem:v16+s4+$0x0], $0xffff  }
0x2b7: {  	v22 =	vadd.s32 s30, v2;
	v17 =	vld.idx.msk [tilespmem:v17+s4+$0x0], $0xffff  }
0x2b8: {  	v23 =	vadd.s32 s30, v0;
	v18 =	vld.idx.msk [tilespmem:v18+s4+$0x0], $0xffff  }
0x2b9: {  	v19 =	vld.idx.msk [tilespmem:v19+s4+$0x0], $0xffff  }
0x2ba: {  	v20 =	vld.idx.msk [tilespmem:v20+s4+$0x0], $0xffff  }
0x2bb: {  	v21 =	vld.idx.msk [tilespmem:v21+s4+$0x0], $0xffff  }
0x2bc: {  	s20 =	simm.s32 $0x18480;
	v22 =	vld.idx.msk [tilespmem:v22+s4+$0x0], $0xffff  }
0x2bd: {  	v23 =	vld.idx.msk [tilespmem:v23+s4+$0x0], $0xffff;
	[tilespmem:s20+$0xFFFFFFF0] =	vst v17  }
0x2be: {  	[tilespmem:s20+$0xFFFFFF80] =	vst v16  }
0x2bf: {  	[tilespmem:s20+$0xFFFFFF90] =	vst v18  }
0x2c0: {  	[tilespmem:s20+$0xFFFFFFA0] =	vst v19  }
0x2c1: {  	[tilespmem:s20+$0xFFFFFFB0] =	vst v20  }
0x2c2: {  	[tilespmem:s20+$0xFFFFFFC0] =	vst v21  }
0x2c3: {  	[tilespmem:s20+$0xFFFFFFD0] =	vst v22  }
0x2c4: {  	[tilespmem:s20+$0xFFFFFFE0] =	vst v23  }
0x2c5: {  	[tilespmem:s20+$0x0] =	vst v8  }
0x2c6: {  	[tilespmem:s20+$0x10] =	vst v9  }
0x2c7: {  	s31 =	simm.s32 $0xC00;
	[tilespmem:s20+$0x20] =	vst v10  }
0x2c8: {  	v8 =	vadd.s32 s31, v6;
	[tilespmem:s20+$0x30] =	vst v11  }
0x2c9: {  	v9 =	vadd.s32 s31, v5;
	[tilespmem:s20+$0x40] =	vst v12  }
0x2ca: {  	v10 =	vadd.s32 s31, v4;
	[tilespmem:s20+$0x50] =	vst v13  }
0x2cb: {  	v11 =	vadd.s32 s31, v3;
	[tilespmem:s20+$0x60] =	vst v14  }
0x2cc: {  	[tilespmem:s20+$0x70] =	vst v15;
	v12 =	vadd.s32 s31, v1  }
0x2cd: {  	v13 =	vadd.s32 s31, v2;
	v8 =	vld.idx.msk [tilespmem:v8+s4+$0x0], $0xffff  }
0x2ce: {  	v14 =	vadd.s32 s31, v0;
	v9 =	vld.idx.msk [tilespmem:v9+s4+$0x0], $0xffff  }
0x2cf: {  	s22 =	simm.s32 $0x800;
	v15 =	vadd.s32 s31, v7;
	v10 =	vld.idx.msk [tilespmem:v10+s4+$0x0], $0xffff  }
0x2d0: {  	s21 =	simm.s32 $0x1400;
	v16 =	vadd.s32 s22, v6;
	v11 =	vld.idx.msk [tilespmem:v11+s4+$0x0], $0xffff  }
.LBB2_15:
0x2d1: {  	p0 =	sne.s32 s21, $0x17C00;
	v17 =	vadd.s32 s22, v7;
	v12 =	vld.idx.msk [tilespmem:v12+s4+$0x0], $0xffff  }
0x2d2: {  	v18 =	vadd.s32 s22, v5;
	v13 =	vld.idx.msk [tilespmem:v13+s4+$0x0], $0xffff  }
0x2d3: {  	v19 =	vadd.s32 s22, v4;
	v14 =	vld.idx.msk [tilespmem:v14+s4+$0x0], $0xffff  }
0x2d4: {  	v20 =	vadd.s32 s22, v3;
	v15 =	vld.idx.msk [tilespmem:v15+s4+$0x0], $0xffff  }
0x2d5: {  	v21 =	vadd.s32 s22, v1;
	v16 =	vld.idx.msk [tilespmem:v16+s4+$0x0], $0xffff  }
0x2d6: {  	v22 =	vadd.s32 s22, v2;
	v17 =	vld.idx.msk [tilespmem:v17+s4+$0x0], $0xffff  }
0x2d7: {  	v23 =	vadd.s32 s22, v0;
	v18 =	vld.idx.msk [tilespmem:v18+s4+$0x0], $0xffff  }
0x2d8: {  	v19 =	vld.idx.msk [tilespmem:v19+s4+$0x0], $0xffff  }
0x2d9: {  	v20 =	vld.idx.msk [tilespmem:v20+s4+$0x0], $0xffff  }
0x2da: {  	v21 =	vld.idx.msk [tilespmem:v21+s4+$0x0], $0xffff  }
0x2db: {  	s20 =	sadd.s32 $0x100, s20;
	v22 =	vld.idx.msk [tilespmem:v22+s4+$0x0], $0xffff  }
0x2dc: {  	v23 =	vld.idx.msk [tilespmem:v23+s4+$0x0], $0xffff;
	[tilespmem:s20+$0xFFFFFFF0] =	vst v17  }
0x2dd: {  	[tilespmem:s20+$0xFFFFFF80] =	vst v16  }
0x2de: {  	[tilespmem:s20+$0xFFFFFF90] =	vst v18  }
0x2df: {  	[tilespmem:s20+$0xFFFFFFA0] =	vst v19  }
0x2e0: {  	[tilespmem:s20+$0xFFFFFFB0] =	vst v20  }
0x2e1: {  	[tilespmem:s20+$0xFFFFFFC0] =	vst v21  }
0x2e2: {  	[tilespmem:s20+$0xFFFFFFD0] =	vst v22  }
0x2e3: {  	[tilespmem:s20+$0xFFFFFFE0] =	vst v23  }
0x2e4: {  	[tilespmem:s20+$0x0] =	vst v8  }
0x2e5: {  	[tilespmem:s20+$0x10] =	vst v9  }
0x2e6: {  	[tilespmem:s20+$0x20] =	vst v10  }
0x2e7: {  	v8 =	vadd.s32 s21, v6;
	[tilespmem:s20+$0x30] =	vst v11  }
0x2e8: {  	v9 =	vadd.s32 s21, v5;
	[tilespmem:s20+$0x40] =	vst v12  }
0x2e9: {  	v10 =	vadd.s32 s21, v4;
	[tilespmem:s20+$0x50] =	vst v13  }
0x2ea: {  	v11 =	vadd.s32 s21, v3;
	[tilespmem:s20+$0x60] =	vst v14  }
.Ltmp6:
0x2eb: {  	v12 =	vadd.s32 s21, v1;
	[tilespmem:s20+$0x70] =	vst v15;
	(pc) =	sbr.rel @p0 .LBB2_15-.Ltmp6, $4  }
0x2ec: {  	v13 =	vadd.s32 s21, v2;
	v8 =	vld.idx.msk [tilespmem:v8+s4+$0x0], $0xffff  }
0x2ed: {  	v14 =	vadd.s32 s21, v0;
	v9 =	vld.idx.msk [tilespmem:v9+s4+$0x0], $0xffff  }
0x2ee: {  	s22 =	sadd.s32 $0xFFFFFC00, s21;
	v15 =	vadd.s32 s21, v7;
	v10 =	vld.idx.msk [tilespmem:v10+s4+$0x0], $0xffff  }
0x2ef: {  	v16 =	vadd.s32 s22, v6;
	s21 =	sadd.s32 $0x800, s21;
	v11 =	vld.idx.msk [tilespmem:v11+s4+$0x0], $0xffff  }
0x2f0: {  	_ =	sdelay $0x3  }
0x2f1: {  	v6 =	vadd.s32 s22, v7;
	v7 =	vld.idx.msk [tilespmem:v12+s4+$0x0], $0xffff  }
0x2f2: {  	v5 =	vadd.s32 s22, v5;
	v12 =	vld.idx.msk [tilespmem:v13+s4+$0x0], $0xffff  }
0x2f3: {  	v4 =	vadd.s32 s22, v4;
	v13 =	vld.idx.msk [tilespmem:v14+s4+$0x0], $0xffff  }
0x2f4: {  	v3 =	vadd.s32 s22, v3;
	v14 =	vld.idx.msk [tilespmem:v15+s4+$0x0], $0xffff  }
0x2f5: {  	v15 =	vld.idx.msk [tilespmem:v16+s4+$0x0], $0xffff;
	v1 =	vadd.s32 s22, v1  }
0x2f6: {  	v2 =	vadd.s32 s22, v2;
	v6 =	vld.idx.msk [tilespmem:v6+s4+$0x0], $0xffff  }
0x2f7: {  	v0 =	vadd.s32 s22, v0;
	v5 =	vld.idx.msk [tilespmem:v5+s4+$0x0], $0xffff  }
0x2f8: {  	v4 =	vld.idx.msk [tilespmem:v4+s4+$0x0], $0xffff  }
0x2f9: {  	v3 =	vld.idx.msk [tilespmem:v3+s4+$0x0], $0xffff  }
0x2fa: {  	v1 =	vld.idx.msk [tilespmem:v1+s4+$0x0], $0xffff  }
0x2fb: {  	s20 =	sadd.s32 $0x100, s20;
	v2 =	vld.idx.msk [tilespmem:v2+s4+$0x0], $0xffff  }
0x2fc: {  	v0 =	vld.idx.msk [tilespmem:v0+s4+$0x0], $0xffff;
	[tilespmem:s20+$0xFFFFFF80] =	vst v15  }
0x2fd: {  	[tilespmem:s20+$0x0] =	vst v8  }
0x2fe: {  	[tilespmem:s20+$0x10] =	vst v9  }
0x2ff: {  	[tilespmem:s20+$0x20] =	vst v10  }
0x300: {  	[tilespmem:s20+$0x30] =	vst v11  }
0x301: {  	[tilespmem:s20+$0x40] =	vst v7  }
0x302: {  	[tilespmem:s20+$0x50] =	vst v12  }
0x303: {  	[tilespmem:s20+$0x60] =	vst v13  }
0x304: {  	[tilespmem:s20+$0x70] =	vst v14  }
0x305: {  	[tilespmem:s20+$0xFFFFFFF0] =	vst v6  }
0x306: {  	[tilespmem:s20+$0xFFFFFF90] =	vst v5  }
0x307: {  	[tilespmem:s20+$0xFFFFFFA0] =	vst v4  }
0x308: {  	[tilespmem:s20+$0xFFFFFFB0] =	vst v3  }
0x309: {  	[tilespmem:s20+$0xFFFFFFC0] =	vst v1  }
0x30a: {  	[tilespmem:s20+$0xFFFFFFD0] =	vst v2  }
0x30b: {  	s29 =	sadd.s32 $0x100, s19;
	s21 =	simm.s32 $0x400;
	[tilespmem:s20+$0xFFFFFFE0] =	vst v0  }
0x30c: {  	[hbm4b:s29+s21] =	stream.strided.scatter [tilespmem:s13], [sflag:$0x1], $0x3000, s12, s21, $0x38;
	[tilespmem:$0x1E400] =	vst v63  }
0x30d: {  	_ =	swait.ge [sflag:s16], $0x3000  }
0x30e: {  	[sflag:s16] =	ssyncset.done $0x0  }
0x30f: {  	[sflag:s16] =	ssyncadd.s32 $0xFFFFD000  }
0x310: {  	v6 =	vld [tilespmem:$0x18380]  }
0x311: {  	v5 =	vld [tilespmem:$0x18390]  }
0x312: {  	v4 =	vld [tilespmem:$0x183A0]  }
0x313: {  	v3 =	vld [tilespmem:$0x183B0]  }
0x314: {  	v1 =	vld [tilespmem:$0x183C0]  }
0x315: {  	v2 =	vld [tilespmem:$0x183D0];
	v8 =	vadd.s32 s21, v6  }
0x316: {  	v0 =	vld [tilespmem:$0x183E0];
	v9 =	vadd.s32 s21, v5  }
0x317: {  	v7 =	vld [tilespmem:$0x183F0];
	v10 =	vadd.s32 s21, v4  }
0x318: {  	v11 =	vadd.s32 s21, v3  }
0x319: {  	v12 =	vadd.s32 s21, v1  }
0x31a: {  	v13 =	vadd.s32 s21, v2;
	v8 =	vld.idx.msk [tilespmem:v8+s4+$0x0], $0xffff  }
0x31b: {  	v14 =	vadd.s32 s21, v0;
	v9 =	vld.idx.msk [tilespmem:v9+s4+$0x0], $0xffff  }
0x31c: {  	s30 =	simm.s32 $0x0;
	v15 =	vadd.s32 s21, v7;
	v10 =	vld.idx.msk [tilespmem:v10+s4+$0x0], $0xffff  }
0x31d: {  	v16 =	vadd.s32 s30, v6;
	v11 =	vld.idx.msk [tilespmem:v11+s4+$0x0], $0xffff  }
0x31e: {  	v17 =	vadd.s32 s30, v7;
	v12 =	vld.idx.msk [tilespmem:v12+s4+$0x0], $0xffff  }
0x31f: {  	v18 =	vadd.s32 s30, v5;
	v13 =	vld.idx.msk [tilespmem:v13+s4+$0x0], $0xffff  }
0x320: {  	v19 =	vadd.s32 s30, v4;
	v14 =	vld.idx.msk [tilespmem:v14+s4+$0x0], $0xffff  }
0x321: {  	v20 =	vadd.s32 s30, v3;
	v15 =	vld.idx.msk [tilespmem:v15+s4+$0x0], $0xffff  }
0x322: {  	v21 =	vadd.s32 s30, v1;
	v16 =	vld.idx.msk [tilespmem:v16+s4+$0x0], $0xffff  }
0x323: {  	v22 =	vadd.s32 s30, v2;
	v17 =	vld.idx.msk [tilespmem:v17+s4+$0x0], $0xffff  }
0x324: {  	v23 =	vadd.s32 s30, v0;
	v18 =	vld.idx.msk [tilespmem:v18+s4+$0x0], $0xffff  }
0x325: {  	v19 =	vld.idx.msk [tilespmem:v19+s4+$0x0], $0xffff  }
0x326: {  	v20 =	vld.idx.msk [tilespmem:v20+s4+$0x0], $0xffff  }
0x327: {  	v21 =	vld.idx.msk [tilespmem:v21+s4+$0x0], $0xffff  }
0x328: {  	s20 =	simm.s32 $0x1B4F0;
	v22 =	vld.idx.msk [tilespmem:v22+s4+$0x0], $0xffff  }
0x329: {  	v23 =	vld.idx.msk [tilespmem:v23+s4+$0x0], $0xffff;
	[tilespmem:s20+$0xFFFFFF80] =	vst v17  }
0x32a: {  	[tilespmem:s20+$0xFFFFFF10] =	vst v16  }
0x32b: {  	[tilespmem:s20+$0xFFFFFF20] =	vst v18  }
0x32c: {  	[tilespmem:s20+$0xFFFFFF30] =	vst v19  }
0x32d: {  	[tilespmem:s20+$0xFFFFFF40] =	vst v20  }
0x32e: {  	[tilespmem:s20+$0xFFFFFF50] =	vst v21  }
0x32f: {  	[tilespmem:s20+$0xFFFFFF60] =	vst v22  }
0x330: {  	[tilespmem:s20+$0xFFFFFF70] =	vst v23  }
0x331: {  	[tilespmem:s20+$0xFFFFFF90] =	vst v8  }
0x332: {  	[tilespmem:s20+$0xFFFFFFA0] =	vst v9  }
0x333: {  	s31 =	simm.s32 $0xC00;
	[tilespmem:s20+$0xFFFFFFB0] =	vst v10  }
0x334: {  	v8 =	vadd.s32 s31, v6;
	[tilespmem:s20+$0xFFFFFFC0] =	vst v11  }
0x335: {  	v9 =	vadd.s32 s31, v5;
	[tilespmem:s20+$0xFFFFFFD0] =	vst v12  }
0x336: {  	v10 =	vadd.s32 s31, v4;
	[tilespmem:s20+$0xFFFFFFE0] =	vst v13  }
0x337: {  	v11 =	vadd.s32 s31, v3;
	[tilespmem:s20+$0xFFFFFFF0] =	vst v14  }
0x338: {  	[tilespmem:s20+$0x0] =	vst v15;
	v12 =	vadd.s32 s31, v1  }
0x339: {  	v13 =	vadd.s32 s31, v2;
	v8 =	vld.idx.msk [tilespmem:v8+s4+$0x0], $0xffff  }
0x33a: {  	v14 =	vadd.s32 s31, v0;
	v9 =	vld.idx.msk [tilespmem:v9+s4+$0x0], $0xffff  }
0x33b: {  	s22 =	simm.s32 $0x800;
	v15 =	vadd.s32 s31, v7;
	v10 =	vld.idx.msk [tilespmem:v10+s4+$0x0], $0xffff  }
0x33c: {  	s21 =	simm.s32 $0x1400;
	v16 =	vadd.s32 s22, v6;
	v11 =	vld.idx.msk [tilespmem:v11+s4+$0x0], $0xffff  }
.LBB2_17:
0x33d: {  	p0 =	sne.s32 s21, $0x17C00;
	v17 =	vadd.s32 s22, v7;
	v12 =	vld.idx.msk [tilespmem:v12+s4+$0x0], $0xffff  }
0x33e: {  	v18 =	vadd.s32 s22, v5;
	v13 =	vld.idx.msk [tilespmem:v13+s4+$0x0], $0xffff  }
0x33f: {  	v19 =	vadd.s32 s22, v4;
	v14 =	vld.idx.msk [tilespmem:v14+s4+$0x0], $0xffff  }
0x340: {  	v20 =	vadd.s32 s22, v3;
	v15 =	vld.idx.msk [tilespmem:v15+s4+$0x0], $0xffff  }
0x341: {  	v21 =	vadd.s32 s22, v1;
	v16 =	vld.idx.msk [tilespmem:v16+s4+$0x0], $0xffff  }
0x342: {  	v22 =	vadd.s32 s22, v2;
	v17 =	vld.idx.msk [tilespmem:v17+s4+$0x0], $0xffff  }
0x343: {  	v23 =	vadd.s32 s22, v0;
	v18 =	vld.idx.msk [tilespmem:v18+s4+$0x0], $0xffff  }
0x344: {  	v19 =	vld.idx.msk [tilespmem:v19+s4+$0x0], $0xffff  }
0x345: {  	v20 =	vld.idx.msk [tilespmem:v20+s4+$0x0], $0xffff  }
0x346: {  	v21 =	vld.idx.msk [tilespmem:v21+s4+$0x0], $0xffff  }
0x347: {  	s20 =	sadd.s32 $0x100, s20;
	v22 =	vld.idx.msk [tilespmem:v22+s4+$0x0], $0xffff  }
0x348: {  	v23 =	vld.idx.msk [tilespmem:v23+s4+$0x0], $0xffff;
	[tilespmem:s20+$0xFFFFFF80] =	vst v17  }
0x349: {  	[tilespmem:s20+$0xFFFFFF10] =	vst v16  }
0x34a: {  	[tilespmem:s20+$0xFFFFFF20] =	vst v18  }
0x34b: {  	[tilespmem:s20+$0xFFFFFF30] =	vst v19  }
0x34c: {  	[tilespmem:s20+$0xFFFFFF40] =	vst v20  }
0x34d: {  	[tilespmem:s20+$0xFFFFFF50] =	vst v21  }
0x34e: {  	[tilespmem:s20+$0xFFFFFF60] =	vst v22  }
0x34f: {  	[tilespmem:s20+$0xFFFFFF70] =	vst v23  }
0x350: {  	[tilespmem:s20+$0xFFFFFF90] =	vst v8  }
0x351: {  	[tilespmem:s20+$0xFFFFFFA0] =	vst v9  }
0x352: {  	[tilespmem:s20+$0xFFFFFFB0] =	vst v10  }
0x353: {  	v8 =	vadd.s32 s21, v6;
	[tilespmem:s20+$0xFFFFFFC0] =	vst v11  }
0x354: {  	v9 =	vadd.s32 s21, v5;
	[tilespmem:s20+$0xFFFFFFD0] =	vst v12  }
0x355: {  	v10 =	vadd.s32 s21, v4;
	[tilespmem:s20+$0xFFFFFFE0] =	vst v13  }
0x356: {  	v11 =	vadd.s32 s21, v3;
	[tilespmem:s20+$0xFFFFFFF0] =	vst v14  }
.Ltmp7:
0x357: {  	v12 =	vadd.s32 s21, v1;
	[tilespmem:s20+$0x0] =	vst v15;
	(pc) =	sbr.rel @p0 .LBB2_17-.Ltmp7, $4  }
0x358: {  	v13 =	vadd.s32 s21, v2;
	v8 =	vld.idx.msk [tilespmem:v8+s4+$0x0], $0xffff  }
0x359: {  	v14 =	vadd.s32 s21, v0;
	v9 =	vld.idx.msk [tilespmem:v9+s4+$0x0], $0xffff  }
0x35a: {  	s22 =	sadd.s32 $0xFFFFFC00, s21;
	v15 =	vadd.s32 s21, v7;
	v10 =	vld.idx.msk [tilespmem:v10+s4+$0x0], $0xffff  }
0x35b: {  	v16 =	vadd.s32 s22, v6;
	s21 =	sadd.s32 $0x800, s21;
	v11 =	vld.idx.msk [tilespmem:v11+s4+$0x0], $0xffff  }
0x35c: {  	_ =	sdelay $0x3  }
0x35d: {  	v6 =	vadd.s32 s22, v7;
	v59 =	vld.idx.msk [tilespmem:v12+s4+$0x0], $0xffff  }
0x35e: {  	v5 =	vadd.s32 s22, v5;
	v60 =	vld.idx.msk [tilespmem:v13+s4+$0x0], $0xffff  }
0x35f: {  	v4 =	vadd.s32 s22, v4;
	v61 =	vld.idx.msk [tilespmem:v14+s4+$0x0], $0xffff  }
0x360: {  	v3 =	vadd.s32 s22, v3;
	v62 =	vld.idx.msk [tilespmem:v15+s4+$0x0], $0xffff  }
0x361: {  	v63 =	vld.idx.msk [tilespmem:v16+s4+$0x0], $0xffff;
	v1 =	vadd.s32 s22, v1  }
0x362: {  	v2 =	vadd.s32 s22, v2;
	v6 =	vld.idx.msk [tilespmem:v6+s4+$0x0], $0xffff  }
0x363: {  	v0 =	vadd.s32 s22, v0;
	v5 =	vld.idx.msk [tilespmem:v5+s4+$0x0], $0xffff  }
0x364: {  	v4 =	vld.idx.msk [tilespmem:v4+s4+$0x0], $0xffff  }
0x365: {  	v3 =	vld.idx.msk [tilespmem:v3+s4+$0x0], $0xffff  }
0x366: {  	v1 =	vld.idx.msk [tilespmem:v1+s4+$0x0], $0xffff  }
0x367: {  	s20 =	sadd.s32 $0x100, s20;
	v2 =	vld.idx.msk [tilespmem:v2+s4+$0x0], $0xffff  }
0x368: {  	v0 =	vld.idx.msk [tilespmem:v0+s4+$0x0], $0xffff;
	[tilespmem:s20+$0xFFFFFF10] =	vst v63  }
0x369: {  	[tilespmem:s20+$0xFFFFFF90] =	vst v8  }
0x36a: {  	[tilespmem:s20+$0xFFFFFFA0] =	vst v9  }
0x36b: {  	[tilespmem:s20+$0xFFFFFFB0] =	vst v10  }
0x36c: {  	[tilespmem:s20+$0xFFFFFFC0] =	vst v11  }
0x36d: {  	[tilespmem:s20+$0xFFFFFFD0] =	vst v59  }
0x36e: {  	[tilespmem:s20+$0xFFFFFFE0] =	vst v60  }
0x36f: {  	[tilespmem:s20+$0xFFFFFFF0] =	vst v61  }
0x370: {  	[tilespmem:s20+$0x0] =	vst v62  }
0x371: {  	[tilespmem:s20+$0xFFFFFF80] =	vst v6  }
0x372: {  	s18 =	sadd.s32 $0x1, s18;
	[tilespmem:s20+$0xFFFFFF20] =	vst v5  }
0x373: {  	p0 =	sne.s32 s18, $0x10;
	[tilespmem:s20+$0xFFFFFF30] =	vst v4  }
.Ltmp8:
0x374: {  	[tilespmem:s20+$0xFFFFFF40] =	vst v3;
	(pc) =	sbr.rel @p0 .LBB2_2-.Ltmp8, $4  }
0x375: {  	[tilespmem:s20+$0xFFFFFF50] =	vst v1  }
0x376: {  	[tilespmem:s20+$0xFFFFFF60] =	vst v2  }
0x377: {  	s19 =	sadd.s32 $0x180, s19;
	[tilespmem:s20+$0xFFFFFF70] =	vst v0  }
0x378: {  	[hbm4b:s19+s11] =	stream.strided.scatter [tilespmem:s14], [sflag:$0x2], $0x3000, s12, s11, $0x38;
	[tilespmem:$0x1E400] =	vst v63  }
0x379: {  	s17 =	sadd.s32 $0x1, s17  }
0x37a: {  	_ =	swait.ge [sflag:s15], $0x3000;
	p0 =	sne.s32 s17, s7  }
.Ltmp9:
0x37b: {  	[sflag:s15] =	ssyncset.done $0x0;
	(pc) =	sbr.rel @p0 .LBB2_1-.Ltmp9, $4  }
0x37c: {  	[sflag:s15] =	ssyncadd.s32 $0xFFFFD000  }
0x37d: {  	_ =	swait.ge [sflag:s16], $0x3000  }
0x37e: {  	[sflag:s16] =	ssyncset.done $0x0  }
0x37f: {  	[sflag:s16] =	ssyncadd.s32 $0xFFFFD000  }
0x380: {  	_ =	sfence.sel $0x180000  }
0x381: {  	[bflag:$0x0] =	sbarrier.arrive $0xFFFF  }
0x382: {  	p0 =	sne.s32 s2, $0x0;
	_ =	strace $0x90000047  }
0x383: {  	s0 =	sadd.s32 @!p0 $0x100000, s0;
	[bflag:$0x2] =	sbarrier.arrive $0xFFFF  }
0x384: {  	[sflag:s0] =	ssyncadd.tile.s32 @!p0 $0x1;
	_ =	shalt  }
.Lfunc_end2:
_tile_overlayer_lowered:
.L_overlay_start_2:
0x385: {  	(tag) =	ssettag $0x2  }
0x386: {  	s0 =	rddreg [dreg:$0x0];
	s2 =	stileid.u32  }
0x387: {  	s1 =	rddreg [dreg:$0x1];
	p0 =	sne.s32 s2, $0x0  }
0x388: {  	s3 =	rddreg [dreg:$0x2];
	[bflag:$0x3] =	sbarrier.arrive $0xFFFF;
	s2 =	simm.s32 @!p0 $0x1C03  }
0x389: {  	[timem:s3], [sflag:s2] =	dma.local @!p0 [hbm:s0], s1  }
0x38a: {  	s0 =	simm.s32 @!p0 $0x3  }
0x38b: {  	_ =	swait.ge @!p0 [sflag:s0], s1  }
0x38c: {  	s1 =	ssub.s32 @!p0 $0x0, s1;
	[sflag:s0] =	ssyncset.done @!p0 $0x0  }
0x38d: {  	[sflag:s0] =	ssyncadd.s32 @!p0 s1  }
0x38e: {  	[bflag:$0x3] =	sbarrier.arrive $0xFFFF  }
0x38f: {  	_ =	shalt  }

</sc_bundles>
